<compile_context>
chip_gen: v7x
topology: tpu7x:2x2x1
jax: 0.10.2.dev20260603
libtpu: 0.0.44.dev20260713+nightly
codegen_flags: <defaults>
</compile_context>

<pallas_src>
import functools

import jax
import jax.numpy as jnp
from jax import lax
from jax.experimental import pallas as pl
from jax.experimental.pallas import tpu as pltpu
from jax.experimental.pallas import tpu_sc as plsc

F32 = jnp.float32
_NC = 2
_NS = 16
_NW = _NC * _NS
_CH = 96
_NBUF = 3
_NPLANE = 6


def _dims(N, E):
    nch = -(-E // (_NW * _CH))
    nch = -(-nch // _NPLANE) * _NPLANE
    per_w = nch * _CH
    nacc = N + 16
    rps = nacc // _NS
    return per_w, nch, nacc, rps


def _make_deg(N, E):
    W = 128
    per_w, nch, nacc, rps = _dims(N, E)
    ring = max(r for r in (4, 3, 2) if nch % r == 0)
    ngr = nch // ring
    mesh = plsc.VectorSubcoreMesh(core_axis_name="c", subcore_axis_name="s")

    @functools.partial(
        pl.kernel,
        out_type=jax.ShapeDtypeStruct((_NW, rps, W), F32),
        mesh=mesh,
        scratch_types=[
            pltpu.VMEM((nch, _CH), jnp.int32),
            pltpu.VMEM((_CH, W), F32),
            pltpu.VMEM_SHARED((nacc, W), F32),
        ] + [pltpu.SemaphoreType.DMA] * ring,
    )
    def deg_kernel(dst_hbm, ones_hbm, zeros_hbm, out_hbm, idx_v, ones_v,
                   acc_sh, *sems):
        cid = lax.axis_index("c")
        sid = lax.axis_index("s")
        wid = cid * _NS + sid
        pltpu.sync_copy(dst_hbm.at[wid], idx_v)
        pltpu.sync_copy(ones_hbm, ones_v)
        pltpu.sync_copy(zeros_hbm, acc_sh.at[pl.ds(sid * rps, rps)])
        plsc.subcore_barrier()

        for b in range(ring):
            pltpu.async_copy(ones_v, acc_sh.at[idx_v.at[b]], sems[b], add=True)

        def group(g, carry):
            for b in range(ring):
                j = g * ring + b
                pltpu.make_async_copy(ones_v, acc_sh.at[idx_v.at[j]], sems[b]).wait()
                pltpu.async_copy(ones_v, acc_sh.at[idx_v.at[j + ring]], sems[b],
                                 add=True)
            return carry

        lax.fori_loop(0, ngr - 1, group, 0)
        base = (ngr - 1) * ring
        for b in range(ring):
            pltpu.make_async_copy(ones_v, acc_sh.at[idx_v.at[base + b]], sems[b]).wait()
        plsc.subcore_barrier()
        pltpu.sync_copy(acc_sh.at[pl.ds(sid * rps, rps)], out_hbm.at[wid])

    return deg_kernel


def _make_agg(N, D, E):
    per_w, nch, nacc, rps = _dims(N, E)
    P, B = _NPLANE, _NBUF
    ngr = nch // P
    mesh = plsc.VectorSubcoreMesh(core_axis_name="c", subcore_axis_name="s")

    @functools.partial(
        pl.kernel,
        out_type=jax.ShapeDtypeStruct((_NW, rps, D), F32),
        mesh=mesh,
        scratch_types=[pltpu.VMEM((2, _CH), jnp.int32) for _ in range(P)]
        + [pltpu.VMEM((_CH, D), F32) for _ in range(B)]
        + [
            pltpu.VMEM_SHARED((nacc, D), F32),
        ]
        + [pltpu.SemaphoreType.DMA] * (2 * P + B),
    )
    def agg_kernel(x_hbm, eidx_hbm, zeros_hbm, out_hbm, *scr):
        planes = scr[:P]
        bufs = scr[P:P + B]
        acc_sh = scr[P + B]
        isems = scr[P + B + 1:P + B + 1 + P]
        gsems = scr[P + B + 1 + P:P + B + 1 + P + B]
        ssems = scr[P + B + 1 + P + B:]
        cid = lax.axis_index("c")
        sid = lax.axis_index("s")
        wid = cid * _NS + sid

        def load_plane(p, j):
            pltpu.async_copy(eidx_hbm.at[wid, j], planes[p], isems[p])

        def wait_plane(p):
            pltpu.make_async_copy(eidx_hbm.at[wid, 0], planes[p], isems[p]).wait()

        def fire_gather(p, b):
            pltpu.async_copy(x_hbm.at[planes[p].at[0]], bufs[b], gsems[b])

        def wait_gather(b):
            pltpu.make_async_copy(x_hbm.at[planes[0].at[0]], bufs[b], gsems[b]).wait()

        def fire_scatter(b, p):
            pltpu.async_copy(bufs[b], acc_sh.at[planes[p].at[1]], ssems[b], add=True)

        def wait_scatter(b):
            pltpu.make_async_copy(bufs[b], acc_sh.at[planes[0].at[1]], ssems[b]).wait()

        for p in range(P):
            load_plane(p, p)
        pltpu.sync_copy(zeros_hbm, acc_sh.at[pl.ds(sid * rps, rps)])
        plsc.subcore_barrier()

        wait_plane(0)
        fire_gather(0, 0)
        wait_plane(1)
        fire_gather(1, 1)
        wait_gather(0)
        fire_scatter(0, 0)
        wait_plane(2)
        fire_gather(2, 2)

        def group(g, carry):
            for r in range(P):
                i = g * P + r + 1
                b = (r + 1) % B
                p = (r + 1) % P
                bD = r % B
                pD = (r + 3) % P
                wait_gather(b)
                fire_scatter(b, p)
                wait_scatter(bD)
                wait_plane(pD)
                fire_gather(pD, bD)
                load_plane(r, i + 5)
            return carry

        lax.fori_loop(0, (nch - 6) // P, group, 0)
        for i in range(nch - 5, nch):
            b = i % B
            p = i % P
            bD = (i + 2) % B
            pD = (i + 2) % P
            wait_gather(b)
            fire_scatter(b, p)
            wait_scatter(bD)
            if i + 2 <= nch - 1:
                wait_plane(pD)
            fire_gather(pD, bD)

        wait_gather(nch % B)
        wait_gather((nch + 1) % B)
        wait_scatter((nch - 1) % B)
        plsc.subcore_barrier()
        pltpu.sync_copy(acc_sh.at[pl.ds(sid * rps, rps)], out_hbm.at[wid])

    return agg_kernel


def _row_block(N):
    return max(r for r in range(8, 513, 8) if N % r == 0)


def _prescale(degp, emb):
    N, D = emb.shape
    R = _row_block(N)

    def body(degp_ref, emb_ref, xs_ref, dis_ref):
        deg = degp_ref[0, :, 0:1] + degp_ref[1, :, 0:1] + 1.0
        dis = lax.rsqrt(deg)
        dis_ref[...] = dis
        xs_ref[...] = emb_ref[...] * dis

    return pl.pallas_call(
        body,
        grid=(N // R,),
        in_specs=[
            pl.BlockSpec((2, R, 128), lambda i: (0, i, 0)),
            pl.BlockSpec((R, D), lambda i: (i, 0)),
        ],
        out_specs=[
            pl.BlockSpec((R, D), lambda i: (i, 0)),
            pl.BlockSpec((R, 1), lambda i: (i, 0)),
        ],
        out_shape=[
            jax.ShapeDtypeStruct((N, D), F32),
            jax.ShapeDtypeStruct((N, 1), F32),
        ],
    )(degp, emb)


def _dense_mid(a, xs, dis, W1, b1, W2):
    N, D = xs.shape
    H = W1.shape[1]
    R = _row_block(N)

    def body(a_ref, xs_ref, dis_ref, W1_ref, b1_ref, W2_ref, out_ref):
        pre = (a_ref[0] + a_ref[1] + xs_ref[...]) * dis_ref[...]
        h1 = jnp.dot(pre, W1_ref[...], preferred_element_type=F32) + b1_ref[...]
        ss = jnp.sum(h1 * h1, axis=1, keepdims=True)
        h = h1 / jnp.maximum(jnp.sqrt(ss), 1e-12)
        x2 = jnp.dot(h, W2_ref[...], preferred_element_type=F32)
        out_ref[...] = x2 * dis_ref[...]

    return pl.pallas_call(
        body,
        grid=(N // R,),
        in_specs=[
            pl.BlockSpec((2, R, D), lambda i: (0, i, 0)),
            pl.BlockSpec((R, D), lambda i: (i, 0)),
            pl.BlockSpec((R, 1), lambda i: (i, 0)),
            pl.BlockSpec((D, H), lambda i: (0, 0)),
            pl.BlockSpec((1, H), lambda i: (0, 0)),
            pl.BlockSpec((H, D), lambda i: (0, 0)),
        ],
        out_specs=pl.BlockSpec((R, D), lambda i: (i, 0)),
        out_shape=jax.ShapeDtypeStruct((N, D), F32),
    )(a, xs, dis, W1, b1, W2)


def _final(q, x2s, dis, b2):
    N, D = x2s.shape
    R = _row_block(N)

    def body(q_ref, x2s_ref, dis_ref, b2_ref, out_ref):
        out_ref[...] = (q_ref[0] + q_ref[1] + x2s_ref[...]) * dis_ref[...] + b2_ref[...]

    return pl.pallas_call(
        body,
        grid=(N // R,),
        in_specs=[
            pl.BlockSpec((2, R, D), lambda i: (0, i, 0)),
            pl.BlockSpec((R, D), lambda i: (i, 0)),
            pl.BlockSpec((R, 1), lambda i: (i, 0)),
            pl.BlockSpec((1, D), lambda i: (0, 0)),
        ],
        out_specs=pl.BlockSpec((R, D), lambda i: (i, 0)),
        out_shape=jax.ShapeDtypeStruct((N, D), F32),
    )(q, x2s, dis, b2)


def kernel(edge_index, emb, W1, b1, W2, b2):
    N, D = emb.shape
    E = edge_index.shape[1]
    per_w, nch, nacc, rps = _dims(N, E)
    pad = _NW * per_w - E

    src = jnp.concatenate([edge_index[0].astype(jnp.int32),
                           jnp.arange(pad, dtype=jnp.int32) % N])
    dst = jnp.concatenate([edge_index[1].astype(jnp.int32),
                           jnp.full((pad,), N, jnp.int32)])
    src3 = src.reshape(_NW, nch, _CH)
    dst3 = dst.reshape(_NW, nch, _CH)
    eidx = jnp.stack([src3, dst3], axis=2)
    ones128 = jnp.ones((_CH, 128), F32)
    zeros128 = jnp.zeros((rps, 128), F32)

    degp = _make_deg(N, E)(dst3, ones128, zeros128).reshape(_NC, nacc, 128)
    xs, dis = _prescale(degp, emb)

    agg_fn = _make_agg(N, D, E)
    a = agg_fn(xs, eidx, zeros128).reshape(_NC, nacc, D)
    x2s = _dense_mid(a, xs, dis, W1, b1.reshape(1, -1), W2)
    q = agg_fn(x2s, eidx, zeros128).reshape(_NC, nacc, D)
    return _final(q, x2s, dis, b2.reshape(1, -1))

# --- scband reference (transcript-rebuilt; emitter-appended) ---
"""Pipeline reference for scband-normal-graph-nn-31980326486290 (READ-ONLY COPY).

The authoritative reference and input builder live on the scoring server;
editing this copy changes nothing except your own understanding.
"""

import jax, jax.numpy as jnp
import numpy as np

N = 10000
D = 128
E = 320000


def setup_inputs(seed: int = 0) -> dict:
    key = jax.random.key(seed)
    k1, k2, k3, k4 = jax.random.split(key, 4)
    edge_index = jax.random.randint(k1, (2, E), 0, N)
    # nn.Embedding weight with xavier_normal_ init, padding_idx=0 row zeroed
    std_emb = (2.0 / (N + D)) ** 0.5
    emb = jax.random.normal(k2, (N, D), dtype=jnp.float32) * std_emb
    emb = emb.at[0].set(0.0)
    # GCNConv weights (glorot) and zero biases
    std1 = (2.0 / (D + 2 * D)) ** 0.5
    W1 = jax.random.normal(k3, (D, 2 * D), dtype=jnp.float32) * std1
    b1 = jnp.zeros((2 * D,), dtype=jnp.float32)
    std2 = (2.0 / (2 * D + D)) ** 0.5
    W2 = jax.random.normal(k4, (2 * D, D), dtype=jnp.float32) * std2
    b2 = jnp.zeros((D,), dtype=jnp.float32)
    return {"edge_index": edge_index, "emb": emb, "W1": W1, "b1": b1, "W2": W2, "b2": b2}


def _gcn_conv(x, src, dst, W, b, n_nodes):
    # PyG GCNConv: x' = D^{-1/2} (A + I) D^{-1/2} (x W) + b  (self-loops already in src/dst)
    x = x @ W
    deg = jnp.zeros((n_nodes,), x.dtype).at[dst].add(1.0)
    deg_inv_sqrt = jnp.where(deg > 0, 1.0 / jnp.sqrt(jnp.maximum(deg, 1e-12)), 0.0)
    norm = deg_inv_sqrt[src] * deg_inv_sqrt[dst]
    msg = x[src] * norm[:, None]
    out = jnp.zeros((n_nodes, x.shape[1]), x.dtype).at[dst].add(msg)
    return out + b


def reference(edge_index, emb, W1, b1, W2, b2):
    n_nodes = emb.shape[0]
    self_loops = jnp.arange(n_nodes)
    src = jnp.concatenate([edge_index[0], self_loops])
    dst = jnp.concatenate([edge_index[1], self_loops])
    h = _gcn_conv(emb, src, dst, W1, b1, n_nodes)
    # F.normalize(h, dim=-1, p=2)
    h = h / jnp.maximum(jnp.linalg.norm(h, axis=-1, keepdims=True), 1e-12)
    # dropout is identity in eval mode
    out = _gcn_conv(h, src, dst, W2, b2, n_nodes)
    return out

if __name__ == "__main__":
    import jax
    _d = setup_inputs()
    print(jax.jit(kernel)(*tuple(_d.values())))

</pallas_src>

<mosaic_0001>
#map = affine_map<(d0, d1) -> (0, 0)>
#map1 = affine_map<(d0, d1) -> (0, 0, 0, 0)>
#map2 = affine_map<(d0, d1) -> (0, 0, 0)>
module attributes {stable_mosaic.version = 14 : i64} {
  func.func @agg_kernel(%arg0: i32, %arg1: i32, %arg2: memref<10000x128xf32, #tpu.memory_space<hbm>>, %arg3: memref<32x108x2x96xi32, #tpu.memory_space<hbm>>, %arg4: memref<626x128xf32, #tpu.memory_space<hbm>>, %arg5: memref<32x626x128xf32, #tpu.memory_space<hbm>>, %arg6: memref<2x96xi32, #tpu.memory_space<vmem>>, %arg7: memref<2x96xi32, #tpu.memory_space<vmem>>, %arg8: memref<2x96xi32, #tpu.memory_space<vmem>>, %arg9: memref<2x96xi32, #tpu.memory_space<vmem>>, %arg10: memref<2x96xi32, #tpu.memory_space<vmem>>, %arg11: memref<2x96xi32, #tpu.memory_space<vmem>>, %arg12: memref<96x128xf32, #tpu.memory_space<vmem>>, %arg13: memref<96x128xf32, #tpu.memory_space<vmem>>, %arg14: memref<96x128xf32, #tpu.memory_space<vmem>>, %arg15: memref<10016x128xf32, #tpu.memory_space<vmem_shared>>, %arg16: memref<!tpu.dma_semaphore, #tpu.memory_space<semaphore_mem>>, %arg17: memref<!tpu.dma_semaphore, #tpu.memory_space<semaphore_mem>>, %arg18: memref<!tpu.dma_semaphore, #tpu.memory_space<semaphore_mem>>, %arg19: memref<!tpu.dma_semaphore, #tpu.memory_space<semaphore_mem>>, %arg20: memref<!tpu.dma_semaphore, #tpu.memory_space<semaphore_mem>>, %arg21: memref<!tpu.dma_semaphore, #tpu.memory_space<semaphore_mem>>, %arg22: memref<!tpu.dma_semaphore, #tpu.memory_space<semaphore_mem>>, %arg23: memref<!tpu.dma_semaphore, #tpu.memory_space<semaphore_mem>>, %arg24: memref<!tpu.dma_semaphore, #tpu.memory_space<semaphore_mem>>, %arg25: memref<!tpu.dma_semaphore, #tpu.memory_space<semaphore_mem>>, %arg26: memref<!tpu.dma_semaphore, #tpu.memory_space<semaphore_mem>>, %arg27: memref<!tpu.dma_semaphore, #tpu.memory_space<semaphore_mem>>, %arg28: memref<!tpu.dma_semaphore, #tpu.memory_space<semaphore_mem>>, %arg29: memref<!tpu.dma_semaphore, #tpu.memory_space<semaphore_mem>>, %arg30: memref<!tpu.dma_semaphore, #tpu.memory_space<semaphore_mem>>) attributes {dimension_semantics = [#tpu.dimension_semantics<core_parallel>, #tpu.dimension_semantics<subcore_parallel>], iteration_bounds = array<i64: 2, 16>, scalar_prefetch = 0 : i64, scratch_operands = 25 : i64, tpu.core_type = #tpu.core_type<sc_vector_subcore>, window_params = [{transform_indices = #map}, {transform_indices = #map1}, {transform_indices = #map}, {transform_indices = #map2}]} {
    %mul3A = arith.constant 16 : i32
    %mul3A_0 = arith.muli %arg0, %mul3A : i32
    %add3A = arith.addi %mul3A_0, %arg1 : i32
    %dma_start3A = arith.constant 0 : i32
    %dma_start3A_1 = arith.constant 0 : i32
    %dma_start3A_2 = arith.constant 0 : i32
    %dma_start3A_3 = tpu.memref_slice %arg3[%add3A, %dma_start3A, %dma_start3A_1, %dma_start3A_2] : memref<32x108x2x96xi32, #tpu.memory_space<hbm>> -> memref<1x1x2x96xi32, #tpu.memory_space<hbm>>
    %dma_start3A_4 = tpu.memref_squeeze %dma_start3A_3 : memref<1x1x2x96xi32, #tpu.memory_space<hbm>> -> memref<2x96xi32, #tpu.memory_space<hbm>>
    %dma_start3A_5 = arith.constant 0 : i32
    %dma_start3A_6 = arith.constant 0 : i32
    %dma_start3A_7 = tpu.memref_slice %arg3[%add3A, %dma_start3A, %dma_start3A_5, %dma_start3A_6] : memref<32x108x2x96xi32, #tpu.memory_space<hbm>> -> memref<1x1x2x96xi32, #tpu.memory_space<hbm>>
    %dma_start3A_8 = tpu.memref_squeeze %dma_start3A_7 : memref<1x1x2x96xi32, #tpu.memory_space<hbm>> -> memref<2x96xi32, #tpu.memory_space<hbm>>
    tpu.enqueue_dma source(%dma_start3A_8 : memref<2x96xi32, #tpu.memory_space<hbm>>) target(%arg6 : memref<2x96xi32, #tpu.memory_space<vmem>>) target_semaphore(%arg16 : memref<!tpu.dma_semaphore, #tpu.memory_space<semaphore_mem>>)
    %dma_start3A_9 = arith.constant 1 : i32
    %dma_start3A_10 = arith.constant 0 : i32
    %dma_start3A_11 = arith.constant 0 : i32
    %dma_start3A_12 = tpu.memref_slice %arg3[%add3A, %dma_start3A_9, %dma_start3A_10, %dma_start3A_11] : memref<32x108x2x96xi32, #tpu.memory_space<hbm>> -> memref<1x1x2x96xi32, #tpu.memory_space<hbm>>
    %dma_start3A_13 = tpu.memref_squeeze %dma_start3A_12 : memref<1x1x2x96xi32, #tpu.memory_space<hbm>> -> memref<2x96xi32, #tpu.memory_space<hbm>>
    %dma_start3A_14 = arith.constant 0 : i32
    %dma_start3A_15 = arith.constant 0 : i32
    %dma_start3A_16 = tpu.memref_slice %arg3[%add3A, %dma_start3A_9, %dma_start3A_14, %dma_start3A_15] : memref<32x108x2x96xi32, #tpu.memory_space<hbm>> -> memref<1x1x2x96xi32, #tpu.memory_space<hbm>>
    %dma_start3A_17 = tpu.memref_squeeze %dma_start3A_16 : memref<1x1x2x96xi32, #tpu.memory_space<hbm>> -> memref<2x96xi32, #tpu.memory_space<hbm>>
    tpu.enqueue_dma source(%dma_start3A_17 : memref<2x96xi32, #tpu.memory_space<hbm>>) target(%arg7 : memref<2x96xi32, #tpu.memory_space<vmem>>) target_semaphore(%arg17 : memref<!tpu.dma_semaphore, #tpu.memory_space<semaphore_mem>>)
    %dma_start3A_18 = arith.constant 2 : i32
    %dma_start3A_19 = arith.constant 0 : i32
    %dma_start3A_20 = arith.constant 0 : i32
    %dma_start3A_21 = tpu.memref_slice %arg3[%add3A, %dma_start3A_18, %dma_start3A_19, %dma_start3A_20] : memref<32x108x2x96xi32, #tpu.memory_space<hbm>> -> memref<1x1x2x96xi32, #tpu.memory_space<hbm>>
    %dma_start3A_22 = tpu.memref_squeeze %dma_start3A_21 : memref<1x1x2x96xi32, #tpu.memory_space<hbm>> -> memref<2x96xi32, #tpu.memory_space<hbm>>
    %dma_start3A_23 = arith.constant 0 : i32
    %dma_start3A_24 = arith.constant 0 : i32
    %dma_start3A_25 = tpu.memref_slice %arg3[%add3A, %dma_start3A_18, %dma_start3A_23, %dma_start3A_24] : memref<32x108x2x96xi32, #tpu.memory_space<hbm>> -> memref<1x1x2x96xi32, #tpu.memory_space<hbm>>
    %dma_start3A_26 = tpu.memref_squeeze %dma_start3A_25 : memref<1x1x2x96xi32, #tpu.memory_space<hbm>> -> memref<2x96xi32, #tpu.memory_space<hbm>>
    tpu.enqueue_dma source(%dma_start3A_26 : memref<2x96xi32, #tpu.memory_space<hbm>>) target(%arg8 : memref<2x96xi32, #tpu.memory_space<vmem>>) target_semaphore(%arg18 : memref<!tpu.dma_semaphore, #tpu.memory_space<semaphore_mem>>)
    %dma_start3A_27 = arith.constant 3 : i32
    %dma_start3A_28 = arith.constant 0 : i32
    %dma_start3A_29 = arith.constant 0 : i32
    %dma_start3A_30 = tpu.memref_slice %arg3[%add3A, %dma_start3A_27, %dma_start3A_28, %dma_start3A_29] : memref<32x108x2x96xi32, #tpu.memory_space<hbm>> -> memref<1x1x2x96xi32, #tpu.memory_space<hbm>>
    %dma_start3A_31 = tpu.memref_squeeze %dma_start3A_30 : memref<1x1x2x96xi32, #tpu.memory_space<hbm>> -> memref<2x96xi32, #tpu.memory_space<hbm>>
    %dma_start3A_32 = arith.constant 0 : i32
    %dma_start3A_33 = arith.constant 0 : i32
    %dma_start3A_34 = tpu.memref_slice %arg3[%add3A, %dma_start3A_27, %dma_start3A_32, %dma_start3A_33] : memref<32x108x2x96xi32, #tpu.memory_space<hbm>> -> memref<1x1x2x96xi32, #tpu.memory_space<hbm>>
    %dma_start3A_35 = tpu.memref_squeeze %dma_start3A_34 : memref<1x1x2x96xi32, #tpu.memory_space<hbm>> -> memref<2x96xi32, #tpu.memory_space<hbm>>
    tpu.enqueue_dma source(%dma_start3A_35 : memref<2x96xi32, #tpu.memory_space<hbm>>) target(%arg9 : memref<2x96xi32, #tpu.memory_space<vmem>>) target_semaphore(%arg19 : memref<!tpu.dma_semaphore, #tpu.memory_space<semaphore_mem>>)
    %dma_start3A_36 = arith.constant 4 : i32
    %dma_start3A_37 = arith.constant 0 : i32
    %dma_start3A_38 = arith.constant 0 : i32
    %dma_start3A_39 = tpu.memref_slice %arg3[%add3A, %dma_start3A_36, %dma_start3A_37, %dma_start3A_38] : memref<32x108x2x96xi32, #tpu.memory_space<hbm>> -> memref<1x1x2x96xi32, #tpu.memory_space<hbm>>
    %dma_start3A_40 = tpu.memref_squeeze %dma_start3A_39 : memref<1x1x2x96xi32, #tpu.memory_space<hbm>> -> memref<2x96xi32, #tpu.memory_space<hbm>>
    %dma_start3A_41 = arith.constant 0 : i32
    %dma_start3A_42 = arith.constant 0 : i32
    %dma_start3A_43 = tpu.memref_slice %arg3[%add3A, %dma_start3A_36, %dma_start3A_41, %dma_start3A_42] : memref<32x108x2x96xi32, #tpu.memory_space<hbm>> -> memref<1x1x2x96xi32, #tpu.memory_space<hbm>>
    %dma_start3A_44 = tpu.memref_squeeze %dma_start3A_43 : memref<1x1x2x96xi32, #tpu.memory_space<hbm>> -> memref<2x96xi32, #tpu.memory_space<hbm>>
    tpu.enqueue_dma source(%dma_start3A_44 : memref<2x96xi32, #tpu.memory_space<hbm>>) target(%arg10 : memref<2x96xi32, #tpu.memory_space<vmem>>) target_semaphore(%arg20 : memref<!tpu.dma_semaphore, #tpu.memory_space<semaphore_mem>>)
    %dma_start3A_45 = arith.constant 5 : i32
    %dma_start3A_46 = arith.constant 0 : i32
    %dma_start3A_47 = arith.constant 0 : i32
    %dma_start3A_48 = tpu.memref_slice %arg3[%add3A, %dma_start3A_45, %dma_start3A_46, %dma_start3A_47] : memref<32x108x2x96xi32, #tpu.memory_space<hbm>> -> memref<1x1x2x96xi32, #tpu.memory_space<hbm>>
    %dma_start3A_49 = tpu.memref_squeeze %dma_start3A_48 : memref<1x1x2x96xi32, #tpu.memory_space<hbm>> -> memref<2x96xi32, #tpu.memory_space<hbm>>
    %dma_start3A_50 = arith.constant 0 : i32
    %dma_start3A_51 = arith.constant 0 : i32
    %dma_start3A_52 = tpu.memref_slice %arg3[%add3A, %dma_start3A_45, %dma_start3A_50, %dma_start3A_51] : memref<32x108x2x96xi32, #tpu.memory_space<hbm>> -> memref<1x1x2x96xi32, #tpu.memory_space<hbm>>
    %dma_start3A_53 = tpu.memref_squeeze %dma_start3A_52 : memref<1x1x2x96xi32, #tpu.memory_space<hbm>> -> memref<2x96xi32, #tpu.memory_space<hbm>>
    tpu.enqueue_dma source(%dma_start3A_53 : memref<2x96xi32, #tpu.memory_space<hbm>>) target(%arg11 : memref<2x96xi32, #tpu.memory_space<vmem>>) target_semaphore(%arg21 : memref<!tpu.dma_semaphore, #tpu.memory_space<semaphore_mem>>)
    %mul3A_54 = arith.constant 626 : i32
    %mul3A_55 = arith.muli %arg1, %mul3A_54 : i32
    "tpu.region"() ({
      %run_scoped3A = tpu.sem_alloc : memref<!tpu.dma_semaphore, #tpu.memory_space<semaphore_mem>>
      %dma_start3A_313 = arith.constant 0 : i32
      %dma_start3A_314 = tpu.memref_slice %arg15[%mul3A_55, %dma_start3A_313] : memref<10016x128xf32, #tpu.memory_space<vmem_shared>> -> memref<626x128xf32, #tpu.memory_space<vmem_shared>>
      tpu.enqueue_dma source(%arg4 : memref<626x128xf32, #tpu.memory_space<hbm>>) target(%dma_start3A_314 : memref<626x128xf32, #tpu.memory_space<vmem_shared>>) target_semaphore(%run_scoped3A : memref<!tpu.dma_semaphore, #tpu.memory_space<semaphore_mem>>)
      %dma_wait3A_315 = arith.constant 0 : i32
      %dma_wait3A_316 = tpu.memref_slice %arg15[%mul3A_55, %dma_wait3A_315] : memref<10016x128xf32, #tpu.memory_space<vmem_shared>> -> memref<626x128xf32, #tpu.memory_space<vmem_shared>>
      tpu.wait_dma2 semaphore(%run_scoped3A : memref<!tpu.dma_semaphore, #tpu.memory_space<semaphore_mem>>) src(%arg4 : memref<626x128xf32, #tpu.memory_space<hbm>>) dst(%dma_wait3A_316 : memref<626x128xf32, #tpu.memory_space<vmem_shared>>)
      tpu.yield
    }) : () -> ()
    %barrier3A = arith.constant 0 : index
    tpu.barrier barrier_id(%barrier3A)
    %dma_wait3A = arith.constant 0 : i32
    %dma_wait3A_56 = arith.constant 0 : i32
    %dma_wait3A_57 = arith.constant 0 : i32
    %dma_wait3A_58 = tpu.memref_slice %arg3[%add3A, %dma_wait3A, %dma_wait3A_56, %dma_wait3A_57] : memref<32x108x2x96xi32, #tpu.memory_space<hbm>> -> memref<1x1x2x96xi32, #tpu.memory_space<hbm>>
    %dma_wait3A_59 = tpu.memref_squeeze %dma_wait3A_58 : memref<1x1x2x96xi32, #tpu.memory_space<hbm>> -> memref<2x96xi32, #tpu.memory_space<hbm>>
    %dma_wait3A_60 = arith.constant 0 : i32
    %dma_wait3A_61 = arith.constant 0 : i32
    %dma_wait3A_62 = tpu.memref_slice %arg3[%add3A, %dma_wait3A, %dma_wait3A_60, %dma_wait3A_61] : memref<32x108x2x96xi32, #tpu.memory_space<hbm>> -> memref<1x1x2x96xi32, #tpu.memory_space<hbm>>
    %dma_wait3A_63 = tpu.memref_squeeze %dma_wait3A_62 : memref<1x1x2x96xi32, #tpu.memory_space<hbm>> -> memref<2x96xi32, #tpu.memory_space<hbm>>
    tpu.wait_dma2 semaphore(%arg16 : memref<!tpu.dma_semaphore, #tpu.memory_space<semaphore_mem>>) src(%dma_wait3A_63 : memref<2x96xi32, #tpu.memory_space<hbm>>) dst(%arg6 : memref<2x96xi32, #tpu.memory_space<vmem>>)
    %dma_start3A_64 = arith.constant 0 : i32
    %dma_start3A_65 = arith.constant 0 : i32
    %dma_start3A_66 = tpu.memref_slice %arg6[%dma_start3A_64, %dma_start3A_65] : memref<2x96xi32, #tpu.memory_space<vmem>> -> memref<1x96xi32, #tpu.memory_space<vmem>>
    %dma_start3A_67 = tpu.memref_squeeze %dma_start3A_66 : memref<1x96xi32, #tpu.memory_space<vmem>> -> memref<96xi32, #tpu.memory_space<vmem>>
    %dma_start3A_68 = arith.constant 0 : i32
    %dma_start3A_69 = arith.constant 0 : i32
    %dma_start3A_70 = tpu.memref_slice %arg2[%dma_start3A_68, %dma_start3A_69] : memref<10000x128xf32, #tpu.memory_space<hbm>> -> memref<10000x128xf32, #tpu.memory_space<hbm>>
    tpu.enqueue_indirect_dma source(%dma_start3A_70 : memref<10000x128xf32, #tpu.memory_space<hbm>>) target(%arg12 : memref<96x128xf32, #tpu.memory_space<vmem>>) offsets(%dma_start3A_67 : memref<96xi32, #tpu.memory_space<vmem>>) semaphore(%arg22 : memref<!tpu.dma_semaphore, #tpu.memory_space<semaphore_mem>>)
    %dma_wait3A_71 = arith.constant 0 : i32
    %dma_wait3A_72 = arith.constant 0 : i32
    %dma_wait3A_73 = arith.constant 0 : i32
    %dma_wait3A_74 = tpu.memref_slice %arg3[%add3A, %dma_wait3A_71, %dma_wait3A_72, %dma_wait3A_73] : memref<32x108x2x96xi32, #tpu.memory_space<hbm>> -> memref<1x1x2x96xi32, #tpu.memory_space<hbm>>
    %dma_wait3A_75 = tpu.memref_squeeze %dma_wait3A_74 : memref<1x1x2x96xi32, #tpu.memory_space<hbm>> -> memref<2x96xi32, #tpu.memory_space<hbm>>
    %dma_wait3A_76 = arith.constant 0 : i32
    %dma_wait3A_77 = arith.constant 0 : i32
    %dma_wait3A_78 = tpu.memref_slice %arg3[%add3A, %dma_wait3A_71, %dma_wait3A_76, %dma_wait3A_77] : memref<32x108x2x96xi32, #tpu.memory_space<hbm>> -> memref<1x1x2x96xi32, #tpu.memory_space<hbm>>
    %dma_wait3A_79 = tpu.memref_squeeze %dma_wait3A_78 : memref<1x1x2x96xi32, #tpu.memory_space<hbm>> -> memref<2x96xi32, #tpu.memory_space<hbm>>
    tpu.wait_dma2 semaphore(%arg17 : memref<!tpu.dma_semaphore, #tpu.memory_space<semaphore_mem>>) src(%dma_wait3A_79 : memref<2x96xi32, #tpu.memory_space<hbm>>) dst(%arg7 : memref<2x96xi32, #tpu.memory_space<vmem>>)
    %dma_start3A_80 = arith.constant 0 : i32
    %dma_start3A_81 = arith.constant 0 : i32
    %dma_start3A_82 = tpu.memref_slice %arg7[%dma_start3A_80, %dma_start3A_81] : memref<2x96xi32, #tpu.memory_space<vmem>> -> memref<1x96xi32, #tpu.memory_space<vmem>>
    %dma_start3A_83 = tpu.memref_squeeze %dma_start3A_82 : memref<1x96xi32, #tpu.memory_space<vmem>> -> memref<96xi32, #tpu.memory_space<vmem>>
    %dma_start3A_84 = arith.constant 0 : i32
    %dma_start3A_85 = arith.constant 0 : i32
    %dma_start3A_86 = tpu.memref_slice %arg2[%dma_start3A_84, %dma_start3A_85] : memref<10000x128xf32, #tpu.memory_space<hbm>> -> memref<10000x128xf32, #tpu.memory_space<hbm>>
    tpu.enqueue_indirect_dma source(%dma_start3A_86 : memref<10000x128xf32, #tpu.memory_space<hbm>>) target(%arg13 : memref<96x128xf32, #tpu.memory_space<vmem>>) offsets(%dma_start3A_83 : memref<96xi32, #tpu.memory_space<vmem>>) semaphore(%arg23 : memref<!tpu.dma_semaphore, #tpu.memory_space<semaphore_mem>>)
    %dma_wait3A_87 = arith.constant 0 : i32
    %dma_wait3A_88 = arith.constant 0 : i32
    %dma_wait3A_89 = tpu.memref_slice %arg6[%dma_wait3A_87, %dma_wait3A_88] : memref<2x96xi32, #tpu.memory_space<vmem>> -> memref<1x96xi32, #tpu.memory_space<vmem>>
    %dma_wait3A_90 = tpu.memref_squeeze %dma_wait3A_89 : memref<1x96xi32, #tpu.memory_space<vmem>> -> memref<96xi32, #tpu.memory_space<vmem>>
    %dma_wait3A_91 = arith.constant 0 : i32
    %dma_wait3A_92 = arith.constant 0 : i32
    %dma_wait3A_93 = tpu.memref_slice %arg2[%dma_wait3A_91, %dma_wait3A_92] : memref<10000x128xf32, #tpu.memory_space<hbm>> -> memref<10000x128xf32, #tpu.memory_space<hbm>>
    tpu.wait_indirect_dma semaphore(%arg22 : memref<!tpu.dma_semaphore, #tpu.memory_space<semaphore_mem>>) src(%dma_wait3A_93 : memref<10000x128xf32, #tpu.memory_space<hbm>>) dst(%arg12 : memref<96x128xf32, #tpu.memory_space<vmem>>)
    %dma_start3A_94 = arith.constant 1 : i32
    %dma_start3A_95 = arith.constant 0 : i32
    %dma_start3A_96 = tpu.memref_slice %arg6[%dma_start3A_94, %dma_start3A_95] : memref<2x96xi32, #tpu.memory_space<vmem>> -> memref<1x96xi32, #tpu.memory_space<vmem>>
    %dma_start3A_97 = tpu.memref_squeeze %dma_start3A_96 : memref<1x96xi32, #tpu.memory_space<vmem>> -> memref<96xi32, #tpu.memory_space<vmem>>
    %dma_start3A_98 = arith.constant 0 : i32
    %dma_start3A_99 = arith.constant 0 : i32
    %dma_start3A_100 = tpu.memref_slice %arg15[%dma_start3A_98, %dma_start3A_99] : memref<10016x128xf32, #tpu.memory_space<vmem_shared>> -> memref<10016x128xf32, #tpu.memory_space<vmem_shared>>
    tpu.enqueue_indirect_dma source(%arg12 : memref<96x128xf32, #tpu.memory_space<vmem>>) target(%dma_start3A_100 : memref<10016x128xf32, #tpu.memory_space<vmem_shared>>) offsets(%dma_start3A_97 : memref<96xi32, #tpu.memory_space<vmem>>) semaphore(%arg25 : memref<!tpu.dma_semaphore, #tpu.memory_space<semaphore_mem>>) {add = true}
    %dma_wait3A_101 = arith.constant 0 : i32
    %dma_wait3A_102 = arith.constant 0 : i32
    %dma_wait3A_103 = arith.constant 0 : i32
    %dma_wait3A_104 = tpu.memref_slice %arg3[%add3A, %dma_wait3A_101, %dma_wait3A_102, %dma_wait3A_103] : memref<32x108x2x96xi32, #tpu.memory_space<hbm>> -> memref<1x1x2x96xi32, #tpu.memory_space<hbm>>
    %dma_wait3A_105 = tpu.memref_squeeze %dma_wait3A_104 : memref<1x1x2x96xi32, #tpu.memory_space<hbm>> -> memref<2x96xi32, #tpu.memory_space<hbm>>
    %dma_wait3A_106 = arith.constant 0 : i32
    %dma_wait3A_107 = arith.constant 0 : i32
    %dma_wait3A_108 = tpu.memref_slice %arg3[%add3A, %dma_wait3A_101, %dma_wait3A_106, %dma_wait3A_107] : memref<32x108x2x96xi32, #tpu.memory_space<hbm>> -> memref<1x1x2x96xi32, #tpu.memory_space<hbm>>
    %dma_wait3A_109 = tpu.memref_squeeze %dma_wait3A_108 : memref<1x1x2x96xi32, #tpu.memory_space<hbm>> -> memref<2x96xi32, #tpu.memory_space<hbm>>
    tpu.wait_dma2 semaphore(%arg18 : memref<!tpu.dma_semaphore, #tpu.memory_space<semaphore_mem>>) src(%dma_wait3A_109 : memref<2x96xi32, #tpu.memory_space<hbm>>) dst(%arg8 : memref<2x96xi32, #tpu.memory_space<vmem>>)
    %dma_start3A_110 = arith.constant 0 : i32
    %dma_start3A_111 = arith.constant 0 : i32
    %dma_start3A_112 = tpu.memref_slice %arg8[%dma_start3A_110, %dma_start3A_111] : memref<2x96xi32, #tpu.memory_space<vmem>> -> memref<1x96xi32, #tpu.memory_space<vmem>>
    %dma_start3A_113 = tpu.memref_squeeze %dma_start3A_112 : memref<1x96xi32, #tpu.memory_space<vmem>> -> memref<96xi32, #tpu.memory_space<vmem>>
    %dma_start3A_114 = arith.constant 0 : i32
    %dma_start3A_115 = arith.constant 0 : i32
    %dma_start3A_116 = tpu.memref_slice %arg2[%dma_start3A_114, %dma_start3A_115] : memref<10000x128xf32, #tpu.memory_space<hbm>> -> memref<10000x128xf32, #tpu.memory_space<hbm>>
    tpu.enqueue_indirect_dma source(%dma_start3A_116 : memref<10000x128xf32, #tpu.memory_space<hbm>>) target(%arg14 : memref<96x128xf32, #tpu.memory_space<vmem>>) offsets(%dma_start3A_113 : memref<96xi32, #tpu.memory_space<vmem>>) semaphore(%arg24 : memref<!tpu.dma_semaphore, #tpu.memory_space<semaphore_mem>>)
    %scan3A = arith.constant 0 : i32
    %scan3A_117 = arith.constant 0 : i32
    %scan3A_118 = arith.constant 17 : i32
    %scan3A_119 = arith.addi %scan3A_117, %scan3A_118 : i32
    %scan3A_120 = arith.constant 1 : i32
    scf.for %scan3A_313 = %scan3A_117 to %scan3A_119 step %scan3A_120  : i32 {
      %mul3A_314 = arith.constant 6 : i32
      %mul3A_315 = arith.muli %scan3A_313, %mul3A_314 : i32
      %add3A_316 = arith.constant 0 : i32
      %add3A_317 = arith.addi %mul3A_315, %add3A_316 : i32
      %add3A_318 = arith.constant 1 : i32
      %add3A_319 = arith.addi %add3A_317, %add3A_318 : i32
      %dma_wait3A_320 = arith.constant 0 : i32
      %dma_wait3A_321 = arith.constant 0 : i32
      %dma_wait3A_322 = tpu.memref_slice %arg6[%dma_wait3A_320, %dma_wait3A_321] : memref<2x96xi32, #tpu.memory_space<vmem>> -> memref<1x96xi32, #tpu.memory_space<vmem>>
      %dma_wait3A_323 = tpu.memref_squeeze %dma_wait3A_322 : memref<1x96xi32, #tpu.memory_space<vmem>> -> memref<96xi32, #tpu.memory_space<vmem>>
      %dma_wait3A_324 = arith.constant 0 : i32
      %dma_wait3A_325 = arith.constant 0 : i32
      %dma_wait3A_326 = tpu.memref_slice %arg2[%dma_wait3A_324, %dma_wait3A_325] : memref<10000x128xf32, #tpu.memory_space<hbm>> -> memref<10000x128xf32, #tpu.memory_space<hbm>>
      tpu.wait_indirect_dma semaphore(%arg23 : memref<!tpu.dma_semaphore, #tpu.memory_space<semaphore_mem>>) src(%dma_wait3A_326 : memref<10000x128xf32, #tpu.memory_space<hbm>>) dst(%arg13 : memref<96x128xf32, #tpu.memory_space<vmem>>)
      %dma_start3A_327 = arith.constant 1 : i32
      %dma_start3A_328 = arith.constant 0 : i32
      %dma_start3A_329 = tpu.memref_slice %arg7[%dma_start3A_327, %dma_start3A_328] : memref<2x96xi32, #tpu.memory_space<vmem>> -> memref<1x96xi32, #tpu.memory_space<vmem>>
      %dma_start3A_330 = tpu.memref_squeeze %dma_start3A_329 : memref<1x96xi32, #tpu.memory_space<vmem>> -> memref<96xi32, #tpu.memory_space<vmem>>
      %dma_start3A_331 = arith.constant 0 : i32
      %dma_start3A_332 = arith.constant 0 : i32
      %dma_start3A_333 = tpu.memref_slice %arg15[%dma_start3A_331, %dma_start3A_332] : memref<10016x128xf32, #tpu.memory_space<vmem_shared>> -> memref<10016x128xf32, #tpu.memory_space<vmem_shared>>
      tpu.enqueue_indirect_dma source(%arg13 : memref<96x128xf32, #tpu.memory_space<vmem>>) target(%dma_start3A_333 : memref<10016x128xf32, #tpu.memory_space<vmem_shared>>) offsets(%dma_start3A_330 : memref<96xi32, #tpu.memory_space<vmem>>) semaphore(%arg26 : memref<!tpu.dma_semaphore, #tpu.memory_space<semaphore_mem>>) {add = true}
      %dma_wait3A_334 = arith.constant 1 : i32
      %dma_wait3A_335 = arith.constant 0 : i32
      %dma_wait3A_336 = tpu.memref_slice %arg6[%dma_wait3A_334, %dma_wait3A_335] : memref<2x96xi32, #tpu.memory_space<vmem>> -> memref<1x96xi32, #tpu.memory_space<vmem>>
      %dma_wait3A_337 = tpu.memref_squeeze %dma_wait3A_336 : memref<1x96xi32, #tpu.memory_space<vmem>> -> memref<96xi32, #tpu.memory_space<vmem>>
      %dma_wait3A_338 = arith.constant 0 : i32
      %dma_wait3A_339 = arith.constant 0 : i32
      %dma_wait3A_340 = tpu.memref_slice %arg15[%dma_wait3A_338, %dma_wait3A_339] : memref<10016x128xf32, #tpu.memory_space<vmem_shared>> -> memref<10016x128xf32, #tpu.memory_space<vmem_shared>>
      tpu.wait_indirect_dma semaphore(%arg25 : memref<!tpu.dma_semaphore, #tpu.memory_space<semaphore_mem>>) src(%arg12 : memref<96x128xf32, #tpu.memory_space<vmem>>) dst(%dma_wait3A_340 : memref<10016x128xf32, #tpu.memory_space<vmem_shared>>)
      %dma_wait3A_341 = arith.constant 0 : i32
      %dma_wait3A_342 = arith.constant 0 : i32
      %dma_wait3A_343 = arith.constant 0 : i32
      %dma_wait3A_344 = tpu.memref_slice %arg3[%add3A, %dma_wait3A_341, %dma_wait3A_342, %dma_wait3A_343] : memref<32x108x2x96xi32, #tpu.memory_space<hbm>> -> memref<1x1x2x96xi32, #tpu.memory_space<hbm>>
      %dma_wait3A_345 = tpu.memref_squeeze %dma_wait3A_344 : memref<1x1x2x96xi32, #tpu.memory_space<hbm>> -> memref<2x96xi32, #tpu.memory_space<hbm>>
      %dma_wait3A_346 = arith.constant 0 : i32
      %dma_wait3A_347 = arith.constant 0 : i32
      %dma_wait3A_348 = tpu.memref_slice %arg3[%add3A, %dma_wait3A_341, %dma_wait3A_346, %dma_wait3A_347] : memref<32x108x2x96xi32, #tpu.memory_space<hbm>> -> memref<1x1x2x96xi32, #tpu.memory_space<hbm>>
      %dma_wait3A_349 = tpu.memref_squeeze %dma_wait3A_348 : memref<1x1x2x96xi32, #tpu.memory_space<hbm>> -> memref<2x96xi32, #tpu.memory_space<hbm>>
      tpu.wait_dma2 semaphore(%arg19 : memref<!tpu.dma_semaphore, #tpu.memory_space<semaphore_mem>>) src(%dma_wait3A_349 : memref<2x96xi32, #tpu.memory_space<hbm>>) dst(%arg9 : memref<2x96xi32, #tpu.memory_space<vmem>>)
      %dma_start3A_350 = arith.constant 0 : i32
      %dma_start3A_351 = arith.constant 0 : i32
      %dma_start3A_352 = tpu.memref_slice %arg9[%dma_start3A_350, %dma_start3A_351] : memref<2x96xi32, #tpu.memory_space<vmem>> -> memref<1x96xi32, #tpu.memory_space<vmem>>
      %dma_start3A_353 = tpu.memref_squeeze %dma_start3A_352 : memref<1x96xi32, #tpu.memory_space<vmem>> -> memref<96xi32, #tpu.memory_space<vmem>>
      %dma_start3A_354 = arith.constant 0 : i32
      %dma_start3A_355 = arith.constant 0 : i32
      %dma_start3A_356 = tpu.memref_slice %arg2[%dma_start3A_354, %dma_start3A_355] : memref<10000x128xf32, #tpu.memory_space<hbm>> -> memref<10000x128xf32, #tpu.memory_space<hbm>>
      tpu.enqueue_indirect_dma source(%dma_start3A_356 : memref<10000x128xf32, #tpu.memory_space<hbm>>) target(%arg12 : memref<96x128xf32, #tpu.memory_space<vmem>>) offsets(%dma_start3A_353 : memref<96xi32, #tpu.memory_space<vmem>>) semaphore(%arg22 : memref<!tpu.dma_semaphore, #tpu.memory_space<semaphore_mem>>)
      %add3A_357 = arith.constant 5 : i32
      %add3A_358 = arith.addi %add3A_319, %add3A_357 : i32
      %dma_start3A_359 = arith.constant 0 : i32
      %dma_start3A_360 = arith.constant 0 : i32
      %dma_start3A_361 = tpu.memref_slice %arg3[%add3A, %add3A_358, %dma_start3A_359, %dma_start3A_360] : memref<32x108x2x96xi32, #tpu.memory_space<hbm>> -> memref<1x1x2x96xi32, #tpu.memory_space<hbm>>
      %dma_start3A_362 = tpu.memref_squeeze %dma_start3A_361 : memref<1x1x2x96xi32, #tpu.memory_space<hbm>> -> memref<2x96xi32, #tpu.memory_space<hbm>>
      %dma_start3A_363 = arith.constant 0 : i32
      %dma_start3A_364 = arith.constant 0 : i32
      %dma_start3A_365 = tpu.memref_slice %arg3[%add3A, %add3A_358, %dma_start3A_363, %dma_start3A_364] : memref<32x108x2x96xi32, #tpu.memory_space<hbm>> -> memref<1x1x2x96xi32, #tpu.memory_space<hbm>>
      %dma_start3A_366 = tpu.memref_squeeze %dma_start3A_365 : memref<1x1x2x96xi32, #tpu.memory_space<hbm>> -> memref<2x96xi32, #tpu.memory_space<hbm>>
      tpu.enqueue_dma source(%dma_start3A_366 : memref<2x96xi32, #tpu.memory_space<hbm>>) target(%arg6 : memref<2x96xi32, #tpu.memory_space<vmem>>) target_semaphore(%arg16 : memref<!tpu.dma_semaphore, #tpu.memory_space<semaphore_mem>>)
      %mul3A_367 = arith.constant 6 : i32
      %mul3A_368 = arith.muli %scan3A_313, %mul3A_367 : i32
      %add3A_369 = arith.constant 1 : i32
      %add3A_370 = arith.addi %mul3A_368, %add3A_369 : i32
      %add3A_371 = arith.constant 1 : i32
      %add3A_372 = arith.addi %add3A_370, %add3A_371 : i32
      %dma_wait3A_373 = arith.constant 0 : i32
      %dma_wait3A_374 = arith.constant 0 : i32
      %dma_wait3A_375 = tpu.memref_slice %arg6[%dma_wait3A_373, %dma_wait3A_374] : memref<2x96xi32, #tpu.memory_space<vmem>> -> memref<1x96xi32, #tpu.memory_space<vmem>>
      %dma_wait3A_376 = tpu.memref_squeeze %dma_wait3A_375 : memref<1x96xi32, #tpu.memory_space<vmem>> -> memref<96xi32, #tpu.memory_space<vmem>>
      %dma_wait3A_377 = arith.constant 0 : i32
      %dma_wait3A_378 = arith.constant 0 : i32
      %dma_wait3A_379 = tpu.memref_slice %arg2[%dma_wait3A_377, %dma_wait3A_378] : memref<10000x128xf32, #tpu.memory_space<hbm>> -> memref<10000x128xf32, #tpu.memory_space<hbm>>
      tpu.wait_indirect_dma semaphore(%arg24 : memref<!tpu.dma_semaphore, #tpu.memory_space<semaphore_mem>>) src(%dma_wait3A_379 : memref<10000x128xf32, #tpu.memory_space<hbm>>) dst(%arg14 : memref<96x128xf32, #tpu.memory_space<vmem>>)
      %dma_start3A_380 = arith.constant 1 : i32
      %dma_start3A_381 = arith.constant 0 : i32
      %dma_start3A_382 = tpu.memref_slice %arg8[%dma_start3A_380, %dma_start3A_381] : memref<2x96xi32, #tpu.memory_space<vmem>> -> memref<1x96xi32, #tpu.memory_space<vmem>>
      %dma_start3A_383 = tpu.memref_squeeze %dma_start3A_382 : memref<1x96xi32, #tpu.memory_space<vmem>> -> memref<96xi32, #tpu.memory_space<vmem>>
      %dma_start3A_384 = arith.constant 0 : i32
      %dma_start3A_385 = arith.constant 0 : i32
      %dma_start3A_386 = tpu.memref_slice %arg15[%dma_start3A_384, %dma_start3A_385] : memref<10016x128xf32, #tpu.memory_space<vmem_shared>> -> memref<10016x128xf32, #tpu.memory_space<vmem_shared>>
      tpu.enqueue_indirect_dma source(%arg14 : memref<96x128xf32, #tpu.memory_space<vmem>>) target(%dma_start3A_386 : memref<10016x128xf32, #tpu.memory_space<vmem_shared>>) offsets(%dma_start3A_383 : memref<96xi32, #tpu.memory_space<vmem>>) semaphore(%arg27 : memref<!tpu.dma_semaphore, #tpu.memory_space<semaphore_mem>>) {add = true}
      %dma_wait3A_387 = arith.constant 1 : i32
      %dma_wait3A_388 = arith.constant 0 : i32
      %dma_wait3A_389 = tpu.memref_slice %arg6[%dma_wait3A_387, %dma_wait3A_388] : memref<2x96xi32, #tpu.memory_space<vmem>> -> memref<1x96xi32, #tpu.memory_space<vmem>>
      %dma_wait3A_390 = tpu.memref_squeeze %dma_wait3A_389 : memref<1x96xi32, #tpu.memory_space<vmem>> -> memref<96xi32, #tpu.memory_space<vmem>>
      %dma_wait3A_391 = arith.constant 0 : i32
      %dma_wait3A_392 = arith.constant 0 : i32
      %dma_wait3A_393 = tpu.memref_slice %arg15[%dma_wait3A_391, %dma_wait3A_392] : memref<10016x128xf32, #tpu.memory_space<vmem_shared>> -> memref<10016x128xf32, #tpu.memory_space<vmem_shared>>
      tpu.wait_indirect_dma semaphore(%arg26 : memref<!tpu.dma_semaphore, #tpu.memory_space<semaphore_mem>>) src(%arg13 : memref<96x128xf32, #tpu.memory_space<vmem>>) dst(%dma_wait3A_393 : memref<10016x128xf32, #tpu.memory_space<vmem_shared>>)
      %dma_wait3A_394 = arith.constant 0 : i32
      %dma_wait3A_395 = arith.constant 0 : i32
      %dma_wait3A_396 = arith.constant 0 : i32
      %dma_wait3A_397 = tpu.memref_slice %arg3[%add3A, %dma_wait3A_394, %dma_wait3A_395, %dma_wait3A_396] : memref<32x108x2x96xi32, #tpu.memory_space<hbm>> -> memref<1x1x2x96xi32, #tpu.memory_space<hbm>>
      %dma_wait3A_398 = tpu.memref_squeeze %dma_wait3A_397 : memref<1x1x2x96xi32, #tpu.memory_space<hbm>> -> memref<2x96xi32, #tpu.memory_space<hbm>>
      %dma_wait3A_399 = arith.constant 0 : i32
      %dma_wait3A_400 = arith.constant 0 : i32
      %dma_wait3A_401 = tpu.memref_slice %arg3[%add3A, %dma_wait3A_394, %dma_wait3A_399, %dma_wait3A_400] : memref<32x108x2x96xi32, #tpu.memory_space<hbm>> -> memref<1x1x2x96xi32, #tpu.memory_space<hbm>>
      %dma_wait3A_402 = tpu.memref_squeeze %dma_wait3A_401 : memref<1x1x2x96xi32, #tpu.memory_space<hbm>> -> memref<2x96xi32, #tpu.memory_space<hbm>>
      tpu.wait_dma2 semaphore(%arg20 : memref<!tpu.dma_semaphore, #tpu.memory_space<semaphore_mem>>) src(%dma_wait3A_402 : memref<2x96xi32, #tpu.memory_space<hbm>>) dst(%arg10 : memref<2x96xi32, #tpu.memory_space<vmem>>)
      %dma_start3A_403 = arith.constant 0 : i32
      %dma_start3A_404 = arith.constant 0 : i32
      %dma_start3A_405 = tpu.memref_slice %arg10[%dma_start3A_403, %dma_start3A_404] : memref<2x96xi32, #tpu.memory_space<vmem>> -> memref<1x96xi32, #tpu.memory_space<vmem>>
      %dma_start3A_406 = tpu.memref_squeeze %dma_start3A_405 : memref<1x96xi32, #tpu.memory_space<vmem>> -> memref<96xi32, #tpu.memory_space<vmem>>
      %dma_start3A_407 = arith.constant 0 : i32
      %dma_start3A_408 = arith.constant 0 : i32
      %dma_start3A_409 = tpu.memref_slice %arg2[%dma_start3A_407, %dma_start3A_408] : memref<10000x128xf32, #tpu.memory_space<hbm>> -> memref<10000x128xf32, #tpu.memory_space<hbm>>
      tpu.enqueue_indirect_dma source(%dma_start3A_409 : memref<10000x128xf32, #tpu.memory_space<hbm>>) target(%arg13 : memref<96x128xf32, #tpu.memory_space<vmem>>) offsets(%dma_start3A_406 : memref<96xi32, #tpu.memory_space<vmem>>) semaphore(%arg23 : memref<!tpu.dma_semaphore, #tpu.memory_space<semaphore_mem>>)
      %add3A_410 = arith.constant 5 : i32
      %add3A_411 = arith.addi %add3A_372, %add3A_410 : i32
      %dma_start3A_412 = arith.constant 0 : i32
      %dma_start3A_413 = arith.constant 0 : i32
      %dma_start3A_414 = tpu.memref_slice %arg3[%add3A, %add3A_411, %dma_start3A_412, %dma_start3A_413] : memref<32x108x2x96xi32, #tpu.memory_space<hbm>> -> memref<1x1x2x96xi32, #tpu.memory_space<hbm>>
      %dma_start3A_415 = tpu.memref_squeeze %dma_start3A_414 : memref<1x1x2x96xi32, #tpu.memory_space<hbm>> -> memref<2x96xi32, #tpu.memory_space<hbm>>
      %dma_start3A_416 = arith.constant 0 : i32
      %dma_start3A_417 = arith.constant 0 : i32
      %dma_start3A_418 = tpu.memref_slice %arg3[%add3A, %add3A_411, %dma_start3A_416, %dma_start3A_417] : memref<32x108x2x96xi32, #tpu.memory_space<hbm>> -> memref<1x1x2x96xi32, #tpu.memory_space<hbm>>
      %dma_start3A_419 = tpu.memref_squeeze %dma_start3A_418 : memref<1x1x2x96xi32, #tpu.memory_space<hbm>> -> memref<2x96xi32, #tpu.memory_space<hbm>>
      tpu.enqueue_dma source(%dma_start3A_419 : memref<2x96xi32, #tpu.memory_space<hbm>>) target(%arg7 : memref<2x96xi32, #tpu.memory_space<vmem>>) target_semaphore(%arg17 : memref<!tpu.dma_semaphore, #tpu.memory_space<semaphore_mem>>)
      %mul3A_420 = arith.constant 6 : i32
      %mul3A_421 = arith.muli %scan3A_313, %mul3A_420 : i32
      %add3A_422 = arith.constant 2 : i32
      %add3A_423 = arith.addi %mul3A_421, %add3A_422 : i32
      %add3A_424 = arith.constant 1 : i32
      %add3A_425 = arith.addi %add3A_423, %add3A_424 : i32
      %dma_wait3A_426 = arith.constant 0 : i32
      %dma_wait3A_427 = arith.constant 0 : i32
      %dma_wait3A_428 = tpu.memref_slice %arg6[%dma_wait3A_426, %dma_wait3A_427] : memref<2x96xi32, #tpu.memory_space<vmem>> -> memref<1x96xi32, #tpu.memory_space<vmem>>
      %dma_wait3A_429 = tpu.memref_squeeze %dma_wait3A_428 : memref<1x96xi32, #tpu.memory_space<vmem>> -> memref<96xi32, #tpu.memory_space<vmem>>
      %dma_wait3A_430 = arith.constant 0 : i32
      %dma_wait3A_431 = arith.constant 0 : i32
      %dma_wait3A_432 = tpu.memref_slice %arg2[%dma_wait3A_430, %dma_wait3A_431] : memref<10000x128xf32, #tpu.memory_space<hbm>> -> memref<10000x128xf32, #tpu.memory_space<hbm>>
      tpu.wait_indirect_dma semaphore(%arg22 : memref<!tpu.dma_semaphore, #tpu.memory_space<semaphore_mem>>) src(%dma_wait3A_432 : memref<10000x128xf32, #tpu.memory_space<hbm>>) dst(%arg12 : memref<96x128xf32, #tpu.memory_space<vmem>>)
      %dma_start3A_433 = arith.constant 1 : i32
      %dma_start3A_434 = arith.constant 0 : i32
      %dma_start3A_435 = tpu.memref_slice %arg9[%dma_start3A_433, %dma_start3A_434] : memref<2x96xi32, #tpu.memory_space<vmem>> -> memref<1x96xi32, #tpu.memory_space<vmem>>
      %dma_start3A_436 = tpu.memref_squeeze %dma_start3A_435 : memref<1x96xi32, #tpu.memory_space<vmem>> -> memref<96xi32, #tpu.memory_space<vmem>>
      %dma_start3A_437 = arith.constant 0 : i32
      %dma_start3A_438 = arith.constant 0 : i32
      %dma_start3A_439 = tpu.memref_slice %arg15[%dma_start3A_437, %dma_start3A_438] : memref<10016x128xf32, #tpu.memory_space<vmem_shared>> -> memref<10016x128xf32, #tpu.memory_space<vmem_shared>>
      tpu.enqueue_indirect_dma source(%arg12 : memref<96x128xf32, #tpu.memory_space<vmem>>) target(%dma_start3A_439 : memref<10016x128xf32, #tpu.memory_space<vmem_shared>>) offsets(%dma_start3A_436 : memref<96xi32, #tpu.memory_space<vmem>>) semaphore(%arg25 : memref<!tpu.dma_semaphore, #tpu.memory_space<semaphore_mem>>) {add = true}
      %dma_wait3A_440 = arith.constant 1 : i32
      %dma_wait3A_441 = arith.constant 0 : i32
      %dma_wait3A_442 = tpu.memref_slice %arg6[%dma_wait3A_440, %dma_wait3A_441] : memref<2x96xi32, #tpu.memory_space<vmem>> -> memref<1x96xi32, #tpu.memory_space<vmem>>
      %dma_wait3A_443 = tpu.memref_squeeze %dma_wait3A_442 : memref<1x96xi32, #tpu.memory_space<vmem>> -> memref<96xi32, #tpu.memory_space<vmem>>
      %dma_wait3A_444 = arith.constant 0 : i32
      %dma_wait3A_445 = arith.constant 0 : i32
      %dma_wait3A_446 = tpu.memref_slice %arg15[%dma_wait3A_444, %dma_wait3A_445] : memref<10016x128xf32, #tpu.memory_space<vmem_shared>> -> memref<10016x128xf32, #tpu.memory_space<vmem_shared>>
      tpu.wait_indirect_dma semaphore(%arg27 : memref<!tpu.dma_semaphore, #tpu.memory_space<semaphore_mem>>) src(%arg14 : memref<96x128xf32, #tpu.memory_space<vmem>>) dst(%dma_wait3A_446 : memref<10016x128xf32, #tpu.memory_space<vmem_shared>>)
      %dma_wait3A_447 = arith.constant 0 : i32
      %dma_wait3A_448 = arith.constant 0 : i32
      %dma_wait3A_449 = arith.constant 0 : i32
      %dma_wait3A_450 = tpu.memref_slice %arg3[%add3A, %dma_wait3A_447, %dma_wait3A_448, %dma_wait3A_449] : memref<32x108x2x96xi32, #tpu.memory_space<hbm>> -> memref<1x1x2x96xi32, #tpu.memory_space<hbm>>
      %dma_wait3A_451 = tpu.memref_squeeze %dma_wait3A_450 : memref<1x1x2x96xi32, #tpu.memory_space<hbm>> -> memref<2x96xi32, #tpu.memory_space<hbm>>
      %dma_wait3A_452 = arith.constant 0 : i32
      %dma_wait3A_453 = arith.constant 0 : i32
      %dma_wait3A_454 = tpu.memref_slice %arg3[%add3A, %dma_wait3A_447, %dma_wait3A_452, %dma_wait3A_453] : memref<32x108x2x96xi32, #tpu.memory_space<hbm>> -> memref<1x1x2x96xi32, #tpu.memory_space<hbm>>
      %dma_wait3A_455 = tpu.memref_squeeze %dma_wait3A_454 : memref<1x1x2x96xi32, #tpu.memory_space<hbm>> -> memref<2x96xi32, #tpu.memory_space<hbm>>
      tpu.wait_dma2 semaphore(%arg21 : memref<!tpu.dma_semaphore, #tpu.memory_space<semaphore_mem>>) src(%dma_wait3A_455 : memref<2x96xi32, #tpu.memory_space<hbm>>) dst(%arg11 : memref<2x96xi32, #tpu.memory_space<vmem>>)
      %dma_start3A_456 = arith.constant 0 : i32
      %dma_start3A_457 = arith.constant 0 : i32
      %dma_start3A_458 = tpu.memref_slice %arg11[%dma_start3A_456, %dma_start3A_457] : memref<2x96xi32, #tpu.memory_space<vmem>> -> memref<1x96xi32, #tpu.memory_space<vmem>>
      %dma_start3A_459 = tpu.memref_squeeze %dma_start3A_458 : memref<1x96xi32, #tpu.memory_space<vmem>> -> memref<96xi32, #tpu.memory_space<vmem>>
      %dma_start3A_460 = arith.constant 0 : i32
      %dma_start3A_461 = arith.constant 0 : i32
      %dma_start3A_462 = tpu.memref_slice %arg2[%dma_start3A_460, %dma_start3A_461] : memref<10000x128xf32, #tpu.memory_space<hbm>> -> memref<10000x128xf32, #tpu.memory_space<hbm>>
      tpu.enqueue_indirect_dma source(%dma_start3A_462 : memref<10000x128xf32, #tpu.memory_space<hbm>>) target(%arg14 : memref<96x128xf32, #tpu.memory_space<vmem>>) offsets(%dma_start3A_459 : memref<96xi32, #tpu.memory_space<vmem>>) semaphore(%arg24 : memref<!tpu.dma_semaphore, #tpu.memory_space<semaphore_mem>>)
      %add3A_463 = arith.constant 5 : i32
      %add3A_464 = arith.addi %add3A_425, %add3A_463 : i32
      %dma_start3A_465 = arith.constant 0 : i32
      %dma_start3A_466 = arith.constant 0 : i32
      %dma_start3A_467 = tpu.memref_slice %arg3[%add3A, %add3A_464, %dma_start3A_465, %dma_start3A_466] : memref<32x108x2x96xi32, #tpu.memory_space<hbm>> -> memref<1x1x2x96xi32, #tpu.memory_space<hbm>>
      %dma_start3A_468 = tpu.memref_squeeze %dma_start3A_467 : memref<1x1x2x96xi32, #tpu.memory_space<hbm>> -> memref<2x96xi32, #tpu.memory_space<hbm>>
      %dma_start3A_469 = arith.constant 0 : i32
      %dma_start3A_470 = arith.constant 0 : i32
      %dma_start3A_471 = tpu.memref_slice %arg3[%add3A, %add3A_464, %dma_start3A_469, %dma_start3A_470] : memref<32x108x2x96xi32, #tpu.memory_space<hbm>> -> memref<1x1x2x96xi32, #tpu.memory_space<hbm>>
      %dma_start3A_472 = tpu.memref_squeeze %dma_start3A_471 : memref<1x1x2x96xi32, #tpu.memory_space<hbm>> -> memref<2x96xi32, #tpu.memory_space<hbm>>
      tpu.enqueue_dma source(%dma_start3A_472 : memref<2x96xi32, #tpu.memory_space<hbm>>) target(%arg8 : memref<2x96xi32, #tpu.memory_space<vmem>>) target_semaphore(%arg18 : memref<!tpu.dma_semaphore, #tpu.memory_space<semaphore_mem>>)
      %mul3A_473 = arith.constant 6 : i32
      %mul3A_474 = arith.muli %scan3A_313, %mul3A_473 : i32
      %add3A_475 = arith.constant 3 : i32
      %add3A_476 = arith.addi %mul3A_474, %add3A_475 : i32
      %add3A_477 = arith.constant 1 : i32
      %add3A_478 = arith.addi %add3A_476, %add3A_477 : i32
      %dma_wait3A_479 = arith.constant 0 : i32
      %dma_wait3A_480 = arith.constant 0 : i32
      %dma_wait3A_481 = tpu.memref_slice %arg6[%dma_wait3A_479, %dma_wait3A_480] : memref<2x96xi32, #tpu.memory_space<vmem>> -> memref<1x96xi32, #tpu.memory_space<vmem>>
      %dma_wait3A_482 = tpu.memref_squeeze %dma_wait3A_481 : memref<1x96xi32, #tpu.memory_space<vmem>> -> memref<96xi32, #tpu.memory_space<vmem>>
      %dma_wait3A_483 = arith.constant 0 : i32
      %dma_wait3A_484 = arith.constant 0 : i32
      %dma_wait3A_485 = tpu.memref_slice %arg2[%dma_wait3A_483, %dma_wait3A_484] : memref<10000x128xf32, #tpu.memory_space<hbm>> -> memref<10000x128xf32, #tpu.memory_space<hbm>>
      tpu.wait_indirect_dma semaphore(%arg23 : memref<!tpu.dma_semaphore, #tpu.memory_space<semaphore_mem>>) src(%dma_wait3A_485 : memref<10000x128xf32, #tpu.memory_space<hbm>>) dst(%arg13 : memref<96x128xf32, #tpu.memory_space<vmem>>)
      %dma_start3A_486 = arith.constant 1 : i32
      %dma_start3A_487 = arith.constant 0 : i32
      %dma_start3A_488 = tpu.memref_slice %arg10[%dma_start3A_486, %dma_start3A_487] : memref<2x96xi32, #tpu.memory_space<vmem>> -> memref<1x96xi32, #tpu.memory_space<vmem>>
      %dma_start3A_489 = tpu.memref_squeeze %dma_start3A_488 : memref<1x96xi32, #tpu.memory_space<vmem>> -> memref<96xi32, #tpu.memory_space<vmem>>
      %dma_start3A_490 = arith.constant 0 : i32
      %dma_start3A_491 = arith.constant 0 : i32
      %dma_start3A_492 = tpu.memref_slice %arg15[%dma_start3A_490, %dma_start3A_491] : memref<10016x128xf32, #tpu.memory_space<vmem_shared>> -> memref<10016x128xf32, #tpu.memory_space<vmem_shared>>
      tpu.enqueue_indirect_dma source(%arg13 : memref<96x128xf32, #tpu.memory_space<vmem>>) target(%dma_start3A_492 : memref<10016x128xf32, #tpu.memory_space<vmem_shared>>) offsets(%dma_start3A_489 : memref<96xi32, #tpu.memory_space<vmem>>) semaphore(%arg26 : memref<!tpu.dma_semaphore, #tpu.memory_space<semaphore_mem>>) {add = true}
      %dma_wait3A_493 = arith.constant 1 : i32
      %dma_wait3A_494 = arith.constant 0 : i32
      %dma_wait3A_495 = tpu.memref_slice %arg6[%dma_wait3A_493, %dma_wait3A_494] : memref<2x96xi32, #tpu.memory_space<vmem>> -> memref<1x96xi32, #tpu.memory_space<vmem>>
      %dma_wait3A_496 = tpu.memref_squeeze %dma_wait3A_495 : memref<1x96xi32, #tpu.memory_space<vmem>> -> memref<96xi32, #tpu.memory_space<vmem>>
      %dma_wait3A_497 = arith.constant 0 : i32
      %dma_wait3A_498 = arith.constant 0 : i32
      %dma_wait3A_499 = tpu.memref_slice %arg15[%dma_wait3A_497, %dma_wait3A_498] : memref<10016x128xf32, #tpu.memory_space<vmem_shared>> -> memref<10016x128xf32, #tpu.memory_space<vmem_shared>>
      tpu.wait_indirect_dma semaphore(%arg25 : memref<!tpu.dma_semaphore, #tpu.memory_space<semaphore_mem>>) src(%arg12 : memref<96x128xf32, #tpu.memory_space<vmem>>) dst(%dma_wait3A_499 : memref<10016x128xf32, #tpu.memory_space<vmem_shared>>)
      %dma_wait3A_500 = arith.constant 0 : i32
      %dma_wait3A_501 = arith.constant 0 : i32
      %dma_wait3A_502 = arith.constant 0 : i32
      %dma_wait3A_503 = tpu.memref_slice %arg3[%add3A, %dma_wait3A_500, %dma_wait3A_501, %dma_wait3A_502] : memref<32x108x2x96xi32, #tpu.memory_space<hbm>> -> memref<1x1x2x96xi32, #tpu.memory_space<hbm>>
      %dma_wait3A_504 = tpu.memref_squeeze %dma_wait3A_503 : memref<1x1x2x96xi32, #tpu.memory_space<hbm>> -> memref<2x96xi32, #tpu.memory_space<hbm>>
      %dma_wait3A_505 = arith.constant 0 : i32
      %dma_wait3A_506 = arith.constant 0 : i32
      %dma_wait3A_507 = tpu.memref_slice %arg3[%add3A, %dma_wait3A_500, %dma_wait3A_505, %dma_wait3A_506] : memref<32x108x2x96xi32, #tpu.memory_space<hbm>> -> memref<1x1x2x96xi32, #tpu.memory_space<hbm>>
      %dma_wait3A_508 = tpu.memref_squeeze %dma_wait3A_507 : memref<1x1x2x96xi32, #tpu.memory_space<hbm>> -> memref<2x96xi32, #tpu.memory_space<hbm>>
      tpu.wait_dma2 semaphore(%arg16 : memref<!tpu.dma_semaphore, #tpu.memory_space<semaphore_mem>>) src(%dma_wait3A_508 : memref<2x96xi32, #tpu.memory_space<hbm>>) dst(%arg6 : memref<2x96xi32, #tpu.memory_space<vmem>>)
      %dma_start3A_509 = arith.constant 0 : i32
      %dma_start3A_510 = arith.constant 0 : i32
      %dma_start3A_511 = tpu.memref_slice %arg6[%dma_start3A_509, %dma_start3A_510] : memref<2x96xi32, #tpu.memory_space<vmem>> -> memref<1x96xi32, #tpu.memory_space<vmem>>
      %dma_start3A_512 = tpu.memref_squeeze %dma_start3A_511 : memref<1x96xi32, #tpu.memory_space<vmem>> -> memref<96xi32, #tpu.memory_space<vmem>>
      %dma_start3A_513 = arith.constant 0 : i32
      %dma_start3A_514 = arith.constant 0 : i32
      %dma_start3A_515 = tpu.memref_slice %arg2[%dma_start3A_513, %dma_start3A_514] : memref<10000x128xf32, #tpu.memory_space<hbm>> -> memref<10000x128xf32, #tpu.memory_space<hbm>>
      tpu.enqueue_indirect_dma source(%dma_start3A_515 : memref<10000x128xf32, #tpu.memory_space<hbm>>) target(%arg12 : memref<96x128xf32, #tpu.memory_space<vmem>>) offsets(%dma_start3A_512 : memref<96xi32, #tpu.memory_space<vmem>>) semaphore(%arg22 : memref<!tpu.dma_semaphore, #tpu.memory_space<semaphore_mem>>)
      %add3A_516 = arith.constant 5 : i32
      %add3A_517 = arith.addi %add3A_478, %add3A_516 : i32
      %dma_start3A_518 = arith.constant 0 : i32
      %dma_start3A_519 = arith.constant 0 : i32
      %dma_start3A_520 = tpu.memref_slice %arg3[%add3A, %add3A_517, %dma_start3A_518, %dma_start3A_519] : memref<32x108x2x96xi32, #tpu.memory_space<hbm>> -> memref<1x1x2x96xi32, #tpu.memory_space<hbm>>
      %dma_start3A_521 = tpu.memref_squeeze %dma_start3A_520 : memref<1x1x2x96xi32, #tpu.memory_space<hbm>> -> memref<2x96xi32, #tpu.memory_space<hbm>>
      %dma_start3A_522 = arith.constant 0 : i32
      %dma_start3A_523 = arith.constant 0 : i32
      %dma_start3A_524 = tpu.memref_slice %arg3[%add3A, %add3A_517, %dma_start3A_522, %dma_start3A_523] : memref<32x108x2x96xi32, #tpu.memory_space<hbm>> -> memref<1x1x2x96xi32, #tpu.memory_space<hbm>>
      %dma_start3A_525 = tpu.memref_squeeze %dma_start3A_524 : memref<1x1x2x96xi32, #tpu.memory_space<hbm>> -> memref<2x96xi32, #tpu.memory_space<hbm>>
      tpu.enqueue_dma source(%dma_start3A_525 : memref<2x96xi32, #tpu.memory_space<hbm>>) target(%arg9 : memref<2x96xi32, #tpu.memory_space<vmem>>) target_semaphore(%arg19 : memref<!tpu.dma_semaphore, #tpu.memory_space<semaphore_mem>>)
      %mul3A_526 = arith.constant 6 : i32
      %mul3A_527 = arith.muli %scan3A_313, %mul3A_526 : i32
      %add3A_528 = arith.constant 4 : i32
      %add3A_529 = arith.addi %mul3A_527, %add3A_528 : i32
      %add3A_530 = arith.constant 1 : i32
      %add3A_531 = arith.addi %add3A_529, %add3A_530 : i32
      %dma_wait3A_532 = arith.constant 0 : i32
      %dma_wait3A_533 = arith.constant 0 : i32
      %dma_wait3A_534 = tpu.memref_slice %arg6[%dma_wait3A_532, %dma_wait3A_533] : memref<2x96xi32, #tpu.memory_space<vmem>> -> memref<1x96xi32, #tpu.memory_space<vmem>>
      %dma_wait3A_535 = tpu.memref_squeeze %dma_wait3A_534 : memref<1x96xi32, #tpu.memory_space<vmem>> -> memref<96xi32, #tpu.memory_space<vmem>>
      %dma_wait3A_536 = arith.constant 0 : i32
      %dma_wait3A_537 = arith.constant 0 : i32
      %dma_wait3A_538 = tpu.memref_slice %arg2[%dma_wait3A_536, %dma_wait3A_537] : memref<10000x128xf32, #tpu.memory_space<hbm>> -> memref<10000x128xf32, #tpu.memory_space<hbm>>
      tpu.wait_indirect_dma semaphore(%arg24 : memref<!tpu.dma_semaphore, #tpu.memory_space<semaphore_mem>>) src(%dma_wait3A_538 : memref<10000x128xf32, #tpu.memory_space<hbm>>) dst(%arg14 : memref<96x128xf32, #tpu.memory_space<vmem>>)
      %dma_start3A_539 = arith.constant 1 : i32
      %dma_start3A_540 = arith.constant 0 : i32
      %dma_start3A_541 = tpu.memref_slice %arg11[%dma_start3A_539, %dma_start3A_540] : memref<2x96xi32, #tpu.memory_space<vmem>> -> memref<1x96xi32, #tpu.memory_space<vmem>>
      %dma_start3A_542 = tpu.memref_squeeze %dma_start3A_541 : memref<1x96xi32, #tpu.memory_space<vmem>> -> memref<96xi32, #tpu.memory_space<vmem>>
      %dma_start3A_543 = arith.constant 0 : i32
      %dma_start3A_544 = arith.constant 0 : i32
      %dma_start3A_545 = tpu.memref_slice %arg15[%dma_start3A_543, %dma_start3A_544] : memref<10016x128xf32, #tpu.memory_space<vmem_shared>> -> memref<10016x128xf32, #tpu.memory_space<vmem_shared>>
      tpu.enqueue_indirect_dma source(%arg14 : memref<96x128xf32, #tpu.memory_space<vmem>>) target(%dma_start3A_545 : memref<10016x128xf32, #tpu.memory_space<vmem_shared>>) offsets(%dma_start3A_542 : memref<96xi32, #tpu.memory_space<vmem>>) semaphore(%arg27 : memref<!tpu.dma_semaphore, #tpu.memory_space<semaphore_mem>>) {add = true}
      %dma_wait3A_546 = arith.constant 1 : i32
      %dma_wait3A_547 = arith.constant 0 : i32
      %dma_wait3A_548 = tpu.memref_slice %arg6[%dma_wait3A_546, %dma_wait3A_547] : memref<2x96xi32, #tpu.memory_space<vmem>> -> memref<1x96xi32, #tpu.memory_space<vmem>>
      %dma_wait3A_549 = tpu.memref_squeeze %dma_wait3A_548 : memref<1x96xi32, #tpu.memory_space<vmem>> -> memref<96xi32, #tpu.memory_space<vmem>>
      %dma_wait3A_550 = arith.constant 0 : i32
      %dma_wait3A_551 = arith.constant 0 : i32
      %dma_wait3A_552 = tpu.memref_slice %arg15[%dma_wait3A_550, %dma_wait3A_551] : memref<10016x128xf32, #tpu.memory_space<vmem_shared>> -> memref<10016x128xf32, #tpu.memory_space<vmem_shared>>
      tpu.wait_indirect_dma semaphore(%arg26 : memref<!tpu.dma_semaphore, #tpu.memory_space<semaphore_mem>>) src(%arg13 : memref<96x128xf32, #tpu.memory_space<vmem>>) dst(%dma_wait3A_552 : memref<10016x128xf32, #tpu.memory_space<vmem_shared>>)
      %dma_wait3A_553 = arith.constant 0 : i32
      %dma_wait3A_554 = arith.constant 0 : i32
      %dma_wait3A_555 = arith.constant 0 : i32
      %dma_wait3A_556 = tpu.memref_slice %arg3[%add3A, %dma_wait3A_553, %dma_wait3A_554, %dma_wait3A_555] : memref<32x108x2x96xi32, #tpu.memory_space<hbm>> -> memref<1x1x2x96xi32, #tpu.memory_space<hbm>>
      %dma_wait3A_557 = tpu.memref_squeeze %dma_wait3A_556 : memref<1x1x2x96xi32, #tpu.memory_space<hbm>> -> memref<2x96xi32, #tpu.memory_space<hbm>>
      %dma_wait3A_558 = arith.constant 0 : i32
      %dma_wait3A_559 = arith.constant 0 : i32
      %dma_wait3A_560 = tpu.memref_slice %arg3[%add3A, %dma_wait3A_553, %dma_wait3A_558, %dma_wait3A_559] : memref<32x108x2x96xi32, #tpu.memory_space<hbm>> -> memref<1x1x2x96xi32, #tpu.memory_space<hbm>>
      %dma_wait3A_561 = tpu.memref_squeeze %dma_wait3A_560 : memref<1x1x2x96xi32, #tpu.memory_space<hbm>> -> memref<2x96xi32, #tpu.memory_space<hbm>>
      tpu.wait_dma2 semaphore(%arg17 : memref<!tpu.dma_semaphore, #tpu.memory_space<semaphore_mem>>) src(%dma_wait3A_561 : memref<2x96xi32, #tpu.memory_space<hbm>>) dst(%arg7 : memref<2x96xi32, #tpu.memory_space<vmem>>)
      %dma_start3A_562 = arith.constant 0 : i32
      %dma_start3A_563 = arith.constant 0 : i32
      %dma_start3A_564 = tpu.memref_slice %arg7[%dma_start3A_562, %dma_start3A_563] : memref<2x96xi32, #tpu.memory_space<vmem>> -> memref<1x96xi32, #tpu.memory_space<vmem>>
      %dma_start3A_565 = tpu.memref_squeeze %dma_start3A_564 : memref<1x96xi32, #tpu.memory_space<vmem>> -> memref<96xi32, #tpu.memory_space<vmem>>
      %dma_start3A_566 = arith.constant 0 : i32
      %dma_start3A_567 = arith.constant 0 : i32
      %dma_start3A_568 = tpu.memref_slice %arg2[%dma_start3A_566, %dma_start3A_567] : memref<10000x128xf32, #tpu.memory_space<hbm>> -> memref<10000x128xf32, #tpu.memory_space<hbm>>
      tpu.enqueue_indirect_dma source(%dma_start3A_568 : memref<10000x128xf32, #tpu.memory_space<hbm>>) target(%arg13 : memref<96x128xf32, #tpu.memory_space<vmem>>) offsets(%dma_start3A_565 : memref<96xi32, #tpu.memory_space<vmem>>) semaphore(%arg23 : memref<!tpu.dma_semaphore, #tpu.memory_space<semaphore_mem>>)
      %add3A_569 = arith.constant 5 : i32
      %add3A_570 = arith.addi %add3A_531, %add3A_569 : i32
      %dma_start3A_571 = arith.constant 0 : i32
      %dma_start3A_572 = arith.constant 0 : i32
      %dma_start3A_573 = tpu.memref_slice %arg3[%add3A, %add3A_570, %dma_start3A_571, %dma_start3A_572] : memref<32x108x2x96xi32, #tpu.memory_space<hbm>> -> memref<1x1x2x96xi32, #tpu.memory_space<hbm>>
      %dma_start3A_574 = tpu.memref_squeeze %dma_start3A_573 : memref<1x1x2x96xi32, #tpu.memory_space<hbm>> -> memref<2x96xi32, #tpu.memory_space<hbm>>
      %dma_start3A_575 = arith.constant 0 : i32
      %dma_start3A_576 = arith.constant 0 : i32
      %dma_start3A_577 = tpu.memref_slice %arg3[%add3A, %add3A_570, %dma_start3A_575, %dma_start3A_576] : memref<32x108x2x96xi32, #tpu.memory_space<hbm>> -> memref<1x1x2x96xi32, #tpu.memory_space<hbm>>
      %dma_start3A_578 = tpu.memref_squeeze %dma_start3A_577 : memref<1x1x2x96xi32, #tpu.memory_space<hbm>> -> memref<2x96xi32, #tpu.memory_space<hbm>>
      tpu.enqueue_dma source(%dma_start3A_578 : memref<2x96xi32, #tpu.memory_space<hbm>>) target(%arg10 : memref<2x96xi32, #tpu.memory_space<vmem>>) target_semaphore(%arg20 : memref<!tpu.dma_semaphore, #tpu.memory_space<semaphore_mem>>)
      %mul3A_579 = arith.constant 6 : i32
      %mul3A_580 = arith.muli %scan3A_313, %mul3A_579 : i32
      %add3A_581 = arith.constant 5 : i32
      %add3A_582 = arith.addi %mul3A_580, %add3A_581 : i32
      %add3A_583 = arith.constant 1 : i32
      %add3A_584 = arith.addi %add3A_582, %add3A_583 : i32
      %dma_wait3A_585 = arith.constant 0 : i32
      %dma_wait3A_586 = arith.constant 0 : i32
      %dma_wait3A_587 = tpu.memref_slice %arg6[%dma_wait3A_585, %dma_wait3A_586] : memref<2x96xi32, #tpu.memory_space<vmem>> -> memref<1x96xi32, #tpu.memory_space<vmem>>
      %dma_wait3A_588 = tpu.memref_squeeze %dma_wait3A_587 : memref<1x96xi32, #tpu.memory_space<vmem>> -> memref<96xi32, #tpu.memory_space<vmem>>
      %dma_wait3A_589 = arith.constant 0 : i32
      %dma_wait3A_590 = arith.constant 0 : i32
      %dma_wait3A_591 = tpu.memref_slice %arg2[%dma_wait3A_589, %dma_wait3A_590] : memref<10000x128xf32, #tpu.memory_space<hbm>> -> memref<10000x128xf32, #tpu.memory_space<hbm>>
      tpu.wait_indirect_dma semaphore(%arg22 : memref<!tpu.dma_semaphore, #tpu.memory_space<semaphore_mem>>) src(%dma_wait3A_591 : memref<10000x128xf32, #tpu.memory_space<hbm>>) dst(%arg12 : memref<96x128xf32, #tpu.memory_space<vmem>>)
      %dma_start3A_592 = arith.constant 1 : i32
      %dma_start3A_593 = arith.constant 0 : i32
      %dma_start3A_594 = tpu.memref_slice %arg6[%dma_start3A_592, %dma_start3A_593] : memref<2x96xi32, #tpu.memory_space<vmem>> -> memref<1x96xi32, #tpu.memory_space<vmem>>
      %dma_start3A_595 = tpu.memref_squeeze %dma_start3A_594 : memref<1x96xi32, #tpu.memory_space<vmem>> -> memref<96xi32, #tpu.memory_space<vmem>>
      %dma_start3A_596 = arith.constant 0 : i32
      %dma_start3A_597 = arith.constant 0 : i32
      %dma_start3A_598 = tpu.memref_slice %arg15[%dma_start3A_596, %dma_start3A_597] : memref<10016x128xf32, #tpu.memory_space<vmem_shared>> -> memref<10016x128xf32, #tpu.memory_space<vmem_shared>>
      tpu.enqueue_indirect_dma source(%arg12 : memref<96x128xf32, #tpu.memory_space<vmem>>) target(%dma_start3A_598 : memref<10016x128xf32, #tpu.memory_space<vmem_shared>>) offsets(%dma_start3A_595 : memref<96xi32, #tpu.memory_space<vmem>>) semaphore(%arg25 : memref<!tpu.dma_semaphore, #tpu.memory_space<semaphore_mem>>) {add = true}
      %dma_wait3A_599 = arith.constant 1 : i32
      %dma_wait3A_600 = arith.constant 0 : i32
      %dma_wait3A_601 = tpu.memref_slice %arg6[%dma_wait3A_599, %dma_wait3A_600] : memref<2x96xi32, #tpu.memory_space<vmem>> -> memref<1x96xi32, #tpu.memory_space<vmem>>
      %dma_wait3A_602 = tpu.memref_squeeze %dma_wait3A_601 : memref<1x96xi32, #tpu.memory_space<vmem>> -> memref<96xi32, #tpu.memory_space<vmem>>
      %dma_wait3A_603 = arith.constant 0 : i32
      %dma_wait3A_604 = arith.constant 0 : i32
      %dma_wait3A_605 = tpu.memref_slice %arg15[%dma_wait3A_603, %dma_wait3A_604] : memref<10016x128xf32, #tpu.memory_space<vmem_shared>> -> memref<10016x128xf32, #tpu.memory_space<vmem_shared>>
      tpu.wait_indirect_dma semaphore(%arg27 : memref<!tpu.dma_semaphore, #tpu.memory_space<semaphore_mem>>) src(%arg14 : memref<96x128xf32, #tpu.memory_space<vmem>>) dst(%dma_wait3A_605 : memref<10016x128xf32, #tpu.memory_space<vmem_shared>>)
      %dma_wait3A_606 = arith.constant 0 : i32
      %dma_wait3A_607 = arith.constant 0 : i32
      %dma_wait3A_608 = arith.constant 0 : i32
      %dma_wait3A_609 = tpu.memref_slice %arg3[%add3A, %dma_wait3A_606, %dma_wait3A_607, %dma_wait3A_608] : memref<32x108x2x96xi32, #tpu.memory_space<hbm>> -> memref<1x1x2x96xi32, #tpu.memory_space<hbm>>
      %dma_wait3A_610 = tpu.memref_squeeze %dma_wait3A_609 : memref<1x1x2x96xi32, #tpu.memory_space<hbm>> -> memref<2x96xi32, #tpu.memory_space<hbm>>
      %dma_wait3A_611 = arith.constant 0 : i32
      %dma_wait3A_612 = arith.constant 0 : i32
      %dma_wait3A_613 = tpu.memref_slice %arg3[%add3A, %dma_wait3A_606, %dma_wait3A_611, %dma_wait3A_612] : memref<32x108x2x96xi32, #tpu.memory_space<hbm>> -> memref<1x1x2x96xi32, #tpu.memory_space<hbm>>
      %dma_wait3A_614 = tpu.memref_squeeze %dma_wait3A_613 : memref<1x1x2x96xi32, #tpu.memory_space<hbm>> -> memref<2x96xi32, #tpu.memory_space<hbm>>
      tpu.wait_dma2 semaphore(%arg18 : memref<!tpu.dma_semaphore, #tpu.memory_space<semaphore_mem>>) src(%dma_wait3A_614 : memref<2x96xi32, #tpu.memory_space<hbm>>) dst(%arg8 : memref<2x96xi32, #tpu.memory_space<vmem>>)
      %dma_start3A_615 = arith.constant 0 : i32
      %dma_start3A_616 = arith.constant 0 : i32
      %dma_start3A_617 = tpu.memref_slice %arg8[%dma_start3A_615, %dma_start3A_616] : memref<2x96xi32, #tpu.memory_space<vmem>> -> memref<1x96xi32, #tpu.memory_space<vmem>>
      %dma_start3A_618 = tpu.memref_squeeze %dma_start3A_617 : memref<1x96xi32, #tpu.memory_space<vmem>> -> memref<96xi32, #tpu.memory_space<vmem>>
      %dma_start3A_619 = arith.constant 0 : i32
      %dma_start3A_620 = arith.constant 0 : i32
      %dma_start3A_621 = tpu.memref_slice %arg2[%dma_start3A_619, %dma_start3A_620] : memref<10000x128xf32, #tpu.memory_space<hbm>> -> memref<10000x128xf32, #tpu.memory_space<hbm>>
      tpu.enqueue_indirect_dma source(%dma_start3A_621 : memref<10000x128xf32, #tpu.memory_space<hbm>>) target(%arg14 : memref<96x128xf32, #tpu.memory_space<vmem>>) offsets(%dma_start3A_618 : memref<96xi32, #tpu.memory_space<vmem>>) semaphore(%arg24 : memref<!tpu.dma_semaphore, #tpu.memory_space<semaphore_mem>>)
      %add3A_622 = arith.constant 5 : i32
      %add3A_623 = arith.addi %add3A_584, %add3A_622 : i32
      %dma_start3A_624 = arith.constant 0 : i32
      %dma_start3A_625 = arith.constant 0 : i32
      %dma_start3A_626 = tpu.memref_slice %arg3[%add3A, %add3A_623, %dma_start3A_624, %dma_start3A_625] : memref<32x108x2x96xi32, #tpu.memory_space<hbm>> -> memref<1x1x2x96xi32, #tpu.memory_space<hbm>>
      %dma_start3A_627 = tpu.memref_squeeze %dma_start3A_626 : memref<1x1x2x96xi32, #tpu.memory_space<hbm>> -> memref<2x96xi32, #tpu.memory_space<hbm>>
      %dma_start3A_628 = arith.constant 0 : i32
      %dma_start3A_629 = arith.constant 0 : i32
      %dma_start3A_630 = tpu.memref_slice %arg3[%add3A, %add3A_623, %dma_start3A_628, %dma_start3A_629] : memref<32x108x2x96xi32, #tpu.memory_space<hbm>> -> memref<1x1x2x96xi32, #tpu.memory_space<hbm>>
      %dma_start3A_631 = tpu.memref_squeeze %dma_start3A_630 : memref<1x1x2x96xi32, #tpu.memory_space<hbm>> -> memref<2x96xi32, #tpu.memory_space<hbm>>
      tpu.enqueue_dma source(%dma_start3A_631 : memref<2x96xi32, #tpu.memory_space<hbm>>) target(%arg11 : memref<2x96xi32, #tpu.memory_space<vmem>>) target_semaphore(%arg21 : memref<!tpu.dma_semaphore, #tpu.memory_space<semaphore_mem>>)
    }
    %scan3A_121 = arith.constant 17 : i32
    %dma_wait3A_122 = arith.constant 0 : i32
    %dma_wait3A_123 = arith.constant 0 : i32
    %dma_wait3A_124 = tpu.memref_slice %arg6[%dma_wait3A_122, %dma_wait3A_123] : memref<2x96xi32, #tpu.memory_space<vmem>> -> memref<1x96xi32, #tpu.memory_space<vmem>>
    %dma_wait3A_125 = tpu.memref_squeeze %dma_wait3A_124 : memref<1x96xi32, #tpu.memory_space<vmem>> -> memref<96xi32, #tpu.memory_space<vmem>>
    %dma_wait3A_126 = arith.constant 0 : i32
    %dma_wait3A_127 = arith.constant 0 : i32
    %dma_wait3A_128 = tpu.memref_slice %arg2[%dma_wait3A_126, %dma_wait3A_127] : memref<10000x128xf32, #tpu.memory_space<hbm>> -> memref<10000x128xf32, #tpu.memory_space<hbm>>
    tpu.wait_indirect_dma semaphore(%arg23 : memref<!tpu.dma_semaphore, #tpu.memory_space<semaphore_mem>>) src(%dma_wait3A_128 : memref<10000x128xf32, #tpu.memory_space<hbm>>) dst(%arg13 : memref<96x128xf32, #tpu.memory_space<vmem>>)
    %dma_start3A_129 = arith.constant 1 : i32
    %dma_start3A_130 = arith.constant 0 : i32
    %dma_start3A_131 = tpu.memref_slice %arg7[%dma_start3A_129, %dma_start3A_130] : memref<2x96xi32, #tpu.memory_space<vmem>> -> memref<1x96xi32, #tpu.memory_space<vmem>>
    %dma_start3A_132 = tpu.memref_squeeze %dma_start3A_131 : memref<1x96xi32, #tpu.memory_space<vmem>> -> memref<96xi32, #tpu.memory_space<vmem>>
    %dma_start3A_133 = arith.constant 0 : i32
    %dma_start3A_134 = arith.constant 0 : i32
    %dma_start3A_135 = tpu.memref_slice %arg15[%dma_start3A_133, %dma_start3A_134] : memref<10016x128xf32, #tpu.memory_space<vmem_shared>> -> memref<10016x128xf32, #tpu.memory_space<vmem_shared>>
    tpu.enqueue_indirect_dma source(%arg13 : memref<96x128xf32, #tpu.memory_space<vmem>>) target(%dma_start3A_135 : memref<10016x128xf32, #tpu.memory_space<vmem_shared>>) offsets(%dma_start3A_132 : memref<96xi32, #tpu.memory_space<vmem>>) semaphore(%arg26 : memref<!tpu.dma_semaphore, #tpu.memory_space<semaphore_mem>>) {add = true}
    %dma_wait3A_136 = arith.constant 1 : i32
    %dma_wait3A_137 = arith.constant 0 : i32
    %dma_wait3A_138 = tpu.memref_slice %arg6[%dma_wait3A_136, %dma_wait3A_137] : memref<2x96xi32, #tpu.memory_space<vmem>> -> memref<1x96xi32, #tpu.memory_space<vmem>>
    %dma_wait3A_139 = tpu.memref_squeeze %dma_wait3A_138 : memref<1x96xi32, #tpu.memory_space<vmem>> -> memref<96xi32, #tpu.memory_space<vmem>>
    %dma_wait3A_140 = arith.constant 0 : i32
    %dma_wait3A_141 = arith.constant 0 : i32
    %dma_wait3A_142 = tpu.memref_slice %arg15[%dma_wait3A_140, %dma_wait3A_141] : memref<10016x128xf32, #tpu.memory_space<vmem_shared>> -> memref<10016x128xf32, #tpu.memory_space<vmem_shared>>
    tpu.wait_indirect_dma semaphore(%arg25 : memref<!tpu.dma_semaphore, #tpu.memory_space<semaphore_mem>>) src(%arg12 : memref<96x128xf32, #tpu.memory_space<vmem>>) dst(%dma_wait3A_142 : memref<10016x128xf32, #tpu.memory_space<vmem_shared>>)
    %dma_wait3A_143 = arith.constant 0 : i32
    %dma_wait3A_144 = arith.constant 0 : i32
    %dma_wait3A_145 = arith.constant 0 : i32
    %dma_wait3A_146 = tpu.memref_slice %arg3[%add3A, %dma_wait3A_143, %dma_wait3A_144, %dma_wait3A_145] : memref<32x108x2x96xi32, #tpu.memory_space<hbm>> -> memref<1x1x2x96xi32, #tpu.memory_space<hbm>>
    %dma_wait3A_147 = tpu.memref_squeeze %dma_wait3A_146 : memref<1x1x2x96xi32, #tpu.memory_space<hbm>> -> memref<2x96xi32, #tpu.memory_space<hbm>>
    %dma_wait3A_148 = arith.constant 0 : i32
    %dma_wait3A_149 = arith.constant 0 : i32
    %dma_wait3A_150 = tpu.memref_slice %arg3[%add3A, %dma_wait3A_143, %dma_wait3A_148, %dma_wait3A_149] : memref<32x108x2x96xi32, #tpu.memory_space<hbm>> -> memref<1x1x2x96xi32, #tpu.memory_space<hbm>>
    %dma_wait3A_151 = tpu.memref_squeeze %dma_wait3A_150 : memref<1x1x2x96xi32, #tpu.memory_space<hbm>> -> memref<2x96xi32, #tpu.memory_space<hbm>>
    tpu.wait_dma2 semaphore(%arg19 : memref<!tpu.dma_semaphore, #tpu.memory_space<semaphore_mem>>) src(%dma_wait3A_151 : memref<2x96xi32, #tpu.memory_space<hbm>>) dst(%arg9 : memref<2x96xi32, #tpu.memory_space<vmem>>)
    %dma_start3A_152 = arith.constant 0 : i32
    %dma_start3A_153 = arith.constant 0 : i32
    %dma_start3A_154 = tpu.memref_slice %arg9[%dma_start3A_152, %dma_start3A_153] : memref<2x96xi32, #tpu.memory_space<vmem>> -> memref<1x96xi32, #tpu.memory_space<vmem>>
    %dma_start3A_155 = tpu.memref_squeeze %dma_start3A_154 : memref<1x96xi32, #tpu.memory_space<vmem>> -> memref<96xi32, #tpu.memory_space<vmem>>
    %dma_start3A_156 = arith.constant 0 : i32
    %dma_start3A_157 = arith.constant 0 : i32
    %dma_start3A_158 = tpu.memref_slice %arg2[%dma_start3A_156, %dma_start3A_157] : memref<10000x128xf32, #tpu.memory_space<hbm>> -> memref<10000x128xf32, #tpu.memory_space<hbm>>
    tpu.enqueue_indirect_dma source(%dma_start3A_158 : memref<10000x128xf32, #tpu.memory_space<hbm>>) target(%arg12 : memref<96x128xf32, #tpu.memory_space<vmem>>) offsets(%dma_start3A_155 : memref<96xi32, #tpu.memory_space<vmem>>) semaphore(%arg22 : memref<!tpu.dma_semaphore, #tpu.memory_space<semaphore_mem>>)
    %dma_wait3A_159 = arith.constant 0 : i32
    %dma_wait3A_160 = arith.constant 0 : i32
    %dma_wait3A_161 = tpu.memref_slice %arg6[%dma_wait3A_159, %dma_wait3A_160] : memref<2x96xi32, #tpu.memory_space<vmem>> -> memref<1x96xi32, #tpu.memory_space<vmem>>
    %dma_wait3A_162 = tpu.memref_squeeze %dma_wait3A_161 : memref<1x96xi32, #tpu.memory_space<vmem>> -> memref<96xi32, #tpu.memory_space<vmem>>
    %dma_wait3A_163 = arith.constant 0 : i32
    %dma_wait3A_164 = arith.constant 0 : i32
    %dma_wait3A_165 = tpu.memref_slice %arg2[%dma_wait3A_163, %dma_wait3A_164] : memref<10000x128xf32, #tpu.memory_space<hbm>> -> memref<10000x128xf32, #tpu.memory_space<hbm>>
    tpu.wait_indirect_dma semaphore(%arg24 : memref<!tpu.dma_semaphore, #tpu.memory_space<semaphore_mem>>) src(%dma_wait3A_165 : memref<10000x128xf32, #tpu.memory_space<hbm>>) dst(%arg14 : memref<96x128xf32, #tpu.memory_space<vmem>>)
    %dma_start3A_166 = arith.constant 1 : i32
    %dma_start3A_167 = arith.constant 0 : i32
    %dma_start3A_168 = tpu.memref_slice %arg8[%dma_start3A_166, %dma_start3A_167] : memref<2x96xi32, #tpu.memory_space<vmem>> -> memref<1x96xi32, #tpu.memory_space<vmem>>
    %dma_start3A_169 = tpu.memref_squeeze %dma_start3A_168 : memref<1x96xi32, #tpu.memory_space<vmem>> -> memref<96xi32, #tpu.memory_space<vmem>>
    %dma_start3A_170 = arith.constant 0 : i32
    %dma_start3A_171 = arith.constant 0 : i32
    %dma_start3A_172 = tpu.memref_slice %arg15[%dma_start3A_170, %dma_start3A_171] : memref<10016x128xf32, #tpu.memory_space<vmem_shared>> -> memref<10016x128xf32, #tpu.memory_space<vmem_shared>>
    tpu.enqueue_indirect_dma source(%arg14 : memref<96x128xf32, #tpu.memory_space<vmem>>) target(%dma_start3A_172 : memref<10016x128xf32, #tpu.memory_space<vmem_shared>>) offsets(%dma_start3A_169 : memref<96xi32, #tpu.memory_space<vmem>>) semaphore(%arg27 : memref<!tpu.dma_semaphore, #tpu.memory_space<semaphore_mem>>) {add = true}
    %dma_wait3A_173 = arith.constant 1 : i32
    %dma_wait3A_174 = arith.constant 0 : i32
    %dma_wait3A_175 = tpu.memref_slice %arg6[%dma_wait3A_173, %dma_wait3A_174] : memref<2x96xi32, #tpu.memory_space<vmem>> -> memref<1x96xi32, #tpu.memory_space<vmem>>
    %dma_wait3A_176 = tpu.memref_squeeze %dma_wait3A_175 : memref<1x96xi32, #tpu.memory_space<vmem>> -> memref<96xi32, #tpu.memory_space<vmem>>
    %dma_wait3A_177 = arith.constant 0 : i32
    %dma_wait3A_178 = arith.constant 0 : i32
    %dma_wait3A_179 = tpu.memref_slice %arg15[%dma_wait3A_177, %dma_wait3A_178] : memref<10016x128xf32, #tpu.memory_space<vmem_shared>> -> memref<10016x128xf32, #tpu.memory_space<vmem_shared>>
    tpu.wait_indirect_dma semaphore(%arg26 : memref<!tpu.dma_semaphore, #tpu.memory_space<semaphore_mem>>) src(%arg13 : memref<96x128xf32, #tpu.memory_space<vmem>>) dst(%dma_wait3A_179 : memref<10016x128xf32, #tpu.memory_space<vmem_shared>>)
    %dma_wait3A_180 = arith.constant 0 : i32
    %dma_wait3A_181 = arith.constant 0 : i32
    %dma_wait3A_182 = arith.constant 0 : i32
    %dma_wait3A_183 = tpu.memref_slice %arg3[%add3A, %dma_wait3A_180, %dma_wait3A_181, %dma_wait3A_182] : memref<32x108x2x96xi32, #tpu.memory_space<hbm>> -> memref<1x1x2x96xi32, #tpu.memory_space<hbm>>
    %dma_wait3A_184 = tpu.memref_squeeze %dma_wait3A_183 : memref<1x1x2x96xi32, #tpu.memory_space<hbm>> -> memref<2x96xi32, #tpu.memory_space<hbm>>
    %dma_wait3A_185 = arith.constant 0 : i32
    %dma_wait3A_186 = arith.constant 0 : i32
    %dma_wait3A_187 = tpu.memref_slice %arg3[%add3A, %dma_wait3A_180, %dma_wait3A_185, %dma_wait3A_186] : memref<32x108x2x96xi32, #tpu.memory_space<hbm>> -> memref<1x1x2x96xi32, #tpu.memory_space<hbm>>
    %dma_wait3A_188 = tpu.memref_squeeze %dma_wait3A_187 : memref<1x1x2x96xi32, #tpu.memory_space<hbm>> -> memref<2x96xi32, #tpu.memory_space<hbm>>
    tpu.wait_dma2 semaphore(%arg20 : memref<!tpu.dma_semaphore, #tpu.memory_space<semaphore_mem>>) src(%dma_wait3A_188 : memref<2x96xi32, #tpu.memory_space<hbm>>) dst(%arg10 : memref<2x96xi32, #tpu.memory_space<vmem>>)
    %dma_start3A_189 = arith.constant 0 : i32
    %dma_start3A_190 = arith.constant 0 : i32
    %dma_start3A_191 = tpu.memref_slice %arg10[%dma_start3A_189, %dma_start3A_190] : memref<2x96xi32, #tpu.memory_space<vmem>> -> memref<1x96xi32, #tpu.memory_space<vmem>>
    %dma_start3A_192 = tpu.memref_squeeze %dma_start3A_191 : memref<1x96xi32, #tpu.memory_space<vmem>> -> memref<96xi32, #tpu.memory_space<vmem>>
    %dma_start3A_193 = arith.constant 0 : i32
    %dma_start3A_194 = arith.constant 0 : i32
    %dma_start3A_195 = tpu.memref_slice %arg2[%dma_start3A_193, %dma_start3A_194] : memref<10000x128xf32, #tpu.memory_space<hbm>> -> memref<10000x128xf32, #tpu.memory_space<hbm>>
    tpu.enqueue_indirect_dma source(%dma_start3A_195 : memref<10000x128xf32, #tpu.memory_space<hbm>>) target(%arg13 : memref<96x128xf32, #tpu.memory_space<vmem>>) offsets(%dma_start3A_192 : memref<96xi32, #tpu.memory_space<vmem>>) semaphore(%arg23 : memref<!tpu.dma_semaphore, #tpu.memory_space<semaphore_mem>>)
    %dma_wait3A_196 = arith.constant 0 : i32
    %dma_wait3A_197 = arith.constant 0 : i32
    %dma_wait3A_198 = tpu.memref_slice %arg6[%dma_wait3A_196, %dma_wait3A_197] : memref<2x96xi32, #tpu.memory_space<vmem>> -> memref<1x96xi32, #tpu.memory_space<vmem>>
    %dma_wait3A_199 = tpu.memref_squeeze %dma_wait3A_198 : memref<1x96xi32, #tpu.memory_space<vmem>> -> memref<96xi32, #tpu.memory_space<vmem>>
    %dma_wait3A_200 = arith.constant 0 : i32
    %dma_wait3A_201 = arith.constant 0 : i32
    %dma_wait3A_202 = tpu.memref_slice %arg2[%dma_wait3A_200, %dma_wait3A_201] : memref<10000x128xf32, #tpu.memory_space<hbm>> -> memref<10000x128xf32, #tpu.memory_space<hbm>>
    tpu.wait_indirect_dma semaphore(%arg22 : memref<!tpu.dma_semaphore, #tpu.memory_space<semaphore_mem>>) src(%dma_wait3A_202 : memref<10000x128xf32, #tpu.memory_space<hbm>>) dst(%arg12 : memref<96x128xf32, #tpu.memory_space<vmem>>)
    %dma_start3A_203 = arith.constant 1 : i32
    %dma_start3A_204 = arith.constant 0 : i32
    %dma_start3A_205 = tpu.memref_slice %arg9[%dma_start3A_203, %dma_start3A_204] : memref<2x96xi32, #tpu.memory_space<vmem>> -> memref<1x96xi32, #tpu.memory_space<vmem>>
    %dma_start3A_206 = tpu.memref_squeeze %dma_start3A_205 : memref<1x96xi32, #tpu.memory_space<vmem>> -> memref<96xi32, #tpu.memory_space<vmem>>
    %dma_start3A_207 = arith.constant 0 : i32
    %dma_start3A_208 = arith.constant 0 : i32
    %dma_start3A_209 = tpu.memref_slice %arg15[%dma_start3A_207, %dma_start3A_208] : memref<10016x128xf32, #tpu.memory_space<vmem_shared>> -> memref<10016x128xf32, #tpu.memory_space<vmem_shared>>
    tpu.enqueue_indirect_dma source(%arg12 : memref<96x128xf32, #tpu.memory_space<vmem>>) target(%dma_start3A_209 : memref<10016x128xf32, #tpu.memory_space<vmem_shared>>) offsets(%dma_start3A_206 : memref<96xi32, #tpu.memory_space<vmem>>) semaphore(%arg25 : memref<!tpu.dma_semaphore, #tpu.memory_space<semaphore_mem>>) {add = true}
    %dma_wait3A_210 = arith.constant 1 : i32
    %dma_wait3A_211 = arith.constant 0 : i32
    %dma_wait3A_212 = tpu.memref_slice %arg6[%dma_wait3A_210, %dma_wait3A_211] : memref<2x96xi32, #tpu.memory_space<vmem>> -> memref<1x96xi32, #tpu.memory_space<vmem>>
    %dma_wait3A_213 = tpu.memref_squeeze %dma_wait3A_212 : memref<1x96xi32, #tpu.memory_space<vmem>> -> memref<96xi32, #tpu.memory_space<vmem>>
    %dma_wait3A_214 = arith.constant 0 : i32
    %dma_wait3A_215 = arith.constant 0 : i32
    %dma_wait3A_216 = tpu.memref_slice %arg15[%dma_wait3A_214, %dma_wait3A_215] : memref<10016x128xf32, #tpu.memory_space<vmem_shared>> -> memref<10016x128xf32, #tpu.memory_space<vmem_shared>>
    tpu.wait_indirect_dma semaphore(%arg27 : memref<!tpu.dma_semaphore, #tpu.memory_space<semaphore_mem>>) src(%arg14 : memref<96x128xf32, #tpu.memory_space<vmem>>) dst(%dma_wait3A_216 : memref<10016x128xf32, #tpu.memory_space<vmem_shared>>)
    %dma_wait3A_217 = arith.constant 0 : i32
    %dma_wait3A_218 = arith.constant 0 : i32
    %dma_wait3A_219 = arith.constant 0 : i32
    %dma_wait3A_220 = tpu.memref_slice %arg3[%add3A, %dma_wait3A_217, %dma_wait3A_218, %dma_wait3A_219] : memref<32x108x2x96xi32, #tpu.memory_space<hbm>> -> memref<1x1x2x96xi32, #tpu.memory_space<hbm>>
    %dma_wait3A_221 = tpu.memref_squeeze %dma_wait3A_220 : memref<1x1x2x96xi32, #tpu.memory_space<hbm>> -> memref<2x96xi32, #tpu.memory_space<hbm>>
    %dma_wait3A_222 = arith.constant 0 : i32
    %dma_wait3A_223 = arith.constant 0 : i32
    %dma_wait3A_224 = tpu.memref_slice %arg3[%add3A, %dma_wait3A_217, %dma_wait3A_222, %dma_wait3A_223] : memref<32x108x2x96xi32, #tpu.memory_space<hbm>> -> memref<1x1x2x96xi32, #tpu.memory_space<hbm>>
    %dma_wait3A_225 = tpu.memref_squeeze %dma_wait3A_224 : memref<1x1x2x96xi32, #tpu.memory_space<hbm>> -> memref<2x96xi32, #tpu.memory_space<hbm>>
    tpu.wait_dma2 semaphore(%arg21 : memref<!tpu.dma_semaphore, #tpu.memory_space<semaphore_mem>>) src(%dma_wait3A_225 : memref<2x96xi32, #tpu.memory_space<hbm>>) dst(%arg11 : memref<2x96xi32, #tpu.memory_space<vmem>>)
    %dma_start3A_226 = arith.constant 0 : i32
    %dma_start3A_227 = arith.constant 0 : i32
    %dma_start3A_228 = tpu.memref_slice %arg11[%dma_start3A_226, %dma_start3A_227] : memref<2x96xi32, #tpu.memory_space<vmem>> -> memref<1x96xi32, #tpu.memory_space<vmem>>
    %dma_start3A_229 = tpu.memref_squeeze %dma_start3A_228 : memref<1x96xi32, #tpu.memory_space<vmem>> -> memref<96xi32, #tpu.memory_space<vmem>>
    %dma_start3A_230 = arith.constant 0 : i32
    %dma_start3A_231 = arith.constant 0 : i32
    %dma_start3A_232 = tpu.memref_slice %arg2[%dma_start3A_230, %dma_start3A_231] : memref<10000x128xf32, #tpu.memory_space<hbm>> -> memref<10000x128xf32, #tpu.memory_space<hbm>>
    tpu.enqueue_indirect_dma source(%dma_start3A_232 : memref<10000x128xf32, #tpu.memory_space<hbm>>) target(%arg14 : memref<96x128xf32, #tpu.memory_space<vmem>>) offsets(%dma_start3A_229 : memref<96xi32, #tpu.memory_space<vmem>>) semaphore(%arg24 : memref<!tpu.dma_semaphore, #tpu.memory_space<semaphore_mem>>)
    %dma_wait3A_233 = arith.constant 0 : i32
    %dma_wait3A_234 = arith.constant 0 : i32
    %dma_wait3A_235 = tpu.memref_slice %arg6[%dma_wait3A_233, %dma_wait3A_234] : memref<2x96xi32, #tpu.memory_space<vmem>> -> memref<1x96xi32, #tpu.memory_space<vmem>>
    %dma_wait3A_236 = tpu.memref_squeeze %dma_wait3A_235 : memref<1x96xi32, #tpu.memory_space<vmem>> -> memref<96xi32, #tpu.memory_space<vmem>>
    %dma_wait3A_237 = arith.constant 0 : i32
    %dma_wait3A_238 = arith.constant 0 : i32
    %dma_wait3A_239 = tpu.memref_slice %arg2[%dma_wait3A_237, %dma_wait3A_238] : memref<10000x128xf32, #tpu.memory_space<hbm>> -> memref<10000x128xf32, #tpu.memory_space<hbm>>
    tpu.wait_indirect_dma semaphore(%arg23 : memref<!tpu.dma_semaphore, #tpu.memory_space<semaphore_mem>>) src(%dma_wait3A_239 : memref<10000x128xf32, #tpu.memory_space<hbm>>) dst(%arg13 : memref<96x128xf32, #tpu.memory_space<vmem>>)
    %dma_start3A_240 = arith.constant 1 : i32
    %dma_start3A_241 = arith.constant 0 : i32
    %dma_start3A_242 = tpu.memref_slice %arg10[%dma_start3A_240, %dma_start3A_241] : memref<2x96xi32, #tpu.memory_space<vmem>> -> memref<1x96xi32, #tpu.memory_space<vmem>>
    %dma_start3A_243 = tpu.memref_squeeze %dma_start3A_242 : memref<1x96xi32, #tpu.memory_space<vmem>> -> memref<96xi32, #tpu.memory_space<vmem>>
    %dma_start3A_244 = arith.constant 0 : i32
    %dma_start3A_245 = arith.constant 0 : i32
    %dma_start3A_246 = tpu.memref_slice %arg15[%dma_start3A_244, %dma_start3A_245] : memref<10016x128xf32, #tpu.memory_space<vmem_shared>> -> memref<10016x128xf32, #tpu.memory_space<vmem_shared>>
    tpu.enqueue_indirect_dma source(%arg13 : memref<96x128xf32, #tpu.memory_space<vmem>>) target(%dma_start3A_246 : memref<10016x128xf32, #tpu.memory_space<vmem_shared>>) offsets(%dma_start3A_243 : memref<96xi32, #tpu.memory_space<vmem>>) semaphore(%arg26 : memref<!tpu.dma_semaphore, #tpu.memory_space<semaphore_mem>>) {add = true}
    %dma_wait3A_247 = arith.constant 1 : i32
    %dma_wait3A_248 = arith.constant 0 : i32
    %dma_wait3A_249 = tpu.memref_slice %arg6[%dma_wait3A_247, %dma_wait3A_248] : memref<2x96xi32, #tpu.memory_space<vmem>> -> memref<1x96xi32, #tpu.memory_space<vmem>>
    %dma_wait3A_250 = tpu.memref_squeeze %dma_wait3A_249 : memref<1x96xi32, #tpu.memory_space<vmem>> -> memref<96xi32, #tpu.memory_space<vmem>>
    %dma_wait3A_251 = arith.constant 0 : i32
    %dma_wait3A_252 = arith.constant 0 : i32
    %dma_wait3A_253 = tpu.memref_slice %arg15[%dma_wait3A_251, %dma_wait3A_252] : memref<10016x128xf32, #tpu.memory_space<vmem_shared>> -> memref<10016x128xf32, #tpu.memory_space<vmem_shared>>
    tpu.wait_indirect_dma semaphore(%arg25 : memref<!tpu.dma_semaphore, #tpu.memory_space<semaphore_mem>>) src(%arg12 : memref<96x128xf32, #tpu.memory_space<vmem>>) dst(%dma_wait3A_253 : memref<10016x128xf32, #tpu.memory_space<vmem_shared>>)
    %dma_start3A_254 = arith.constant 0 : i32
    %dma_start3A_255 = arith.constant 0 : i32
    %dma_start3A_256 = tpu.memref_slice %arg6[%dma_start3A_254, %dma_start3A_255] : memref<2x96xi32, #tpu.memory_space<vmem>> -> memref<1x96xi32, #tpu.memory_space<vmem>>
    %dma_start3A_257 = tpu.memref_squeeze %dma_start3A_256 : memref<1x96xi32, #tpu.memory_space<vmem>> -> memref<96xi32, #tpu.memory_space<vmem>>
    %dma_start3A_258 = arith.constant 0 : i32
    %dma_start3A_259 = arith.constant 0 : i32
    %dma_start3A_260 = tpu.memref_slice %arg2[%dma_start3A_258, %dma_start3A_259] : memref<10000x128xf32, #tpu.memory_space<hbm>> -> memref<10000x128xf32, #tpu.memory_space<hbm>>
    tpu.enqueue_indirect_dma source(%dma_start3A_260 : memref<10000x128xf32, #tpu.memory_space<hbm>>) target(%arg12 : memref<96x128xf32, #tpu.memory_space<vmem>>) offsets(%dma_start3A_257 : memref<96xi32, #tpu.memory_space<vmem>>) semaphore(%arg22 : memref<!tpu.dma_semaphore, #tpu.memory_space<semaphore_mem>>)
    %dma_wait3A_261 = arith.constant 0 : i32
    %dma_wait3A_262 = arith.constant 0 : i32
    %dma_wait3A_263 = tpu.memref_slice %arg6[%dma_wait3A_261, %dma_wait3A_262] : memref<2x96xi32, #tpu.memory_space<vmem>> -> memref<1x96xi32, #tpu.memory_space<vmem>>
    %dma_wait3A_264 = tpu.memref_squeeze %dma_wait3A_263 : memref<1x96xi32, #tpu.memory_space<vmem>> -> memref<96xi32, #tpu.memory_space<vmem>>
    %dma_wait3A_265 = arith.constant 0 : i32
    %dma_wait3A_266 = arith.constant 0 : i32
    %dma_wait3A_267 = tpu.memref_slice %arg2[%dma_wait3A_265, %dma_wait3A_266] : memref<10000x128xf32, #tpu.memory_space<hbm>> -> memref<10000x128xf32, #tpu.memory_space<hbm>>
    tpu.wait_indirect_dma semaphore(%arg24 : memref<!tpu.dma_semaphore, #tpu.memory_space<semaphore_mem>>) src(%dma_wait3A_267 : memref<10000x128xf32, #tpu.memory_space<hbm>>) dst(%arg14 : memref<96x128xf32, #tpu.memory_space<vmem>>)
    %dma_start3A_268 = arith.constant 1 : i32
    %dma_start3A_269 = arith.constant 0 : i32
    %dma_start3A_270 = tpu.memref_slice %arg11[%dma_start3A_268, %dma_start3A_269] : memref<2x96xi32, #tpu.memory_space<vmem>> -> memref<1x96xi32, #tpu.memory_space<vmem>>
    %dma_start3A_271 = tpu.memref_squeeze %dma_start3A_270 : memref<1x96xi32, #tpu.memory_space<vmem>> -> memref<96xi32, #tpu.memory_space<vmem>>
    %dma_start3A_272 = arith.constant 0 : i32
    %dma_start3A_273 = arith.constant 0 : i32
    %dma_start3A_274 = tpu.memref_slice %arg15[%dma_start3A_272, %dma_start3A_273] : memref<10016x128xf32, #tpu.memory_space<vmem_shared>> -> memref<10016x128xf32, #tpu.memory_space<vmem_shared>>
    tpu.enqueue_indirect_dma source(%arg14 : memref<96x128xf32, #tpu.memory_space<vmem>>) target(%dma_start3A_274 : memref<10016x128xf32, #tpu.memory_space<vmem_shared>>) offsets(%dma_start3A_271 : memref<96xi32, #tpu.memory_space<vmem>>) semaphore(%arg27 : memref<!tpu.dma_semaphore, #tpu.memory_space<semaphore_mem>>) {add = true}
    %dma_wait3A_275 = arith.constant 1 : i32
    %dma_wait3A_276 = arith.constant 0 : i32
    %dma_wait3A_277 = tpu.memref_slice %arg6[%dma_wait3A_275, %dma_wait3A_276] : memref<2x96xi32, #tpu.memory_space<vmem>> -> memref<1x96xi32, #tpu.memory_space<vmem>>
    %dma_wait3A_278 = tpu.memref_squeeze %dma_wait3A_277 : memref<1x96xi32, #tpu.memory_space<vmem>> -> memref<96xi32, #tpu.memory_space<vmem>>
    %dma_wait3A_279 = arith.constant 0 : i32
    %dma_wait3A_280 = arith.constant 0 : i32
    %dma_wait3A_281 = tpu.memref_slice %arg15[%dma_wait3A_279, %dma_wait3A_280] : memref<10016x128xf32, #tpu.memory_space<vmem_shared>> -> memref<10016x128xf32, #tpu.memory_space<vmem_shared>>
    tpu.wait_indirect_dma semaphore(%arg26 : memref<!tpu.dma_semaphore, #tpu.memory_space<semaphore_mem>>) src(%arg13 : memref<96x128xf32, #tpu.memory_space<vmem>>) dst(%dma_wait3A_281 : memref<10016x128xf32, #tpu.memory_space<vmem_shared>>)
    %dma_start3A_282 = arith.constant 0 : i32
    %dma_start3A_283 = arith.constant 0 : i32
    %dma_start3A_284 = tpu.memref_slice %arg7[%dma_start3A_282, %dma_start3A_283] : memref<2x96xi32, #tpu.memory_space<vmem>> -> memref<1x96xi32, #tpu.memory_space<vmem>>
    %dma_start3A_285 = tpu.memref_squeeze %dma_start3A_284 : memref<1x96xi32, #tpu.memory_space<vmem>> -> memref<96xi32, #tpu.memory_space<vmem>>
    %dma_start3A_286 = arith.constant 0 : i32
    %dma_start3A_287 = arith.constant 0 : i32
    %dma_start3A_288 = tpu.memref_slice %arg2[%dma_start3A_286, %dma_start3A_287] : memref<10000x128xf32, #tpu.memory_space<hbm>> -> memref<10000x128xf32, #tpu.memory_space<hbm>>
    tpu.enqueue_indirect_dma source(%dma_start3A_288 : memref<10000x128xf32, #tpu.memory_space<hbm>>) target(%arg13 : memref<96x128xf32, #tpu.memory_space<vmem>>) offsets(%dma_start3A_285 : memref<96xi32, #tpu.memory_space<vmem>>) semaphore(%arg23 : memref<!tpu.dma_semaphore, #tpu.memory_space<semaphore_mem>>)
    %dma_wait3A_289 = arith.constant 0 : i32
    %dma_wait3A_290 = arith.constant 0 : i32
    %dma_wait3A_291 = tpu.memref_slice %arg6[%dma_wait3A_289, %dma_wait3A_290] : memref<2x96xi32, #tpu.memory_space<vmem>> -> memref<1x96xi32, #tpu.memory_space<vmem>>
    %dma_wait3A_292 = tpu.memref_squeeze %dma_wait3A_291 : memref<1x96xi32, #tpu.memory_space<vmem>> -> memref<96xi32, #tpu.memory_space<vmem>>
    %dma_wait3A_293 = arith.constant 0 : i32
    %dma_wait3A_294 = arith.constant 0 : i32
    %dma_wait3A_295 = tpu.memref_slice %arg2[%dma_wait3A_293, %dma_wait3A_294] : memref<10000x128xf32, #tpu.memory_space<hbm>> -> memref<10000x128xf32, #tpu.memory_space<hbm>>
    tpu.wait_indirect_dma semaphore(%arg22 : memref<!tpu.dma_semaphore, #tpu.memory_space<semaphore_mem>>) src(%dma_wait3A_295 : memref<10000x128xf32, #tpu.memory_space<hbm>>) dst(%arg12 : memref<96x128xf32, #tpu.memory_space<vmem>>)
    %dma_wait3A_296 = arith.constant 0 : i32
    %dma_wait3A_297 = arith.constant 0 : i32
    %dma_wait3A_298 = tpu.memref_slice %arg6[%dma_wait3A_296, %dma_wait3A_297] : memref<2x96xi32, #tpu.memory_space<vmem>> -> memref<1x96xi32, #tpu.memory_space<vmem>>
    %dma_wait3A_299 = tpu.memref_squeeze %dma_wait3A_298 : memref<1x96xi32, #tpu.memory_space<vmem>> -> memref<96xi32, #tpu.memory_space<vmem>>
    %dma_wait3A_300 = arith.constant 0 : i32
    %dma_wait3A_301 = arith.constant 0 : i32
    %dma_wait3A_302 = tpu.memref_slice %arg2[%dma_wait3A_300, %dma_wait3A_301] : memref<10000x128xf32, #tpu.memory_space<hbm>> -> memref<10000x128xf32, #tpu.memory_space<hbm>>
    tpu.wait_indirect_dma semaphore(%arg23 : memref<!tpu.dma_semaphore, #tpu.memory_space<semaphore_mem>>) src(%dma_wait3A_302 : memref<10000x128xf32, #tpu.memory_space<hbm>>) dst(%arg13 : memref<96x128xf32, #tpu.memory_space<vmem>>)
    %dma_wait3A_303 = arith.constant 1 : i32
    %dma_wait3A_304 = arith.constant 0 : i32
    %dma_wait3A_305 = tpu.memref_slice %arg6[%dma_wait3A_303, %dma_wait3A_304] : memref<2x96xi32, #tpu.memory_space<vmem>> -> memref<1x96xi32, #tpu.memory_space<vmem>>
    %dma_wait3A_306 = tpu.memref_squeeze %dma_wait3A_305 : memref<1x96xi32, #tpu.memory_space<vmem>> -> memref<96xi32, #tpu.memory_space<vmem>>
    %dma_wait3A_307 = arith.constant 0 : i32
    %dma_wait3A_308 = arith.constant 0 : i32
    %dma_wait3A_309 = tpu.memref_slice %arg15[%dma_wait3A_307, %dma_wait3A_308] : memref<10016x128xf32, #tpu.memory_space<vmem_shared>> -> memref<10016x128xf32, #tpu.memory_space<vmem_shared>>
    tpu.wait_indirect_dma semaphore(%arg27 : memref<!tpu.dma_semaphore, #tpu.memory_space<semaphore_mem>>) src(%arg14 : memref<96x128xf32, #tpu.memory_space<vmem>>) dst(%dma_wait3A_309 : memref<10016x128xf32, #tpu.memory_space<vmem_shared>>)
    %barrier3A_310 = arith.constant 0 : index
    tpu.barrier barrier_id(%barrier3A_310)
    %mul3A_311 = arith.constant 626 : i32
    %mul3A_312 = arith.muli %arg1, %mul3A_311 : i32
    "tpu.region"() ({
      %run_scoped3A = tpu.sem_alloc : memref<!tpu.dma_semaphore, #tpu.memory_space<semaphore_mem>>
      %dma_start3A_313 = arith.constant 0 : i32
      %dma_start3A_314 = arith.constant 0 : i32
      %dma_start3A_315 = tpu.memref_slice %arg5[%add3A, %dma_start3A_313, %dma_start3A_314] : memref<32x626x128xf32, #tpu.memory_space<hbm>> -> memref<1x626x128xf32, #tpu.memory_space<hbm>>
      %dma_start3A_316 = tpu.memref_squeeze %dma_start3A_315 : memref<1x626x128xf32, #tpu.memory_space<hbm>> -> memref<626x128xf32, #tpu.memory_space<hbm>>
      %dma_start3A_317 = arith.constant 0 : i32
      %dma_start3A_318 = tpu.memref_slice %arg15[%mul3A_312, %dma_start3A_317] : memref<10016x128xf32, #tpu.memory_space<vmem_shared>> -> memref<626x128xf32, #tpu.memory_space<vmem_shared>>
      tpu.enqueue_dma source(%dma_start3A_318 : memref<626x128xf32, #tpu.memory_space<vmem_shared>>) target(%dma_start3A_316 : memref<626x128xf32, #tpu.memory_space<hbm>>) target_semaphore(%run_scoped3A : memref<!tpu.dma_semaphore, #tpu.memory_space<semaphore_mem>>)
      %dma_wait3A_319 = arith.constant 0 : i32
      %dma_wait3A_320 = arith.constant 0 : i32
      %dma_wait3A_321 = tpu.memref_slice %arg5[%add3A, %dma_wait3A_319, %dma_wait3A_320] : memref<32x626x128xf32, #tpu.memory_space<hbm>> -> memref<1x626x128xf32, #tpu.memory_space<hbm>>
      %dma_wait3A_322 = tpu.memref_squeeze %dma_wait3A_321 : memref<1x626x128xf32, #tpu.memory_space<hbm>> -> memref<626x128xf32, #tpu.memory_space<hbm>>
      %dma_wait3A_323 = arith.constant 0 : i32
      %dma_wait3A_324 = tpu.memref_slice %arg15[%mul3A_312, %dma_wait3A_323] : memref<10016x128xf32, #tpu.memory_space<vmem_shared>> -> memref<626x128xf32, #tpu.memory_space<vmem_shared>>
      tpu.wait_dma2 semaphore(%run_scoped3A : memref<!tpu.dma_semaphore, #tpu.memory_space<semaphore_mem>>) src(%dma_wait3A_324 : memref<626x128xf32, #tpu.memory_space<vmem_shared>>) dst(%dma_wait3A_322 : memref<626x128xf32, #tpu.memory_space<hbm>>)
      tpu.yield
    }) : () -> ()
    return
  }
}

#map = affine_map<(d0, d1) -> (0, 0, 0)>
#map1 = affine_map<(d0, d1) -> (0, 0)>
module attributes {stable_mosaic.version = 14 : i64} {
  func.func @deg_kernel(%arg0: i32, %arg1: i32, %arg2: memref<32x108x96xi32, #tpu.memory_space<hbm>>, %arg3: memref<96x128xf32, #tpu.memory_space<hbm>>, %arg4: memref<626x128xf32, #tpu.memory_space<hbm>>, %arg5: memref<32x626x128xf32, #tpu.memory_space<hbm>>, %arg6: memref<108x96xi32, #tpu.memory_space<vmem>>, %arg7: memref<96x128xf32, #tpu.memory_space<vmem>>, %arg8: memref<10016x128xf32, #tpu.memory_space<vmem_shared>>, %arg9: memref<!tpu.dma_semaphore, #tpu.memory_space<semaphore_mem>>, %arg10: memref<!tpu.dma_semaphore, #tpu.memory_space<semaphore_mem>>, %arg11: memref<!tpu.dma_semaphore, #tpu.memory_space<semaphore_mem>>, %arg12: memref<!tpu.dma_semaphore, #tpu.memory_space<semaphore_mem>>) attributes {dimension_semantics = [#tpu.dimension_semantics<core_parallel>, #tpu.dimension_semantics<subcore_parallel>], iteration_bounds = array<i64: 2, 16>, scalar_prefetch = 0 : i64, scratch_operands = 7 : i64, tpu.core_type = #tpu.core_type<sc_vector_subcore>, window_params = [{transform_indices = #map}, {transform_indices = #map1}, {transform_indices = #map1}, {transform_indices = #map}]} {
    %mul3A = arith.constant 16 : i32
    %mul3A_0 = arith.muli %arg0, %mul3A : i32
    %add3A = arith.addi %mul3A_0, %arg1 : i32
    "tpu.region"() ({
      %run_scoped3A = tpu.sem_alloc : memref<!tpu.dma_semaphore, #tpu.memory_space<semaphore_mem>>
      %dma_start3A_65 = arith.constant 0 : i32
      %dma_start3A_66 = arith.constant 0 : i32
      %dma_start3A_67 = tpu.memref_slice %arg2[%add3A, %dma_start3A_65, %dma_start3A_66] : memref<32x108x96xi32, #tpu.memory_space<hbm>> -> memref<1x108x96xi32, #tpu.memory_space<hbm>>
      %dma_start3A_68 = tpu.memref_squeeze %dma_start3A_67 : memref<1x108x96xi32, #tpu.memory_space<hbm>> -> memref<108x96xi32, #tpu.memory_space<hbm>>
      %dma_start3A_69 = arith.constant 0 : i32
      %dma_start3A_70 = arith.constant 0 : i32
      %dma_start3A_71 = tpu.memref_slice %arg2[%add3A, %dma_start3A_69, %dma_start3A_70] : memref<32x108x96xi32, #tpu.memory_space<hbm>> -> memref<1x108x96xi32, #tpu.memory_space<hbm>>
      %dma_start3A_72 = tpu.memref_squeeze %dma_start3A_71 : memref<1x108x96xi32, #tpu.memory_space<hbm>> -> memref<108x96xi32, #tpu.memory_space<hbm>>
      tpu.enqueue_dma source(%dma_start3A_72 : memref<108x96xi32, #tpu.memory_space<hbm>>) target(%arg6 : memref<108x96xi32, #tpu.memory_space<vmem>>) target_semaphore(%run_scoped3A : memref<!tpu.dma_semaphore, #tpu.memory_space<semaphore_mem>>)
      %dma_wait3A_73 = arith.constant 0 : i32
      %dma_wait3A_74 = arith.constant 0 : i32
      %dma_wait3A_75 = tpu.memref_slice %arg2[%add3A, %dma_wait3A_73, %dma_wait3A_74] : memref<32x108x96xi32, #tpu.memory_space<hbm>> -> memref<1x108x96xi32, #tpu.memory_space<hbm>>
      %dma_wait3A_76 = tpu.memref_squeeze %dma_wait3A_75 : memref<1x108x96xi32, #tpu.memory_space<hbm>> -> memref<108x96xi32, #tpu.memory_space<hbm>>
      %dma_wait3A_77 = arith.constant 0 : i32
      %dma_wait3A_78 = arith.constant 0 : i32
      %dma_wait3A_79 = tpu.memref_slice %arg2[%add3A, %dma_wait3A_77, %dma_wait3A_78] : memref<32x108x96xi32, #tpu.memory_space<hbm>> -> memref<1x108x96xi32, #tpu.memory_space<hbm>>
      %dma_wait3A_80 = tpu.memref_squeeze %dma_wait3A_79 : memref<1x108x96xi32, #tpu.memory_space<hbm>> -> memref<108x96xi32, #tpu.memory_space<hbm>>
      tpu.wait_dma2 semaphore(%run_scoped3A : memref<!tpu.dma_semaphore, #tpu.memory_space<semaphore_mem>>) src(%dma_wait3A_80 : memref<108x96xi32, #tpu.memory_space<hbm>>) dst(%arg6 : memref<108x96xi32, #tpu.memory_space<vmem>>)
      tpu.yield
    }) : () -> ()
    "tpu.region"() ({
      %run_scoped3A = tpu.sem_alloc : memref<!tpu.dma_semaphore, #tpu.memory_space<semaphore_mem>>
      tpu.enqueue_dma source(%arg3 : memref<96x128xf32, #tpu.memory_space<hbm>>) target(%arg7 : memref<96x128xf32, #tpu.memory_space<vmem>>) target_semaphore(%run_scoped3A : memref<!tpu.dma_semaphore, #tpu.memory_space<semaphore_mem>>)
      tpu.wait_dma2 semaphore(%run_scoped3A : memref<!tpu.dma_semaphore, #tpu.memory_space<semaphore_mem>>) src(%arg3 : memref<96x128xf32, #tpu.memory_space<hbm>>) dst(%arg7 : memref<96x128xf32, #tpu.memory_space<vmem>>)
      tpu.yield
    }) : () -> ()
    %mul3A_1 = arith.constant 626 : i32
    %mul3A_2 = arith.muli %arg1, %mul3A_1 : i32
    "tpu.region"() ({
      %run_scoped3A = tpu.sem_alloc : memref<!tpu.dma_semaphore, #tpu.memory_space<semaphore_mem>>
      %dma_start3A_65 = arith.constant 0 : i32
      %dma_start3A_66 = tpu.memref_slice %arg8[%mul3A_2, %dma_start3A_65] : memref<10016x128xf32, #tpu.memory_space<vmem_shared>> -> memref<626x128xf32, #tpu.memory_space<vmem_shared>>
      tpu.enqueue_dma source(%arg4 : memref<626x128xf32, #tpu.memory_space<hbm>>) target(%dma_start3A_66 : memref<626x128xf32, #tpu.memory_space<vmem_shared>>) target_semaphore(%run_scoped3A : memref<!tpu.dma_semaphore, #tpu.memory_space<semaphore_mem>>)
      %dma_wait3A_67 = arith.constant 0 : i32
      %dma_wait3A_68 = tpu.memref_slice %arg8[%mul3A_2, %dma_wait3A_67] : memref<10016x128xf32, #tpu.memory_space<vmem_shared>> -> memref<626x128xf32, #tpu.memory_space<vmem_shared>>
      tpu.wait_dma2 semaphore(%run_scoped3A : memref<!tpu.dma_semaphore, #tpu.memory_space<semaphore_mem>>) src(%arg4 : memref<626x128xf32, #tpu.memory_space<hbm>>) dst(%dma_wait3A_68 : memref<626x128xf32, #tpu.memory_space<vmem_shared>>)
      tpu.yield
    }) : () -> ()
    %barrier3A = arith.constant 0 : index
    tpu.barrier barrier_id(%barrier3A)
    %dma_start3A = arith.constant 0 : i32
    %dma_start3A_3 = arith.constant 0 : i32
    %dma_start3A_4 = tpu.memref_slice %arg6[%dma_start3A, %dma_start3A_3] : memref<108x96xi32, #tpu.memory_space<vmem>> -> memref<1x96xi32, #tpu.memory_space<vmem>>
    %dma_start3A_5 = tpu.memref_squeeze %dma_start3A_4 : memref<1x96xi32, #tpu.memory_space<vmem>> -> memref<96xi32, #tpu.memory_space<vmem>>
    %dma_start3A_6 = arith.constant 0 : i32
    %dma_start3A_7 = arith.constant 0 : i32
    %dma_start3A_8 = tpu.memref_slice %arg8[%dma_start3A_6, %dma_start3A_7] : memref<10016x128xf32, #tpu.memory_space<vmem_shared>> -> memref<10016x128xf32, #tpu.memory_space<vmem_shared>>
    tpu.enqueue_indirect_dma source(%arg7 : memref<96x128xf32, #tpu.memory_space<vmem>>) target(%dma_start3A_8 : memref<10016x128xf32, #tpu.memory_space<vmem_shared>>) offsets(%dma_start3A_5 : memref<96xi32, #tpu.memory_space<vmem>>) semaphore(%arg9 : memref<!tpu.dma_semaphore, #tpu.memory_space<semaphore_mem>>) {add = true}
    %dma_start3A_9 = arith.constant 1 : i32
    %dma_start3A_10 = arith.constant 0 : i32
    %dma_start3A_11 = tpu.memref_slice %arg6[%dma_start3A_9, %dma_start3A_10] : memref<108x96xi32, #tpu.memory_space<vmem>> -> memref<1x96xi32, #tpu.memory_space<vmem>>
    %dma_start3A_12 = tpu.memref_squeeze %dma_start3A_11 : memref<1x96xi32, #tpu.memory_space<vmem>> -> memref<96xi32, #tpu.memory_space<vmem>>
    %dma_start3A_13 = arith.constant 0 : i32
    %dma_start3A_14 = arith.constant 0 : i32
    %dma_start3A_15 = tpu.memref_slice %arg8[%dma_start3A_13, %dma_start3A_14] : memref<10016x128xf32, #tpu.memory_space<vmem_shared>> -> memref<10016x128xf32, #tpu.memory_space<vmem_shared>>
    tpu.enqueue_indirect_dma source(%arg7 : memref<96x128xf32, #tpu.memory_space<vmem>>) target(%dma_start3A_15 : memref<10016x128xf32, #tpu.memory_space<vmem_shared>>) offsets(%dma_start3A_12 : memref<96xi32, #tpu.memory_space<vmem>>) semaphore(%arg10 : memref<!tpu.dma_semaphore, #tpu.memory_space<semaphore_mem>>) {add = true}
    %dma_start3A_16 = arith.constant 2 : i32
    %dma_start3A_17 = arith.constant 0 : i32
    %dma_start3A_18 = tpu.memref_slice %arg6[%dma_start3A_16, %dma_start3A_17] : memref<108x96xi32, #tpu.memory_space<vmem>> -> memref<1x96xi32, #tpu.memory_space<vmem>>
    %dma_start3A_19 = tpu.memref_squeeze %dma_start3A_18 : memref<1x96xi32, #tpu.memory_space<vmem>> -> memref<96xi32, #tpu.memory_space<vmem>>
    %dma_start3A_20 = arith.constant 0 : i32
    %dma_start3A_21 = arith.constant 0 : i32
    %dma_start3A_22 = tpu.memref_slice %arg8[%dma_start3A_20, %dma_start3A_21] : memref<10016x128xf32, #tpu.memory_space<vmem_shared>> -> memref<10016x128xf32, #tpu.memory_space<vmem_shared>>
    tpu.enqueue_indirect_dma source(%arg7 : memref<96x128xf32, #tpu.memory_space<vmem>>) target(%dma_start3A_22 : memref<10016x128xf32, #tpu.memory_space<vmem_shared>>) offsets(%dma_start3A_19 : memref<96xi32, #tpu.memory_space<vmem>>) semaphore(%arg11 : memref<!tpu.dma_semaphore, #tpu.memory_space<semaphore_mem>>) {add = true}
    %dma_start3A_23 = arith.constant 3 : i32
    %dma_start3A_24 = arith.constant 0 : i32
    %dma_start3A_25 = tpu.memref_slice %arg6[%dma_start3A_23, %dma_start3A_24] : memref<108x96xi32, #tpu.memory_space<vmem>> -> memref<1x96xi32, #tpu.memory_space<vmem>>
    %dma_start3A_26 = tpu.memref_squeeze %dma_start3A_25 : memref<1x96xi32, #tpu.memory_space<vmem>> -> memref<96xi32, #tpu.memory_space<vmem>>
    %dma_start3A_27 = arith.constant 0 : i32
    %dma_start3A_28 = arith.constant 0 : i32
    %dma_start3A_29 = tpu.memref_slice %arg8[%dma_start3A_27, %dma_start3A_28] : memref<10016x128xf32, #tpu.memory_space<vmem_shared>> -> memref<10016x128xf32, #tpu.memory_space<vmem_shared>>
    tpu.enqueue_indirect_dma source(%arg7 : memref<96x128xf32, #tpu.memory_space<vmem>>) target(%dma_start3A_29 : memref<10016x128xf32, #tpu.memory_space<vmem_shared>>) offsets(%dma_start3A_26 : memref<96xi32, #tpu.memory_space<vmem>>) semaphore(%arg12 : memref<!tpu.dma_semaphore, #tpu.memory_space<semaphore_mem>>) {add = true}
    %scan3A = arith.constant 0 : i32
    %scan3A_30 = arith.constant 0 : i32
    %scan3A_31 = arith.constant 26 : i32
    %scan3A_32 = arith.addi %scan3A_30, %scan3A_31 : i32
    %scan3A_33 = arith.constant 1 : i32
    scf.for %scan3A_65 = %scan3A_30 to %scan3A_32 step %scan3A_33  : i32 {
      %mul3A_66 = arith.constant 4 : i32
      %mul3A_67 = arith.muli %scan3A_65, %mul3A_66 : i32
      %add3A_68 = arith.constant 0 : i32
      %add3A_69 = arith.addi %mul3A_67, %add3A_68 : i32
      %dma_wait3A_70 = arith.constant 0 : i32
      %dma_wait3A_71 = tpu.memref_slice %arg6[%add3A_69, %dma_wait3A_70] : memref<108x96xi32, #tpu.memory_space<vmem>> -> memref<1x96xi32, #tpu.memory_space<vmem>>
      %dma_wait3A_72 = tpu.memref_squeeze %dma_wait3A_71 : memref<1x96xi32, #tpu.memory_space<vmem>> -> memref<96xi32, #tpu.memory_space<vmem>>
      %dma_wait3A_73 = arith.constant 0 : i32
      %dma_wait3A_74 = arith.constant 0 : i32
      %dma_wait3A_75 = tpu.memref_slice %arg8[%dma_wait3A_73, %dma_wait3A_74] : memref<10016x128xf32, #tpu.memory_space<vmem_shared>> -> memref<10016x128xf32, #tpu.memory_space<vmem_shared>>
      tpu.wait_indirect_dma semaphore(%arg9 : memref<!tpu.dma_semaphore, #tpu.memory_space<semaphore_mem>>) src(%arg7 : memref<96x128xf32, #tpu.memory_space<vmem>>) dst(%dma_wait3A_75 : memref<10016x128xf32, #tpu.memory_space<vmem_shared>>)
      %add3A_76 = arith.constant 4 : i32
      %add3A_77 = arith.addi %add3A_69, %add3A_76 : i32
      %dma_start3A_78 = arith.constant 0 : i32
      %dma_start3A_79 = tpu.memref_slice %arg6[%add3A_77, %dma_start3A_78] : memref<108x96xi32, #tpu.memory_space<vmem>> -> memref<1x96xi32, #tpu.memory_space<vmem>>
      %dma_start3A_80 = tpu.memref_squeeze %dma_start3A_79 : memref<1x96xi32, #tpu.memory_space<vmem>> -> memref<96xi32, #tpu.memory_space<vmem>>
      %dma_start3A_81 = arith.constant 0 : i32
      %dma_start3A_82 = arith.constant 0 : i32
      %dma_start3A_83 = tpu.memref_slice %arg8[%dma_start3A_81, %dma_start3A_82] : memref<10016x128xf32, #tpu.memory_space<vmem_shared>> -> memref<10016x128xf32, #tpu.memory_space<vmem_shared>>
      tpu.enqueue_indirect_dma source(%arg7 : memref<96x128xf32, #tpu.memory_space<vmem>>) target(%dma_start3A_83 : memref<10016x128xf32, #tpu.memory_space<vmem_shared>>) offsets(%dma_start3A_80 : memref<96xi32, #tpu.memory_space<vmem>>) semaphore(%arg9 : memref<!tpu.dma_semaphore, #tpu.memory_space<semaphore_mem>>) {add = true}
      %mul3A_84 = arith.constant 4 : i32
      %mul3A_85 = arith.muli %scan3A_65, %mul3A_84 : i32
      %add3A_86 = arith.constant 1 : i32
      %add3A_87 = arith.addi %mul3A_85, %add3A_86 : i32
      %dma_wait3A_88 = arith.constant 0 : i32
      %dma_wait3A_89 = tpu.memref_slice %arg6[%add3A_87, %dma_wait3A_88] : memref<108x96xi32, #tpu.memory_space<vmem>> -> memref<1x96xi32, #tpu.memory_space<vmem>>
      %dma_wait3A_90 = tpu.memref_squeeze %dma_wait3A_89 : memref<1x96xi32, #tpu.memory_space<vmem>> -> memref<96xi32, #tpu.memory_space<vmem>>
      %dma_wait3A_91 = arith.constant 0 : i32
      %dma_wait3A_92 = arith.constant 0 : i32
      %dma_wait3A_93 = tpu.memref_slice %arg8[%dma_wait3A_91, %dma_wait3A_92] : memref<10016x128xf32, #tpu.memory_space<vmem_shared>> -> memref<10016x128xf32, #tpu.memory_space<vmem_shared>>
      tpu.wait_indirect_dma semaphore(%arg10 : memref<!tpu.dma_semaphore, #tpu.memory_space<semaphore_mem>>) src(%arg7 : memref<96x128xf32, #tpu.memory_space<vmem>>) dst(%dma_wait3A_93 : memref<10016x128xf32, #tpu.memory_space<vmem_shared>>)
      %add3A_94 = arith.constant 4 : i32
      %add3A_95 = arith.addi %add3A_87, %add3A_94 : i32
      %dma_start3A_96 = arith.constant 0 : i32
      %dma_start3A_97 = tpu.memref_slice %arg6[%add3A_95, %dma_start3A_96] : memref<108x96xi32, #tpu.memory_space<vmem>> -> memref<1x96xi32, #tpu.memory_space<vmem>>
      %dma_start3A_98 = tpu.memref_squeeze %dma_start3A_97 : memref<1x96xi32, #tpu.memory_space<vmem>> -> memref<96xi32, #tpu.memory_space<vmem>>
      %dma_start3A_99 = arith.constant 0 : i32
      %dma_start3A_100 = arith.constant 0 : i32
      %dma_start3A_101 = tpu.memref_slice %arg8[%dma_start3A_99, %dma_start3A_100] : memref<10016x128xf32, #tpu.memory_space<vmem_shared>> -> memref<10016x128xf32, #tpu.memory_space<vmem_shared>>
      tpu.enqueue_indirect_dma source(%arg7 : memref<96x128xf32, #tpu.memory_space<vmem>>) target(%dma_start3A_101 : memref<10016x128xf32, #tpu.memory_space<vmem_shared>>) offsets(%dma_start3A_98 : memref<96xi32, #tpu.memory_space<vmem>>) semaphore(%arg10 : memref<!tpu.dma_semaphore, #tpu.memory_space<semaphore_mem>>) {add = true}
      %mul3A_102 = arith.constant 4 : i32
      %mul3A_103 = arith.muli %scan3A_65, %mul3A_102 : i32
      %add3A_104 = arith.constant 2 : i32
      %add3A_105 = arith.addi %mul3A_103, %add3A_104 : i32
      %dma_wait3A_106 = arith.constant 0 : i32
      %dma_wait3A_107 = tpu.memref_slice %arg6[%add3A_105, %dma_wait3A_106] : memref<108x96xi32, #tpu.memory_space<vmem>> -> memref<1x96xi32, #tpu.memory_space<vmem>>
      %dma_wait3A_108 = tpu.memref_squeeze %dma_wait3A_107 : memref<1x96xi32, #tpu.memory_space<vmem>> -> memref<96xi32, #tpu.memory_space<vmem>>
      %dma_wait3A_109 = arith.constant 0 : i32
      %dma_wait3A_110 = arith.constant 0 : i32
      %dma_wait3A_111 = tpu.memref_slice %arg8[%dma_wait3A_109, %dma_wait3A_110] : memref<10016x128xf32, #tpu.memory_space<vmem_shared>> -> memref<10016x128xf32, #tpu.memory_space<vmem_shared>>
      tpu.wait_indirect_dma semaphore(%arg11 : memref<!tpu.dma_semaphore, #tpu.memory_space<semaphore_mem>>) src(%arg7 : memref<96x128xf32, #tpu.memory_space<vmem>>) dst(%dma_wait3A_111 : memref<10016x128xf32, #tpu.memory_space<vmem_shared>>)
      %add3A_112 = arith.constant 4 : i32
      %add3A_113 = arith.addi %add3A_105, %add3A_112 : i32
      %dma_start3A_114 = arith.constant 0 : i32
      %dma_start3A_115 = tpu.memref_slice %arg6[%add3A_113, %dma_start3A_114] : memref<108x96xi32, #tpu.memory_space<vmem>> -> memref<1x96xi32, #tpu.memory_space<vmem>>
      %dma_start3A_116 = tpu.memref_squeeze %dma_start3A_115 : memref<1x96xi32, #tpu.memory_space<vmem>> -> memref<96xi32, #tpu.memory_space<vmem>>
      %dma_start3A_117 = arith.constant 0 : i32
      %dma_start3A_118 = arith.constant 0 : i32
      %dma_start3A_119 = tpu.memref_slice %arg8[%dma_start3A_117, %dma_start3A_118] : memref<10016x128xf32, #tpu.memory_space<vmem_shared>> -> memref<10016x128xf32, #tpu.memory_space<vmem_shared>>
      tpu.enqueue_indirect_dma source(%arg7 : memref<96x128xf32, #tpu.memory_space<vmem>>) target(%dma_start3A_119 : memref<10016x128xf32, #tpu.memory_space<vmem_shared>>) offsets(%dma_start3A_116 : memref<96xi32, #tpu.memory_space<vmem>>) semaphore(%arg11 : memref<!tpu.dma_semaphore, #tpu.memory_space<semaphore_mem>>) {add = true}
      %mul3A_120 = arith.constant 4 : i32
      %mul3A_121 = arith.muli %scan3A_65, %mul3A_120 : i32
      %add3A_122 = arith.constant 3 : i32
      %add3A_123 = arith.addi %mul3A_121, %add3A_122 : i32
      %dma_wait3A_124 = arith.constant 0 : i32
      %dma_wait3A_125 = tpu.memref_slice %arg6[%add3A_123, %dma_wait3A_124] : memref<108x96xi32, #tpu.memory_space<vmem>> -> memref<1x96xi32, #tpu.memory_space<vmem>>
      %dma_wait3A_126 = tpu.memref_squeeze %dma_wait3A_125 : memref<1x96xi32, #tpu.memory_space<vmem>> -> memref<96xi32, #tpu.memory_space<vmem>>
      %dma_wait3A_127 = arith.constant 0 : i32
      %dma_wait3A_128 = arith.constant 0 : i32
      %dma_wait3A_129 = tpu.memref_slice %arg8[%dma_wait3A_127, %dma_wait3A_128] : memref<10016x128xf32, #tpu.memory_space<vmem_shared>> -> memref<10016x128xf32, #tpu.memory_space<vmem_shared>>
      tpu.wait_indirect_dma semaphore(%arg12 : memref<!tpu.dma_semaphore, #tpu.memory_space<semaphore_mem>>) src(%arg7 : memref<96x128xf32, #tpu.memory_space<vmem>>) dst(%dma_wait3A_129 : memref<10016x128xf32, #tpu.memory_space<vmem_shared>>)
      %add3A_130 = arith.constant 4 : i32
      %add3A_131 = arith.addi %add3A_123, %add3A_130 : i32
      %dma_start3A_132 = arith.constant 0 : i32
      %dma_start3A_133 = tpu.memref_slice %arg6[%add3A_131, %dma_start3A_132] : memref<108x96xi32, #tpu.memory_space<vmem>> -> memref<1x96xi32, #tpu.memory_space<vmem>>
      %dma_start3A_134 = tpu.memref_squeeze %dma_start3A_133 : memref<1x96xi32, #tpu.memory_space<vmem>> -> memref<96xi32, #tpu.memory_space<vmem>>
      %dma_start3A_135 = arith.constant 0 : i32
      %dma_start3A_136 = arith.constant 0 : i32
      %dma_start3A_137 = tpu.memref_slice %arg8[%dma_start3A_135, %dma_start3A_136] : memref<10016x128xf32, #tpu.memory_space<vmem_shared>> -> memref<10016x128xf32, #tpu.memory_space<vmem_shared>>
      tpu.enqueue_indirect_dma source(%arg7 : memref<96x128xf32, #tpu.memory_space<vmem>>) target(%dma_start3A_137 : memref<10016x128xf32, #tpu.memory_space<vmem_shared>>) offsets(%dma_start3A_134 : memref<96xi32, #tpu.memory_space<vmem>>) semaphore(%arg12 : memref<!tpu.dma_semaphore, #tpu.memory_space<semaphore_mem>>) {add = true}
    }
    %scan3A_34 = arith.constant 26 : i32
    %dma_wait3A = arith.constant 104 : i32
    %dma_wait3A_35 = arith.constant 0 : i32
    %dma_wait3A_36 = tpu.memref_slice %arg6[%dma_wait3A, %dma_wait3A_35] : memref<108x96xi32, #tpu.memory_space<vmem>> -> memref<1x96xi32, #tpu.memory_space<vmem>>
    %dma_wait3A_37 = tpu.memref_squeeze %dma_wait3A_36 : memref<1x96xi32, #tpu.memory_space<vmem>> -> memref<96xi32, #tpu.memory_space<vmem>>
    %dma_wait3A_38 = arith.constant 0 : i32
    %dma_wait3A_39 = arith.constant 0 : i32
    %dma_wait3A_40 = tpu.memref_slice %arg8[%dma_wait3A_38, %dma_wait3A_39] : memref<10016x128xf32, #tpu.memory_space<vmem_shared>> -> memref<10016x128xf32, #tpu.memory_space<vmem_shared>>
    tpu.wait_indirect_dma semaphore(%arg9 : memref<!tpu.dma_semaphore, #tpu.memory_space<semaphore_mem>>) src(%arg7 : memref<96x128xf32, #tpu.memory_space<vmem>>) dst(%dma_wait3A_40 : memref<10016x128xf32, #tpu.memory_space<vmem_shared>>)
    %dma_wait3A_41 = arith.constant 105 : i32
    %dma_wait3A_42 = arith.constant 0 : i32
    %dma_wait3A_43 = tpu.memref_slice %arg6[%dma_wait3A_41, %dma_wait3A_42] : memref<108x96xi32, #tpu.memory_space<vmem>> -> memref<1x96xi32, #tpu.memory_space<vmem>>
    %dma_wait3A_44 = tpu.memref_squeeze %dma_wait3A_43 : memref<1x96xi32, #tpu.memory_space<vmem>> -> memref<96xi32, #tpu.memory_space<vmem>>
    %dma_wait3A_45 = arith.constant 0 : i32
    %dma_wait3A_46 = arith.constant 0 : i32
    %dma_wait3A_47 = tpu.memref_slice %arg8[%dma_wait3A_45, %dma_wait3A_46] : memref<10016x128xf32, #tpu.memory_space<vmem_shared>> -> memref<10016x128xf32, #tpu.memory_space<vmem_shared>>
    tpu.wait_indirect_dma semaphore(%arg10 : memref<!tpu.dma_semaphore, #tpu.memory_space<semaphore_mem>>) src(%arg7 : memref<96x128xf32, #tpu.memory_space<vmem>>) dst(%dma_wait3A_47 : memref<10016x128xf32, #tpu.memory_space<vmem_shared>>)
    %dma_wait3A_48 = arith.constant 106 : i32
    %dma_wait3A_49 = arith.constant 0 : i32
    %dma_wait3A_50 = tpu.memref_slice %arg6[%dma_wait3A_48, %dma_wait3A_49] : memref<108x96xi32, #tpu.memory_space<vmem>> -> memref<1x96xi32, #tpu.memory_space<vmem>>
    %dma_wait3A_51 = tpu.memref_squeeze %dma_wait3A_50 : memref<1x96xi32, #tpu.memory_space<vmem>> -> memref<96xi32, #tpu.memory_space<vmem>>
    %dma_wait3A_52 = arith.constant 0 : i32
    %dma_wait3A_53 = arith.constant 0 : i32
    %dma_wait3A_54 = tpu.memref_slice %arg8[%dma_wait3A_52, %dma_wait3A_53] : memref<10016x128xf32, #tpu.memory_space<vmem_shared>> -> memref<10016x128xf32, #tpu.memory_space<vmem_shared>>
    tpu.wait_indirect_dma semaphore(%arg11 : memref<!tpu.dma_semaphore, #tpu.memory_space<semaphore_mem>>) src(%arg7 : memref<96x128xf32, #tpu.memory_space<vmem>>) dst(%dma_wait3A_54 : memref<10016x128xf32, #tpu.memory_space<vmem_shared>>)
    %dma_wait3A_55 = arith.constant 107 : i32
    %dma_wait3A_56 = arith.constant 0 : i32
    %dma_wait3A_57 = tpu.memref_slice %arg6[%dma_wait3A_55, %dma_wait3A_56] : memref<108x96xi32, #tpu.memory_space<vmem>> -> memref<1x96xi32, #tpu.memory_space<vmem>>
    %dma_wait3A_58 = tpu.memref_squeeze %dma_wait3A_57 : memref<1x96xi32, #tpu.memory_space<vmem>> -> memref<96xi32, #tpu.memory_space<vmem>>
    %dma_wait3A_59 = arith.constant 0 : i32
    %dma_wait3A_60 = arith.constant 0 : i32
    %dma_wait3A_61 = tpu.memref_slice %arg8[%dma_wait3A_59, %dma_wait3A_60] : memref<10016x128xf32, #tpu.memory_space<vmem_shared>> -> memref<10016x128xf32, #tpu.memory_space<vmem_shared>>
    tpu.wait_indirect_dma semaphore(%arg12 : memref<!tpu.dma_semaphore, #tpu.memory_space<semaphore_mem>>) src(%arg7 : memref<96x128xf32, #tpu.memory_space<vmem>>) dst(%dma_wait3A_61 : memref<10016x128xf32, #tpu.memory_space<vmem_shared>>)
    %barrier3A_62 = arith.constant 0 : index
    tpu.barrier barrier_id(%barrier3A_62)
    %mul3A_63 = arith.constant 626 : i32
    %mul3A_64 = arith.muli %arg1, %mul3A_63 : i32
    "tpu.region"() ({
      %run_scoped3A = tpu.sem_alloc : memref<!tpu.dma_semaphore, #tpu.memory_space<semaphore_mem>>
      %dma_start3A_65 = arith.constant 0 : i32
      %dma_start3A_66 = arith.constant 0 : i32
      %dma_start3A_67 = tpu.memref_slice %arg5[%add3A, %dma_start3A_65, %dma_start3A_66] : memref<32x626x128xf32, #tpu.memory_space<hbm>> -> memref<1x626x128xf32, #tpu.memory_space<hbm>>
      %dma_start3A_68 = tpu.memref_squeeze %dma_start3A_67 : memref<1x626x128xf32, #tpu.memory_space<hbm>> -> memref<626x128xf32, #tpu.memory_space<hbm>>
      %dma_start3A_69 = arith.constant 0 : i32
      %dma_start3A_70 = tpu.memref_slice %arg8[%mul3A_64, %dma_start3A_69] : memref<10016x128xf32, #tpu.memory_space<vmem_shared>> -> memref<626x128xf32, #tpu.memory_space<vmem_shared>>
      tpu.enqueue_dma source(%dma_start3A_70 : memref<626x128xf32, #tpu.memory_space<vmem_shared>>) target(%dma_start3A_68 : memref<626x128xf32, #tpu.memory_space<hbm>>) target_semaphore(%run_scoped3A : memref<!tpu.dma_semaphore, #tpu.memory_space<semaphore_mem>>)
      %dma_wait3A_71 = arith.constant 0 : i32
      %dma_wait3A_72 = arith.constant 0 : i32
      %dma_wait3A_73 = tpu.memref_slice %arg5[%add3A, %dma_wait3A_71, %dma_wait3A_72] : memref<32x626x128xf32, #tpu.memory_space<hbm>> -> memref<1x626x128xf32, #tpu.memory_space<hbm>>
      %dma_wait3A_74 = tpu.memref_squeeze %dma_wait3A_73 : memref<1x626x128xf32, #tpu.memory_space<hbm>> -> memref<626x128xf32, #tpu.memory_space<hbm>>
      %dma_wait3A_75 = arith.constant 0 : i32
      %dma_wait3A_76 = tpu.memref_slice %arg8[%mul3A_64, %dma_wait3A_75] : memref<10016x128xf32, #tpu.memory_space<vmem_shared>> -> memref<626x128xf32, #tpu.memory_space<vmem_shared>>
      tpu.wait_dma2 semaphore(%run_scoped3A : memref<!tpu.dma_semaphore, #tpu.memory_space<semaphore_mem>>) src(%dma_wait3A_76 : memref<626x128xf32, #tpu.memory_space<vmem_shared>>) dst(%dma_wait3A_74 : memref<626x128xf32, #tpu.memory_space<hbm>>)
      tpu.yield
    }) : () -> ()
    return
  }
}

#map = affine_map<(d0, d1) -> (0, 0)>
#map1 = affine_map<(d0, d1) -> (0, 0, 0, 0)>
#map2 = affine_map<(d0, d1) -> (0, 0, 0)>
module attributes {stable_mosaic.version = 14 : i64} {
  func.func @agg_kernel(%arg0: i32, %arg1: i32, %arg2: memref<10000x128xf32, #tpu.memory_space<hbm>>, %arg3: memref<32x108x2x96xi32, #tpu.memory_space<hbm>>, %arg4: memref<626x128xf32, #tpu.memory_space<hbm>>, %arg5: memref<32x626x128xf32, #tpu.memory_space<hbm>>, %arg6: memref<2x96xi32, #tpu.memory_space<vmem>>, %arg7: memref<2x96xi32, #tpu.memory_space<vmem>>, %arg8: memref<2x96xi32, #tpu.memory_space<vmem>>, %arg9: memref<2x96xi32, #tpu.memory_space<vmem>>, %arg10: memref<2x96xi32, #tpu.memory_space<vmem>>, %arg11: memref<2x96xi32, #tpu.memory_space<vmem>>, %arg12: memref<96x128xf32, #tpu.memory_space<vmem>>, %arg13: memref<96x128xf32, #tpu.memory_space<vmem>>, %arg14: memref<96x128xf32, #tpu.memory_space<vmem>>, %arg15: memref<10016x128xf32, #tpu.memory_space<vmem_shared>>, %arg16: memref<!tpu.dma_semaphore, #tpu.memory_space<semaphore_mem>>, %arg17: memref<!tpu.dma_semaphore, #tpu.memory_space<semaphore_mem>>, %arg18: memref<!tpu.dma_semaphore, #tpu.memory_space<semaphore_mem>>, %arg19: memref<!tpu.dma_semaphore, #tpu.memory_space<semaphore_mem>>, %arg20: memref<!tpu.dma_semaphore, #tpu.memory_space<semaphore_mem>>, %arg21: memref<!tpu.dma_semaphore, #tpu.memory_space<semaphore_mem>>, %arg22: memref<!tpu.dma_semaphore, #tpu.memory_space<semaphore_mem>>, %arg23: memref<!tpu.dma_semaphore, #tpu.memory_space<semaphore_mem>>, %arg24: memref<!tpu.dma_semaphore, #tpu.memory_space<semaphore_mem>>, %arg25: memref<!tpu.dma_semaphore, #tpu.memory_space<semaphore_mem>>, %arg26: memref<!tpu.dma_semaphore, #tpu.memory_space<semaphore_mem>>, %arg27: memref<!tpu.dma_semaphore, #tpu.memory_space<semaphore_mem>>, %arg28: memref<!tpu.dma_semaphore, #tpu.memory_space<semaphore_mem>>, %arg29: memref<!tpu.dma_semaphore, #tpu.memory_space<semaphore_mem>>, %arg30: memref<!tpu.dma_semaphore, #tpu.memory_space<semaphore_mem>>) attributes {dimension_semantics = [#tpu.dimension_semantics<core_parallel>, #tpu.dimension_semantics<subcore_parallel>], iteration_bounds = array<i64: 2, 16>, scalar_prefetch = 0 : i64, scratch_operands = 25 : i64, tpu.core_type = #tpu.core_type<sc_vector_subcore>, window_params = [{transform_indices = #map}, {transform_indices = #map1}, {transform_indices = #map}, {transform_indices = #map2}]} {
    %mul3A = arith.constant 16 : i32
    %mul3A_0 = arith.muli %arg0, %mul3A : i32
    %add3A = arith.addi %mul3A_0, %arg1 : i32
    %dma_start3A = arith.constant 0 : i32
    %dma_start3A_1 = arith.constant 0 : i32
    %dma_start3A_2 = arith.constant 0 : i32
    %dma_start3A_3 = tpu.memref_slice %arg3[%add3A, %dma_start3A, %dma_start3A_1, %dma_start3A_2] : memref<32x108x2x96xi32, #tpu.memory_space<hbm>> -> memref<1x1x2x96xi32, #tpu.memory_space<hbm>>
    %dma_start3A_4 = tpu.memref_squeeze %dma_start3A_3 : memref<1x1x2x96xi32, #tpu.memory_space<hbm>> -> memref<2x96xi32, #tpu.memory_space<hbm>>
    %dma_start3A_5 = arith.constant 0 : i32
    %dma_start3A_6 = arith.constant 0 : i32
    %dma_start3A_7 = tpu.memref_slice %arg3[%add3A, %dma_start3A, %dma_start3A_5, %dma_start3A_6] : memref<32x108x2x96xi32, #tpu.memory_space<hbm>> -> memref<1x1x2x96xi32, #tpu.memory_space<hbm>>
    %dma_start3A_8 = tpu.memref_squeeze %dma_start3A_7 : memref<1x1x2x96xi32, #tpu.memory_space<hbm>> -> memref<2x96xi32, #tpu.memory_space<hbm>>
    tpu.enqueue_dma source(%dma_start3A_8 : memref<2x96xi32, #tpu.memory_space<hbm>>) target(%arg6 : memref<2x96xi32, #tpu.memory_space<vmem>>) target_semaphore(%arg16 : memref<!tpu.dma_semaphore, #tpu.memory_space<semaphore_mem>>)
    %dma_start3A_9 = arith.constant 1 : i32
    %dma_start3A_10 = arith.constant 0 : i32
    %dma_start3A_11 = arith.constant 0 : i32
    %dma_start3A_12 = tpu.memref_slice %arg3[%add3A, %dma_start3A_9, %dma_start3A_10, %dma_start3A_11] : memref<32x108x2x96xi32, #tpu.memory_space<hbm>> -> memref<1x1x2x96xi32, #tpu.memory_space<hbm>>
    %dma_start3A_13 = tpu.memref_squeeze %dma_start3A_12 : memref<1x1x2x96xi32, #tpu.memory_space<hbm>> -> memref<2x96xi32, #tpu.memory_space<hbm>>
    %dma_start3A_14 = arith.constant 0 : i32
    %dma_start3A_15 = arith.constant 0 : i32
    %dma_start3A_16 = tpu.memref_slice %arg3[%add3A, %dma_start3A_9, %dma_start3A_14, %dma_start3A_15] : memref<32x108x2x96xi32, #tpu.memory_space<hbm>> -> memref<1x1x2x96xi32, #tpu.memory_space<hbm>>
    %dma_start3A_17 = tpu.memref_squeeze %dma_start3A_16 : memref<1x1x2x96xi32, #tpu.memory_space<hbm>> -> memref<2x96xi32, #tpu.memory_space<hbm>>
    tpu.enqueue_dma source(%dma_start3A_17 : memref<2x96xi32, #tpu.memory_space<hbm>>) target(%arg7 : memref<2x96xi32, #tpu.memory_space<vmem>>) target_semaphore(%arg17 : memref<!tpu.dma_semaphore, #tpu.memory_space<semaphore_mem>>)
    %dma_start3A_18 = arith.constant 2 : i32
    %dma_start3A_19 = arith.constant 0 : i32
    %dma_start3A_20 = arith.constant 0 : i32
    %dma_start3A_21 = tpu.memref_slice %arg3[%add3A, %dma_start3A_18, %dma_start3A_19, %dma_start3A_20] : memref<32x108x2x96xi32, #tpu.memory_space<hbm>> -> memref<1x1x2x96xi32, #tpu.memory_space<hbm>>
    %dma_start3A_22 = tpu.memref_squeeze %dma_start3A_21 : memref<1x1x2x96xi32, #tpu.memory_space<hbm>> -> memref<2x96xi32, #tpu.memory_space<hbm>>
    %dma_start3A_23 = arith.constant 0 : i32
    %dma_start3A_24 = arith.constant 0 : i32
    %dma_start3A_25 = tpu.memref_slice %arg3[%add3A, %dma_start3A_18, %dma_start3A_23, %dma_start3A_24] : memref<32x108x2x96xi32, #tpu.memory_space<hbm>> -> memref<1x1x2x96xi32, #tpu.memory_space<hbm>>
    %dma_start3A_26 = tpu.memref_squeeze %dma_start3A_25 : memref<1x1x2x96xi32, #tpu.memory_space<hbm>> -> memref<2x96xi32, #tpu.memory_space<hbm>>
    tpu.enqueue_dma source(%dma_start3A_26 : memref<2x96xi32, #tpu.memory_space<hbm>>) target(%arg8 : memref<2x96xi32, #tpu.memory_space<vmem>>) target_semaphore(%arg18 : memref<!tpu.dma_semaphore, #tpu.memory_space<semaphore_mem>>)
    %dma_start3A_27 = arith.constant 3 : i32
    %dma_start3A_28 = arith.constant 0 : i32
    %dma_start3A_29 = arith.constant 0 : i32
    %dma_start3A_30 = tpu.memref_slice %arg3[%add3A, %dma_start3A_27, %dma_start3A_28, %dma_start3A_29] : memref<32x108x2x96xi32, #tpu.memory_space<hbm>> -> memref<1x1x2x96xi32, #tpu.memory_space<hbm>>
    %dma_start3A_31 = tpu.memref_squeeze %dma_start3A_30 : memref<1x1x2x96xi32, #tpu.memory_space<hbm>> -> memref<2x96xi32, #tpu.memory_space<hbm>>
    %dma_start3A_32 = arith.constant 0 : i32
    %dma_start3A_33 = arith.constant 0 : i32
    %dma_start3A_34 = tpu.memref_slice %arg3[%add3A, %dma_start3A_27, %dma_start3A_32, %dma_start3A_33] : memref<32x108x2x96xi32, #tpu.memory_space<hbm>> -> memref<1x1x2x96xi32, #tpu.memory_space<hbm>>
    %dma_start3A_35 = tpu.memref_squeeze %dma_start3A_34 : memref<1x1x2x96xi32, #tpu.memory_space<hbm>> -> memref<2x96xi32, #tpu.memory_space<hbm>>
    tpu.enqueue_dma source(%dma_start3A_35 : memref<2x96xi32, #tpu.memory_space<hbm>>) target(%arg9 : memref<2x96xi32, #tpu.memory_space<vmem>>) target_semaphore(%arg19 : memref<!tpu.dma_semaphore, #tpu.memory_space<semaphore_mem>>)
    %dma_start3A_36 = arith.constant 4 : i32
    %dma_start3A_37 = arith.constant 0 : i32
    %dma_start3A_38 = arith.constant 0 : i32
    %dma_start3A_39 = tpu.memref_slice %arg3[%add3A, %dma_start3A_36, %dma_start3A_37, %dma_start3A_38] : memref<32x108x2x96xi32, #tpu.memory_space<hbm>> -> memref<1x1x2x96xi32, #tpu.memory_space<hbm>>
    %dma_start3A_40 = tpu.memref_squeeze %dma_start3A_39 : memref<1x1x2x96xi32, #tpu.memory_space<hbm>> -> memref<2x96xi32, #tpu.memory_space<hbm>>
    %dma_start3A_41 = arith.constant 0 : i32
    %dma_start3A_42 = arith.constant 0 : i32
    %dma_start3A_43 = tpu.memref_slice %arg3[%add3A, %dma_start3A_36, %dma_start3A_41, %dma_start3A_42] : memref<32x108x2x96xi32, #tpu.memory_space<hbm>> -> memref<1x1x2x96xi32, #tpu.memory_space<hbm>>
    %dma_start3A_44 = tpu.memref_squeeze %dma_start3A_43 : memref<1x1x2x96xi32, #tpu.memory_space<hbm>> -> memref<2x96xi32, #tpu.memory_space<hbm>>
    tpu.enqueue_dma source(%dma_start3A_44 : memref<2x96xi32, #tpu.memory_space<hbm>>) target(%arg10 : memref<2x96xi32, #tpu.memory_space<vmem>>) target_semaphore(%arg20 : memref<!tpu.dma_semaphore, #tpu.memory_space<semaphore_mem>>)
    %dma_start3A_45 = arith.constant 5 : i32
    %dma_start3A_46 = arith.constant 0 : i32
    %dma_start3A_47 = arith.constant 0 : i32
    %dma_start3A_48 = tpu.memref_slice %arg3[%add3A, %dma_start3A_45, %dma_start3A_46, %dma_start3A_47] : memref<32x108x2x96xi32, #tpu.memory_space<hbm>> -> memref<1x1x2x96xi32, #tpu.memory_space<hbm>>
    %dma_start3A_49 = tpu.memref_squeeze %dma_start3A_48 : memref<1x1x2x96xi32, #tpu.memory_space<hbm>> -> memref<2x96xi32, #tpu.memory_space<hbm>>
    %dma_start3A_50 = arith.constant 0 : i32
    %dma_start3A_51 = arith.constant 0 : i32
    %dma_start3A_52 = tpu.memref_slice %arg3[%add3A, %dma_start3A_45, %dma_start3A_50, %dma_start3A_51] : memref<32x108x2x96xi32, #tpu.memory_space<hbm>> -> memref<1x1x2x96xi32, #tpu.memory_space<hbm>>
    %dma_start3A_53 = tpu.memref_squeeze %dma_start3A_52 : memref<1x1x2x96xi32, #tpu.memory_space<hbm>> -> memref<2x96xi32, #tpu.memory_space<hbm>>
    tpu.enqueue_dma source(%dma_start3A_53 : memref<2x96xi32, #tpu.memory_space<hbm>>) target(%arg11 : memref<2x96xi32, #tpu.memory_space<vmem>>) target_semaphore(%arg21 : memref<!tpu.dma_semaphore, #tpu.memory_space<semaphore_mem>>)
    %mul3A_54 = arith.constant 626 : i32
    %mul3A_55 = arith.muli %arg1, %mul3A_54 : i32
    "tpu.region"() ({
      %run_scoped3A = tpu.sem_alloc : memref<!tpu.dma_semaphore, #tpu.memory_space<semaphore_mem>>
      %dma_start3A_313 = arith.constant 0 : i32
      %dma_start3A_314 = tpu.memref_slice %arg15[%mul3A_55, %dma_start3A_313] : memref<10016x128xf32, #tpu.memory_space<vmem_shared>> -> memref<626x128xf32, #tpu.memory_space<vmem_shared>>
      tpu.enqueue_dma source(%arg4 : memref<626x128xf32, #tpu.memory_space<hbm>>) target(%dma_start3A_314 : memref<626x128xf32, #tpu.memory_space<vmem_shared>>) target_semaphore(%run_scoped3A : memref<!tpu.dma_semaphore, #tpu.memory_space<semaphore_mem>>)
      %dma_wait3A_315 = arith.constant 0 : i32
      %dma_wait3A_316 = tpu.memref_slice %arg15[%mul3A_55, %dma_wait3A_315] : memref<10016x128xf32, #tpu.memory_space<vmem_shared>> -> memref<626x128xf32, #tpu.memory_space<vmem_shared>>
      tpu.wait_dma2 semaphore(%run_scoped3A : memref<!tpu.dma_semaphore, #tpu.memory_space<semaphore_mem>>) src(%arg4 : memref<626x128xf32, #tpu.memory_space<hbm>>) dst(%dma_wait3A_316 : memref<626x128xf32, #tpu.memory_space<vmem_shared>>)
      tpu.yield
    }) : () -> ()
    %barrier3A = arith.constant 0 : index
    tpu.barrier barrier_id(%barrier3A)
    %dma_wait3A = arith.constant 0 : i32
    %dma_wait3A_56 = arith.constant 0 : i32
    %dma_wait3A_57 = arith.constant 0 : i32
    %dma_wait3A_58 = tpu.memref_slice %arg3[%add3A, %dma_wait3A, %dma_wait3A_56, %dma_wait3A_57] : memref<32x108x2x96xi32, #tpu.memory_space<hbm>> -> memref<1x1x2x96xi32, #tpu.memory_space<hbm>>
    %dma_wait3A_59 = tpu.memref_squeeze %dma_wait3A_58 : memref<1x1x2x96xi32, #tpu.memory_space<hbm>> -> memref<2x96xi32, #tpu.memory_space<hbm>>
    %dma_wait3A_60 = arith.constant 0 : i32
    %dma_wait3A_61 = arith.constant 0 : i32
    %dma_wait3A_62 = tpu.memref_slice %arg3[%add3A, %dma_wait3A, %dma_wait3A_60, %dma_wait3A_61] : memref<32x108x2x96xi32, #tpu.memory_space<hbm>> -> memref<1x1x2x96xi32, #tpu.memory_space<hbm>>
    %dma_wait3A_63 = tpu.memref_squeeze %dma_wait3A_62 : memref<1x1x2x96xi32, #tpu.memory_space<hbm>> -> memref<2x96xi32, #tpu.memory_space<hbm>>
    tpu.wait_dma2 semaphore(%arg16 : memref<!tpu.dma_semaphore, #tpu.memory_space<semaphore_mem>>) src(%dma_wait3A_63 : memref<2x96xi32, #tpu.memory_space<hbm>>) dst(%arg6 : memref<2x96xi32, #tpu.memory_space<vmem>>)
    %dma_start3A_64 = arith.constant 0 : i32
    %dma_start3A_65 = arith.constant 0 : i32
    %dma_start3A_66 = tpu.memref_slice %arg6[%dma_start3A_64, %dma_start3A_65] : memref<2x96xi32, #tpu.memory_space<vmem>> -> memref<1x96xi32, #tpu.memory_space<vmem>>
    %dma_start3A_67 = tpu.memref_squeeze %dma_start3A_66 : memref<1x96xi32, #tpu.memory_space<vmem>> -> memref<96xi32, #tpu.memory_space<vmem>>
    %dma_start3A_68 = arith.constant 0 : i32
    %dma_start3A_69 = arith.constant 0 : i32
    %dma_start3A_70 = tpu.memref_slice %arg2[%dma_start3A_68, %dma_start3A_69] : memref<10000x128xf32, #tpu.memory_space<hbm>> -> memref<10000x128xf32, #tpu.memory_space<hbm>>
    tpu.enqueue_indirect_dma source(%dma_start3A_70 : memref<10000x128xf32, #tpu.memory_space<hbm>>) target(%arg12 : memref<96x128xf32, #tpu.memory_space<vmem>>) offsets(%dma_start3A_67 : memref<96xi32, #tpu.memory_space<vmem>>) semaphore(%arg22 : memref<!tpu.dma_semaphore, #tpu.memory_space<semaphore_mem>>)
    %dma_wait3A_71 = arith.constant 0 : i32
    %dma_wait3A_72 = arith.constant 0 : i32
    %dma_wait3A_73 = arith.constant 0 : i32
    %dma_wait3A_74 = tpu.memref_slice %arg3[%add3A, %dma_wait3A_71, %dma_wait3A_72, %dma_wait3A_73] : memref<32x108x2x96xi32, #tpu.memory_space<hbm>> -> memref<1x1x2x96xi32, #tpu.memory_space<hbm>>
    %dma_wait3A_75 = tpu.memref_squeeze %dma_wait3A_74 : memref<1x1x2x96xi32, #tpu.memory_space<hbm>> -> memref<2x96xi32, #tpu.memory_space<hbm>>
    %dma_wait3A_76 = arith.constant 0 : i32
    %dma_wait3A_77 = arith.constant 0 : i32
    %dma_wait3A_78 = tpu.memref_slice %arg3[%add3A, %dma_wait3A_71, %dma_wait3A_76, %dma_wait3A_77] : memref<32x108x2x96xi32, #tpu.memory_space<hbm>> -> memref<1x1x2x96xi32, #tpu.memory_space<hbm>>
    %dma_wait3A_79 = tpu.memref_squeeze %dma_wait3A_78 : memref<1x1x2x96xi32, #tpu.memory_space<hbm>> -> memref<2x96xi32, #tpu.memory_space<hbm>>
    tpu.wait_dma2 semaphore(%arg17 : memref<!tpu.dma_semaphore, #tpu.memory_space<semaphore_mem>>) src(%dma_wait3A_79 : memref<2x96xi32, #tpu.memory_space<hbm>>) dst(%arg7 : memref<2x96xi32, #tpu.memory_space<vmem>>)
    %dma_start3A_80 = arith.constant 0 : i32
    %dma_start3A_81 = arith.constant 0 : i32
    %dma_start3A_82 = tpu.memref_slice %arg7[%dma_start3A_80, %dma_start3A_81] : memref<2x96xi32, #tpu.memory_space<vmem>> -> memref<1x96xi32, #tpu.memory_space<vmem>>
    %dma_start3A_83 = tpu.memref_squeeze %dma_start3A_82 : memref<1x96xi32, #tpu.memory_space<vmem>> -> memref<96xi32, #tpu.memory_space<vmem>>
    %dma_start3A_84 = arith.constant 0 : i32
    %dma_start3A_85 = arith.constant 0 : i32
    %dma_start3A_86 = tpu.memref_slice %arg2[%dma_start3A_84, %dma_start3A_85] : memref<10000x128xf32, #tpu.memory_space<hbm>> -> memref<10000x128xf32, #tpu.memory_space<hbm>>
    tpu.enqueue_indirect_dma source(%dma_start3A_86 : memref<10000x128xf32, #tpu.memory_space<hbm>>) target(%arg13 : memref<96x128xf32, #tpu.memory_space<vmem>>) offsets(%dma_start3A_83 : memref<96xi32, #tpu.memory_space<vmem>>) semaphore(%arg23 : memref<!tpu.dma_semaphore, #tpu.memory_space<semaphore_mem>>)
    %dma_wait3A_87 = arith.constant 0 : i32
    %dma_wait3A_88 = arith.constant 0 : i32
    %dma_wait3A_89 = tpu.memref_slice %arg6[%dma_wait3A_87, %dma_wait3A_88] : memref<2x96xi32, #tpu.memory_space<vmem>> -> memref<1x96xi32, #tpu.memory_space<vmem>>
    %dma_wait3A_90 = tpu.memref_squeeze %dma_wait3A_89 : memref<1x96xi32, #tpu.memory_space<vmem>> -> memref<96xi32, #tpu.memory_space<vmem>>
    %dma_wait3A_91 = arith.constant 0 : i32
    %dma_wait3A_92 = arith.constant 0 : i32
    %dma_wait3A_93 = tpu.memref_slice %arg2[%dma_wait3A_91, %dma_wait3A_92] : memref<10000x128xf32, #tpu.memory_space<hbm>> -> memref<10000x128xf32, #tpu.memory_space<hbm>>
    tpu.wait_indirect_dma semaphore(%arg22 : memref<!tpu.dma_semaphore, #tpu.memory_space<semaphore_mem>>) src(%dma_wait3A_93 : memref<10000x128xf32, #tpu.memory_space<hbm>>) dst(%arg12 : memref<96x128xf32, #tpu.memory_space<vmem>>)
    %dma_start3A_94 = arith.constant 1 : i32
    %dma_start3A_95 = arith.constant 0 : i32
    %dma_start3A_96 = tpu.memref_slice %arg6[%dma_start3A_94, %dma_start3A_95] : memref<2x96xi32, #tpu.memory_space<vmem>> -> memref<1x96xi32, #tpu.memory_space<vmem>>
    %dma_start3A_97 = tpu.memref_squeeze %dma_start3A_96 : memref<1x96xi32, #tpu.memory_space<vmem>> -> memref<96xi32, #tpu.memory_space<vmem>>
    %dma_start3A_98 = arith.constant 0 : i32
    %dma_start3A_99 = arith.constant 0 : i32
    %dma_start3A_100 = tpu.memref_slice %arg15[%dma_start3A_98, %dma_start3A_99] : memref<10016x128xf32, #tpu.memory_space<vmem_shared>> -> memref<10016x128xf32, #tpu.memory_space<vmem_shared>>
    tpu.enqueue_indirect_dma source(%arg12 : memref<96x128xf32, #tpu.memory_space<vmem>>) target(%dma_start3A_100 : memref<10016x128xf32, #tpu.memory_space<vmem_shared>>) offsets(%dma_start3A_97 : memref<96xi32, #tpu.memory_space<vmem>>) semaphore(%arg25 : memref<!tpu.dma_semaphore, #tpu.memory_space<semaphore_mem>>) {add = true}
    %dma_wait3A_101 = arith.constant 0 : i32
    %dma_wait3A_102 = arith.constant 0 : i32
    %dma_wait3A_103 = arith.constant 0 : i32
    %dma_wait3A_104 = tpu.memref_slice %arg3[%add3A, %dma_wait3A_101, %dma_wait3A_102, %dma_wait3A_103] : memref<32x108x2x96xi32, #tpu.memory_space<hbm>> -> memref<1x1x2x96xi32, #tpu.memory_space<hbm>>
    %dma_wait3A_105 = tpu.memref_squeeze %dma_wait3A_104 : memref<1x1x2x96xi32, #tpu.memory_space<hbm>> -> memref<2x96xi32, #tpu.memory_space<hbm>>
    %dma_wait3A_106 = arith.constant 0 : i32
    %dma_wait3A_107 = arith.constant 0 : i32
    %dma_wait3A_108 = tpu.memref_slice %arg3[%add3A, %dma_wait3A_101, %dma_wait3A_106, %dma_wait3A_107] : memref<32x108x2x96xi32, #tpu.memory_space<hbm>> -> memref<1x1x2x96xi32, #tpu.memory_space<hbm>>
    %dma_wait3A_109 = tpu.memref_squeeze %dma_wait3A_108 : memref<1x1x2x96xi32, #tpu.memory_space<hbm>> -> memref<2x96xi32, #tpu.memory_space<hbm>>
    tpu.wait_dma2 semaphore(%arg18 : memref<!tpu.dma_semaphore, #tpu.memory_space<semaphore_mem>>) src(%dma_wait3A_109 : memref<2x96xi32, #tpu.memory_space<hbm>>) dst(%arg8 : memref<2x96xi32, #tpu.memory_space<vmem>>)
    %dma_start3A_110 = arith.constant 0 : i32
    %dma_start3A_111 = arith.constant 0 : i32
    %dma_start3A_112 = tpu.memref_slice %arg8[%dma_start3A_110, %dma_start3A_111] : memref<2x96xi32, #tpu.memory_space<vmem>> -> memref<1x96xi32, #tpu.memory_space<vmem>>
    %dma_start3A_113 = tpu.memref_squeeze %dma_start3A_112 : memref<1x96xi32, #tpu.memory_space<vmem>> -> memref<96xi32, #tpu.memory_space<vmem>>
    %dma_start3A_114 = arith.constant 0 : i32
    %dma_start3A_115 = arith.constant 0 : i32
    %dma_start3A_116 = tpu.memref_slice %arg2[%dma_start3A_114, %dma_start3A_115] : memref<10000x128xf32, #tpu.memory_space<hbm>> -> memref<10000x128xf32, #tpu.memory_space<hbm>>
    tpu.enqueue_indirect_dma source(%dma_start3A_116 : memref<10000x128xf32, #tpu.memory_space<hbm>>) target(%arg14 : memref<96x128xf32, #tpu.memory_space<vmem>>) offsets(%dma_start3A_113 : memref<96xi32, #tpu.memory_space<vmem>>) semaphore(%arg24 : memref<!tpu.dma_semaphore, #tpu.memory_space<semaphore_mem>>)
    %scan3A = arith.constant 0 : i32
    %scan3A_117 = arith.constant 0 : i32
    %scan3A_118 = arith.constant 17 : i32
    %scan3A_119 = arith.addi %scan3A_117, %scan3A_118 : i32
    %scan3A_120 = arith.constant 1 : i32
    scf.for %scan3A_313 = %scan3A_117 to %scan3A_119 step %scan3A_120  : i32 {
      %mul3A_314 = arith.constant 6 : i32
      %mul3A_315 = arith.muli %scan3A_313, %mul3A_314 : i32
      %add3A_316 = arith.constant 0 : i32
      %add3A_317 = arith.addi %mul3A_315, %add3A_316 : i32
      %add3A_318 = arith.constant 1 : i32
      %add3A_319 = arith.addi %add3A_317, %add3A_318 : i32
      %dma_wait3A_320 = arith.constant 0 : i32
      %dma_wait3A_321 = arith.constant 0 : i32
      %dma_wait3A_322 = tpu.memref_slice %arg6[%dma_wait3A_320, %dma_wait3A_321] : memref<2x96xi32, #tpu.memory_space<vmem>> -> memref<1x96xi32, #tpu.memory_space<vmem>>
      %dma_wait3A_323 = tpu.memref_squeeze %dma_wait3A_322 : memref<1x96xi32, #tpu.memory_space<vmem>> -> memref<96xi32, #tpu.memory_space<vmem>>
      %dma_wait3A_324 = arith.constant 0 : i32
      %dma_wait3A_325 = arith.constant 0 : i32
      %dma_wait3A_326 = tpu.memref_slice %arg2[%dma_wait3A_324, %dma_wait3A_325] : memref<10000x128xf32, #tpu.memory_space<hbm>> -> memref<10000x128xf32, #tpu.memory_space<hbm>>
      tpu.wait_indirect_dma semaphore(%arg23 : memref<!tpu.dma_semaphore, #tpu.memory_space<semaphore_mem>>) src(%dma_wait3A_326 : memref<10000x128xf32, #tpu.memory_space<hbm>>) dst(%arg13 : memref<96x128xf32, #tpu.memory_space<vmem>>)
      %dma_start3A_327 = arith.constant 1 : i32
      %dma_start3A_328 = arith.constant 0 : i32
      %dma_start3A_329 = tpu.memref_slice %arg7[%dma_start3A_327, %dma_start3A_328] : memref<2x96xi32, #tpu.memory_space<vmem>> -> memref<1x96xi32, #tpu.memory_space<vmem>>
      %dma_start3A_330 = tpu.memref_squeeze %dma_start3A_329 : memref<1x96xi32, #tpu.memory_space<vmem>> -> memref<96xi32, #tpu.memory_space<vmem>>
      %dma_start3A_331 = arith.constant 0 : i32
      %dma_start3A_332 = arith.constant 0 : i32
      %dma_start3A_333 = tpu.memref_slice %arg15[%dma_start3A_331, %dma_start3A_332] : memref<10016x128xf32, #tpu.memory_space<vmem_shared>> -> memref<10016x128xf32, #tpu.memory_space<vmem_shared>>
      tpu.enqueue_indirect_dma source(%arg13 : memref<96x128xf32, #tpu.memory_space<vmem>>) target(%dma_start3A_333 : memref<10016x128xf32, #tpu.memory_space<vmem_shared>>) offsets(%dma_start3A_330 : memref<96xi32, #tpu.memory_space<vmem>>) semaphore(%arg26 : memref<!tpu.dma_semaphore, #tpu.memory_space<semaphore_mem>>) {add = true}
      %dma_wait3A_334 = arith.constant 1 : i32
      %dma_wait3A_335 = arith.constant 0 : i32
      %dma_wait3A_336 = tpu.memref_slice %arg6[%dma_wait3A_334, %dma_wait3A_335] : memref<2x96xi32, #tpu.memory_space<vmem>> -> memref<1x96xi32, #tpu.memory_space<vmem>>
      %dma_wait3A_337 = tpu.memref_squeeze %dma_wait3A_336 : memref<1x96xi32, #tpu.memory_space<vmem>> -> memref<96xi32, #tpu.memory_space<vmem>>
      %dma_wait3A_338 = arith.constant 0 : i32
      %dma_wait3A_339 = arith.constant 0 : i32
      %dma_wait3A_340 = tpu.memref_slice %arg15[%dma_wait3A_338, %dma_wait3A_339] : memref<10016x128xf32, #tpu.memory_space<vmem_shared>> -> memref<10016x128xf32, #tpu.memory_space<vmem_shared>>
      tpu.wait_indirect_dma semaphore(%arg25 : memref<!tpu.dma_semaphore, #tpu.memory_space<semaphore_mem>>) src(%arg12 : memref<96x128xf32, #tpu.memory_space<vmem>>) dst(%dma_wait3A_340 : memref<10016x128xf32, #tpu.memory_space<vmem_shared>>)
      %dma_wait3A_341 = arith.constant 0 : i32
      %dma_wait3A_342 = arith.constant 0 : i32
      %dma_wait3A_343 = arith.constant 0 : i32
      %dma_wait3A_344 = tpu.memref_slice %arg3[%add3A, %dma_wait3A_341, %dma_wait3A_342, %dma_wait3A_343] : memref<32x108x2x96xi32, #tpu.memory_space<hbm>> -> memref<1x1x2x96xi32, #tpu.memory_space<hbm>>
      %dma_wait3A_345 = tpu.memref_squeeze %dma_wait3A_344 : memref<1x1x2x96xi32, #tpu.memory_space<hbm>> -> memref<2x96xi32, #tpu.memory_space<hbm>>
      %dma_wait3A_346 = arith.constant 0 : i32
      %dma_wait3A_347 = arith.constant 0 : i32
      %dma_wait3A_348 = tpu.memref_slice %arg3[%add3A, %dma_wait3A_341, %dma_wait3A_346, %dma_wait3A_347] : memref<32x108x2x96xi32, #tpu.memory_space<hbm>> -> memref<1x1x2x96xi32, #tpu.memory_space<hbm>>
      %dma_wait3A_349 = tpu.memref_squeeze %dma_wait3A_348 : memref<1x1x2x96xi32, #tpu.memory_space<hbm>> -> memref<2x96xi32, #tpu.memory_space<hbm>>
      tpu.wait_dma2 semaphore(%arg19 : memref<!tpu.dma_semaphore, #tpu.memory_space<semaphore_mem>>) src(%dma_wait3A_349 : memref<2x96xi32, #tpu.memory_space<hbm>>) dst(%arg9 : memref<2x96xi32, #tpu.memory_space<vmem>>)
      %dma_start3A_350 = arith.constant 0 : i32
      %dma_start3A_351 = arith.constant 0 : i32
      %dma_start3A_352 = tpu.memref_slice %arg9[%dma_start3A_350, %dma_start3A_351] : memref<2x96xi32, #tpu.memory_space<vmem>> -> memref<1x96xi32, #tpu.memory_space<vmem>>
      %dma_start3A_353 = tpu.memref_squeeze %dma_start3A_352 : memref<1x96xi32, #tpu.memory_space<vmem>> -> memref<96xi32, #tpu.memory_space<vmem>>
      %dma_start3A_354 = arith.constant 0 : i32
      %dma_start3A_355 = arith.constant 0 : i32
      %dma_start3A_356 = tpu.memref_slice %arg2[%dma_start3A_354, %dma_start3A_355] : memref<10000x128xf32, #tpu.memory_space<hbm>> -> memref<10000x128xf32, #tpu.memory_space<hbm>>
      tpu.enqueue_indirect_dma source(%dma_start3A_356 : memref<10000x128xf32, #tpu.memory_space<hbm>>) target(%arg12 : memref<96x128xf32, #tpu.memory_space<vmem>>) offsets(%dma_start3A_353 : memref<96xi32, #tpu.memory_space<vmem>>) semaphore(%arg22 : memref<!tpu.dma_semaphore, #tpu.memory_space<semaphore_mem>>)
      %add3A_357 = arith.constant 5 : i32
      %add3A_358 = arith.addi %add3A_319, %add3A_357 : i32
      %dma_start3A_359 = arith.constant 0 : i32
      %dma_start3A_360 = arith.constant 0 : i32
      %dma_start3A_361 = tpu.memref_slice %arg3[%add3A, %add3A_358, %dma_start3A_359, %dma_start3A_360] : memref<32x108x2x96xi32, #tpu.memory_space<hbm>> -> memref<1x1x2x96xi32, #tpu.memory_space<hbm>>
      %dma_start3A_362 = tpu.memref_squeeze %dma_start3A_361 : memref<1x1x2x96xi32, #tpu.memory_space<hbm>> -> memref<2x96xi32, #tpu.memory_space<hbm>>
      %dma_start3A_363 = arith.constant 0 : i32
      %dma_start3A_364 = arith.constant 0 : i32
      %dma_start3A_365 = tpu.memref_slice %arg3[%add3A, %add3A_358, %dma_start3A_363, %dma_start3A_364] : memref<32x108x2x96xi32, #tpu.memory_space<hbm>> -> memref<1x1x2x96xi32, #tpu.memory_space<hbm>>
      %dma_start3A_366 = tpu.memref_squeeze %dma_start3A_365 : memref<1x1x2x96xi32, #tpu.memory_space<hbm>> -> memref<2x96xi32, #tpu.memory_space<hbm>>
      tpu.enqueue_dma source(%dma_start3A_366 : memref<2x96xi32, #tpu.memory_space<hbm>>) target(%arg6 : memref<2x96xi32, #tpu.memory_space<vmem>>) target_semaphore(%arg16 : memref<!tpu.dma_semaphore, #tpu.memory_space<semaphore_mem>>)
      %mul3A_367 = arith.constant 6 : i32
      %mul3A_368 = arith.muli %scan3A_313, %mul3A_367 : i32
      %add3A_369 = arith.constant 1 : i32
      %add3A_370 = arith.addi %mul3A_368, %add3A_369 : i32
      %add3A_371 = arith.constant 1 : i32
      %add3A_372 = arith.addi %add3A_370, %add3A_371 : i32
      %dma_wait3A_373 = arith.constant 0 : i32
      %dma_wait3A_374 = arith.constant 0 : i32
      %dma_wait3A_375 = tpu.memref_slice %arg6[%dma_wait3A_373, %dma_wait3A_374] : memref<2x96xi32, #tpu.memory_space<vmem>> -> memref<1x96xi32, #tpu.memory_space<vmem>>
      %dma_wait3A_376 = tpu.memref_squeeze %dma_wait3A_375 : memref<1x96xi32, #tpu.memory_space<vmem>> -> memref<96xi32, #tpu.memory_space<vmem>>
      %dma_wait3A_377 = arith.constant 0 : i32
      %dma_wait3A_378 = arith.constant 0 : i32
      %dma_wait3A_379 = tpu.memref_slice %arg2[%dma_wait3A_377, %dma_wait3A_378] : memref<10000x128xf32, #tpu.memory_space<hbm>> -> memref<10000x128xf32, #tpu.memory_space<hbm>>
      tpu.wait_indirect_dma semaphore(%arg24 : memref<!tpu.dma_semaphore, #tpu.memory_space<semaphore_mem>>) src(%dma_wait3A_379 : memref<10000x128xf32, #tpu.memory_space<hbm>>) dst(%arg14 : memref<96x128xf32, #tpu.memory_space<vmem>>)
      %dma_start3A_380 = arith.constant 1 : i32
      %dma_start3A_381 = arith.constant 0 : i32
      %dma_start3A_382 = tpu.memref_slice %arg8[%dma_start3A_380, %dma_start3A_381] : memref<2x96xi32, #tpu.memory_space<vmem>> -> memref<1x96xi32, #tpu.memory_space<vmem>>
      %dma_start3A_383 = tpu.memref_squeeze %dma_start3A_382 : memref<1x96xi32, #tpu.memory_space<vmem>> -> memref<96xi32, #tpu.memory_space<vmem>>
      %dma_start3A_384 = arith.constant 0 : i32
      %dma_start3A_385 = arith.constant 0 : i32
      %dma_start3A_386 = tpu.memref_slice %arg15[%dma_start3A_384, %dma_start3A_385] : memref<10016x128xf32, #tpu.memory_space<vmem_shared>> -> memref<10016x128xf32, #tpu.memory_space<vmem_shared>>
      tpu.enqueue_indirect_dma source(%arg14 : memref<96x128xf32, #tpu.memory_space<vmem>>) target(%dma_start3A_386 : memref<10016x128xf32, #tpu.memory_space<vmem_shared>>) offsets(%dma_start3A_383 : memref<96xi32, #tpu.memory_space<vmem>>) semaphore(%arg27 : memref<!tpu.dma_semaphore, #tpu.memory_space<semaphore_mem>>) {add = true}
      %dma_wait3A_387 = arith.constant 1 : i32
      %dma_wait3A_388 = arith.constant 0 : i32
      %dma_wait3A_389 = tpu.memref_slice %arg6[%dma_wait3A_387, %dma_wait3A_388] : memref<2x96xi32, #tpu.memory_space<vmem>> -> memref<1x96xi32, #tpu.memory_space<vmem>>
      %dma_wait3A_390 = tpu.memref_squeeze %dma_wait3A_389 : memref<1x96xi32, #tpu.memory_space<vmem>> -> memref<96xi32, #tpu.memory_space<vmem>>
      %dma_wait3A_391 = arith.constant 0 : i32
      %dma_wait3A_392 = arith.constant 0 : i32
      %dma_wait3A_393 = tpu.memref_slice %arg15[%dma_wait3A_391, %dma_wait3A_392] : memref<10016x128xf32, #tpu.memory_space<vmem_shared>> -> memref<10016x128xf32, #tpu.memory_space<vmem_shared>>
      tpu.wait_indirect_dma semaphore(%arg26 : memref<!tpu.dma_semaphore, #tpu.memory_space<semaphore_mem>>) src(%arg13 : memref<96x128xf32, #tpu.memory_space<vmem>>) dst(%dma_wait3A_393 : memref<10016x128xf32, #tpu.memory_space<vmem_shared>>)
      %dma_wait3A_394 = arith.constant 0 : i32
      %dma_wait3A_395 = arith.constant 0 : i32
      %dma_wait3A_396 = arith.constant 0 : i32
      %dma_wait3A_397 = tpu.memref_slice %arg3[%add3A, %dma_wait3A_394, %dma_wait3A_395, %dma_wait3A_396] : memref<32x108x2x96xi32, #tpu.memory_space<hbm>> -> memref<1x1x2x96xi32, #tpu.memory_space<hbm>>
      %dma_wait3A_398 = tpu.memref_squeeze %dma_wait3A_397 : memref<1x1x2x96xi32, #tpu.memory_space<hbm>> -> memref<2x96xi32, #tpu.memory_space<hbm>>
      %dma_wait3A_399 = arith.constant 0 : i32
      %dma_wait3A_400 = arith.constant 0 : i32
      %dma_wait3A_401 = tpu.memref_slice %arg3[%add3A, %dma_wait3A_394, %dma_wait3A_399, %dma_wait3A_400] : memref<32x108x2x96xi32, #tpu.memory_space<hbm>> -> memref<1x1x2x96xi32, #tpu.memory_space<hbm>>
      %dma_wait3A_402 = tpu.memref_squeeze %dma_wait3A_401 : memref<1x1x2x96xi32, #tpu.memory_space<hbm>> -> memref<2x96xi32, #tpu.memory_space<hbm>>
      tpu.wait_dma2 semaphore(%arg20 : memref<!tpu.dma_semaphore, #tpu.memory_space<semaphore_mem>>) src(%dma_wait3A_402 : memref<2x96xi32, #tpu.memory_space<hbm>>) dst(%arg10 : memref<2x96xi32, #tpu.memory_space<vmem>>)
      %dma_start3A_403 = arith.constant 0 : i32
      %dma_start3A_404 = arith.constant 0 : i32
      %dma_start3A_405 = tpu.memref_slice %arg10[%dma_start3A_403, %dma_start3A_404] : memref<2x96xi32, #tpu.memory_space<vmem>> -> memref<1x96xi32, #tpu.memory_space<vmem>>
      %dma_start3A_406 = tpu.memref_squeeze %dma_start3A_405 : memref<1x96xi32, #tpu.memory_space<vmem>> -> memref<96xi32, #tpu.memory_space<vmem>>
      %dma_start3A_407 = arith.constant 0 : i32
      %dma_start3A_408 = arith.constant 0 : i32
      %dma_start3A_409 = tpu.memref_slice %arg2[%dma_start3A_407, %dma_start3A_408] : memref<10000x128xf32, #tpu.memory_space<hbm>> -> memref<10000x128xf32, #tpu.memory_space<hbm>>
      tpu.enqueue_indirect_dma source(%dma_start3A_409 : memref<10000x128xf32, #tpu.memory_space<hbm>>) target(%arg13 : memref<96x128xf32, #tpu.memory_space<vmem>>) offsets(%dma_start3A_406 : memref<96xi32, #tpu.memory_space<vmem>>) semaphore(%arg23 : memref<!tpu.dma_semaphore, #tpu.memory_space<semaphore_mem>>)
      %add3A_410 = arith.constant 5 : i32
      %add3A_411 = arith.addi %add3A_372, %add3A_410 : i32
      %dma_start3A_412 = arith.constant 0 : i32
      %dma_start3A_413 = arith.constant 0 : i32
      %dma_start3A_414 = tpu.memref_slice %arg3[%add3A, %add3A_411, %dma_start3A_412, %dma_start3A_413] : memref<32x108x2x96xi32, #tpu.memory_space<hbm>> -> memref<1x1x2x96xi32, #tpu.memory_space<hbm>>
      %dma_start3A_415 = tpu.memref_squeeze %dma_start3A_414 : memref<1x1x2x96xi32, #tpu.memory_space<hbm>> -> memref<2x96xi32, #tpu.memory_space<hbm>>
      %dma_start3A_416 = arith.constant 0 : i32
      %dma_start3A_417 = arith.constant 0 : i32
      %dma_start3A_418 = tpu.memref_slice %arg3[%add3A, %add3A_411, %dma_start3A_416, %dma_start3A_417] : memref<32x108x2x96xi32, #tpu.memory_space<hbm>> -> memref<1x1x2x96xi32, #tpu.memory_space<hbm>>
      %dma_start3A_419 = tpu.memref_squeeze %dma_start3A_418 : memref<1x1x2x96xi32, #tpu.memory_space<hbm>> -> memref<2x96xi32, #tpu.memory_space<hbm>>
      tpu.enqueue_dma source(%dma_start3A_419 : memref<2x96xi32, #tpu.memory_space<hbm>>) target(%arg7 : memref<2x96xi32, #tpu.memory_space<vmem>>) target_semaphore(%arg17 : memref<!tpu.dma_semaphore, #tpu.memory_space<semaphore_mem>>)
      %mul3A_420 = arith.constant 6 : i32
      %mul3A_421 = arith.muli %scan3A_313, %mul3A_420 : i32
      %add3A_422 = arith.constant 2 : i32
      %add3A_423 = arith.addi %mul3A_421, %add3A_422 : i32
      %add3A_424 = arith.constant 1 : i32
      %add3A_425 = arith.addi %add3A_423, %add3A_424 : i32
      %dma_wait3A_426 = arith.constant 0 : i32
      %dma_wait3A_427 = arith.constant 0 : i32
      %dma_wait3A_428 = tpu.memref_slice %arg6[%dma_wait3A_426, %dma_wait3A_427] : memref<2x96xi32, #tpu.memory_space<vmem>> -> memref<1x96xi32, #tpu.memory_space<vmem>>
      %dma_wait3A_429 = tpu.memref_squeeze %dma_wait3A_428 : memref<1x96xi32, #tpu.memory_space<vmem>> -> memref<96xi32, #tpu.memory_space<vmem>>
      %dma_wait3A_430 = arith.constant 0 : i32
      %dma_wait3A_431 = arith.constant 0 : i32
      %dma_wait3A_432 = tpu.memref_slice %arg2[%dma_wait3A_430, %dma_wait3A_431] : memref<10000x128xf32, #tpu.memory_space<hbm>> -> memref<10000x128xf32, #tpu.memory_space<hbm>>
      tpu.wait_indirect_dma semaphore(%arg22 : memref<!tpu.dma_semaphore, #tpu.memory_space<semaphore_mem>>) src(%dma_wait3A_432 : memref<10000x128xf32, #tpu.memory_space<hbm>>) dst(%arg12 : memref<96x128xf32, #tpu.memory_space<vmem>>)
      %dma_start3A_433 = arith.constant 1 : i32
      %dma_start3A_434 = arith.constant 0 : i32
      %dma_start3A_435 = tpu.memref_slice %arg9[%dma_start3A_433, %dma_start3A_434] : memref<2x96xi32, #tpu.memory_space<vmem>> -> memref<1x96xi32, #tpu.memory_space<vmem>>
      %dma_start3A_436 = tpu.memref_squeeze %dma_start3A_435 : memref<1x96xi32, #tpu.memory_space<vmem>> -> memref<96xi32, #tpu.memory_space<vmem>>
      %dma_start3A_437 = arith.constant 0 : i32
      %dma_start3A_438 = arith.constant 0 : i32
      %dma_start3A_439 = tpu.memref_slice %arg15[%dma_start3A_437, %dma_start3A_438] : memref<10016x128xf32, #tpu.memory_space<vmem_shared>> -> memref<10016x128xf32, #tpu.memory_space<vmem_shared>>
      tpu.enqueue_indirect_dma source(%arg12 : memref<96x128xf32, #tpu.memory_space<vmem>>) target(%dma_start3A_439 : memref<10016x128xf32, #tpu.memory_space<vmem_shared>>) offsets(%dma_start3A_436 : memref<96xi32, #tpu.memory_space<vmem>>) semaphore(%arg25 : memref<!tpu.dma_semaphore, #tpu.memory_space<semaphore_mem>>) {add = true}
      %dma_wait3A_440 = arith.constant 1 : i32
      %dma_wait3A_441 = arith.constant 0 : i32
      %dma_wait3A_442 = tpu.memref_slice %arg6[%dma_wait3A_440, %dma_wait3A_441] : memref<2x96xi32, #tpu.memory_space<vmem>> -> memref<1x96xi32, #tpu.memory_space<vmem>>
      %dma_wait3A_443 = tpu.memref_squeeze %dma_wait3A_442 : memref<1x96xi32, #tpu.memory_space<vmem>> -> memref<96xi32, #tpu.memory_space<vmem>>
      %dma_wait3A_444 = arith.constant 0 : i32
      %dma_wait3A_445 = arith.constant 0 : i32
      %dma_wait3A_446 = tpu.memref_slice %arg15[%dma_wait3A_444, %dma_wait3A_445] : memref<10016x128xf32, #tpu.memory_space<vmem_shared>> -> memref<10016x128xf32, #tpu.memory_space<vmem_shared>>
      tpu.wait_indirect_dma semaphore(%arg27 : memref<!tpu.dma_semaphore, #tpu.memory_space<semaphore_mem>>) src(%arg14 : memref<96x128xf32, #tpu.memory_space<vmem>>) dst(%dma_wait3A_446 : memref<10016x128xf32, #tpu.memory_space<vmem_shared>>)
      %dma_wait3A_447 = arith.constant 0 : i32
      %dma_wait3A_448 = arith.constant 0 : i32
      %dma_wait3A_449 = arith.constant 0 : i32
      %dma_wait3A_450 = tpu.memref_slice %arg3[%add3A, %dma_wait3A_447, %dma_wait3A_448, %dma_wait3A_449] : memref<32x108x2x96xi32, #tpu.memory_space<hbm>> -> memref<1x1x2x96xi32, #tpu.memory_space<hbm>>
      %dma_wait3A_451 = tpu.memref_squeeze %dma_wait3A_450 : memref<1x1x2x96xi32, #tpu.memory_space<hbm>> -> memref<2x96xi32, #tpu.memory_space<hbm>>
      %dma_wait3A_452 = arith.constant 0 : i32
      %dma_wait3A_453 = arith.constant 0 : i32
      %dma_wait3A_454 = tpu.memref_slice %arg3[%add3A, %dma_wait3A_447, %dma_wait3A_452, %dma_wait3A_453] : memref<32x108x2x96xi32, #tpu.memory_space<hbm>> -> memref<1x1x2x96xi32, #tpu.memory_space<hbm>>
      %dma_wait3A_455 = tpu.memref_squeeze %dma_wait3A_454 : memref<1x1x2x96xi32, #tpu.memory_space<hbm>> -> memref<2x96xi32, #tpu.memory_space<hbm>>
      tpu.wait_dma2 semaphore(%arg21 : memref<!tpu.dma_semaphore, #tpu.memory_space<semaphore_mem>>) src(%dma_wait3A_455 : memref<2x96xi32, #tpu.memory_space<hbm>>) dst(%arg11 : memref<2x96xi32, #tpu.memory_space<vmem>>)
      %dma_start3A_456 = arith.constant 0 : i32
      %dma_start3A_457 = arith.constant 0 : i32
      %dma_start3A_458 = tpu.memref_slice %arg11[%dma_start3A_456, %dma_start3A_457] : memref<2x96xi32, #tpu.memory_space<vmem>> -> memref<1x96xi32, #tpu.memory_space<vmem>>
      %dma_start3A_459 = tpu.memref_squeeze %dma_start3A_458 : memref<1x96xi32, #tpu.memory_space<vmem>> -> memref<96xi32, #tpu.memory_space<vmem>>
      %dma_start3A_460 = arith.constant 0 : i32
      %dma_start3A_461 = arith.constant 0 : i32
      %dma_start3A_462 = tpu.memref_slice %arg2[%dma_start3A_460, %dma_start3A_461] : memref<10000x128xf32, #tpu.memory_space<hbm>> -> memref<10000x128xf32, #tpu.memory_space<hbm>>
      tpu.enqueue_indirect_dma source(%dma_start3A_462 : memref<10000x128xf32, #tpu.memory_space<hbm>>) target(%arg14 : memref<96x128xf32, #tpu.memory_space<vmem>>) offsets(%dma_start3A_459 : memref<96xi32, #tpu.memory_space<vmem>>) semaphore(%arg24 : memref<!tpu.dma_semaphore, #tpu.memory_space<semaphore_mem>>)
      %add3A_463 = arith.constant 5 : i32
      %add3A_464 = arith.addi %add3A_425, %add3A_463 : i32
      %dma_start3A_465 = arith.constant 0 : i32
      %dma_start3A_466 = arith.constant 0 : i32
      %dma_start3A_467 = tpu.memref_slice %arg3[%add3A, %add3A_464, %dma_start3A_465, %dma_start3A_466] : memref<32x108x2x96xi32, #tpu.memory_space<hbm>> -> memref<1x1x2x96xi32, #tpu.memory_space<hbm>>
      %dma_start3A_468 = tpu.memref_squeeze %dma_start3A_467 : memref<1x1x2x96xi32, #tpu.memory_space<hbm>> -> memref<2x96xi32, #tpu.memory_space<hbm>>
      %dma_start3A_469 = arith.constant 0 : i32
      %dma_start3A_470 = arith.constant 0 : i32
      %dma_start3A_471 = tpu.memref_slice %arg3[%add3A, %add3A_464, %dma_start3A_469, %dma_start3A_470] : memref<32x108x2x96xi32, #tpu.memory_space<hbm>> -> memref<1x1x2x96xi32, #tpu.memory_space<hbm>>
      %dma_start3A_472 = tpu.memref_squeeze %dma_start3A_471 : memref<1x1x2x96xi32, #tpu.memory_space<hbm>> -> memref<2x96xi32, #tpu.memory_space<hbm>>
      tpu.enqueue_dma source(%dma_start3A_472 : memref<2x96xi32, #tpu.memory_space<hbm>>) target(%arg8 : memref<2x96xi32, #tpu.memory_space<vmem>>) target_semaphore(%arg18 : memref<!tpu.dma_semaphore, #tpu.memory_space<semaphore_mem>>)
      %mul3A_473 = arith.constant 6 : i32
      %mul3A_474 = arith.muli %scan3A_313, %mul3A_473 : i32
      %add3A_475 = arith.constant 3 : i32
      %add3A_476 = arith.addi %mul3A_474, %add3A_475 : i32
      %add3A_477 = arith.constant 1 : i32
      %add3A_478 = arith.addi %add3A_476, %add3A_477 : i32
      %dma_wait3A_479 = arith.constant 0 : i32
      %dma_wait3A_480 = arith.constant 0 : i32
      %dma_wait3A_481 = tpu.memref_slice %arg6[%dma_wait3A_479, %dma_wait3A_480] : memref<2x96xi32, #tpu.memory_space<vmem>> -> memref<1x96xi32, #tpu.memory_space<vmem>>
      %dma_wait3A_482 = tpu.memref_squeeze %dma_wait3A_481 : memref<1x96xi32, #tpu.memory_space<vmem>> -> memref<96xi32, #tpu.memory_space<vmem>>
      %dma_wait3A_483 = arith.constant 0 : i32
      %dma_wait3A_484 = arith.constant 0 : i32
      %dma_wait3A_485 = tpu.memref_slice %arg2[%dma_wait3A_483, %dma_wait3A_484] : memref<10000x128xf32, #tpu.memory_space<hbm>> -> memref<10000x128xf32, #tpu.memory_space<hbm>>
      tpu.wait_indirect_dma semaphore(%arg23 : memref<!tpu.dma_semaphore, #tpu.memory_space<semaphore_mem>>) src(%dma_wait3A_485 : memref<10000x128xf32, #tpu.memory_space<hbm>>) dst(%arg13 : memref<96x128xf32, #tpu.memory_space<vmem>>)
      %dma_start3A_486 = arith.constant 1 : i32
      %dma_start3A_487 = arith.constant 0 : i32
      %dma_start3A_488 = tpu.memref_slice %arg10[%dma_start3A_486, %dma_start3A_487] : memref<2x96xi32, #tpu.memory_space<vmem>> -> memref<1x96xi32, #tpu.memory_space<vmem>>
      %dma_start3A_489 = tpu.memref_squeeze %dma_start3A_488 : memref<1x96xi32, #tpu.memory_space<vmem>> -> memref<96xi32, #tpu.memory_space<vmem>>
      %dma_start3A_490 = arith.constant 0 : i32
      %dma_start3A_491 = arith.constant 0 : i32
      %dma_start3A_492 = tpu.memref_slice %arg15[%dma_start3A_490, %dma_start3A_491] : memref<10016x128xf32, #tpu.memory_space<vmem_shared>> -> memref<10016x128xf32, #tpu.memory_space<vmem_shared>>
      tpu.enqueue_indirect_dma source(%arg13 : memref<96x128xf32, #tpu.memory_space<vmem>>) target(%dma_start3A_492 : memref<10016x128xf32, #tpu.memory_space<vmem_shared>>) offsets(%dma_start3A_489 : memref<96xi32, #tpu.memory_space<vmem>>) semaphore(%arg26 : memref<!tpu.dma_semaphore, #tpu.memory_space<semaphore_mem>>) {add = true}
      %dma_wait3A_493 = arith.constant 1 : i32
      %dma_wait3A_494 = arith.constant 0 : i32
      %dma_wait3A_495 = tpu.memref_slice %arg6[%dma_wait3A_493, %dma_wait3A_494] : memref<2x96xi32, #tpu.memory_space<vmem>> -> memref<1x96xi32, #tpu.memory_space<vmem>>
      %dma_wait3A_496 = tpu.memref_squeeze %dma_wait3A_495 : memref<1x96xi32, #tpu.memory_space<vmem>> -> memref<96xi32, #tpu.memory_space<vmem>>
      %dma_wait3A_497 = arith.constant 0 : i32
      %dma_wait3A_498 = arith.constant 0 : i32
      %dma_wait3A_499 = tpu.memref_slice %arg15[%dma_wait3A_497, %dma_wait3A_498] : memref<10016x128xf32, #tpu.memory_space<vmem_shared>> -> memref<10016x128xf32, #tpu.memory_space<vmem_shared>>
      tpu.wait_indirect_dma semaphore(%arg25 : memref<!tpu.dma_semaphore, #tpu.memory_space<semaphore_mem>>) src(%arg12 : memref<96x128xf32, #tpu.memory_space<vmem>>) dst(%dma_wait3A_499 : memref<10016x128xf32, #tpu.memory_space<vmem_shared>>)
      %dma_wait3A_500 = arith.constant 0 : i32
      %dma_wait3A_501 = arith.constant 0 : i32
      %dma_wait3A_502 = arith.constant 0 : i32
      %dma_wait3A_503 = tpu.memref_slice %arg3[%add3A, %dma_wait3A_500, %dma_wait3A_501, %dma_wait3A_502] : memref<32x108x2x96xi32, #tpu.memory_space<hbm>> -> memref<1x1x2x96xi32, #tpu.memory_space<hbm>>
      %dma_wait3A_504 = tpu.memref_squeeze %dma_wait3A_503 : memref<1x1x2x96xi32, #tpu.memory_space<hbm>> -> memref<2x96xi32, #tpu.memory_space<hbm>>
      %dma_wait3A_505 = arith.constant 0 : i32
      %dma_wait3A_506 = arith.constant 0 : i32
      %dma_wait3A_507 = tpu.memref_slice %arg3[%add3A, %dma_wait3A_500, %dma_wait3A_505, %dma_wait3A_506] : memref<32x108x2x96xi32, #tpu.memory_space<hbm>> -> memref<1x1x2x96xi32, #tpu.memory_space<hbm>>
      %dma_wait3A_508 = tpu.memref_squeeze %dma_wait3A_507 : memref<1x1x2x96xi32, #tpu.memory_space<hbm>> -> memref<2x96xi32, #tpu.memory_space<hbm>>
      tpu.wait_dma2 semaphore(%arg16 : memref<!tpu.dma_semaphore, #tpu.memory_space<semaphore_mem>>) src(%dma_wait3A_508 : memref<2x96xi32, #tpu.memory_space<hbm>>) dst(%arg6 : memref<2x96xi32, #tpu.memory_space<vmem>>)
      %dma_start3A_509 = arith.constant 0 : i32
      %dma_start3A_510 = arith.constant 0 : i32
      %dma_start3A_511 = tpu.memref_slice %arg6[%dma_start3A_509, %dma_start3A_510] : memref<2x96xi32, #tpu.memory_space<vmem>> -> memref<1x96xi32, #tpu.memory_space<vmem>>
      %dma_start3A_512 = tpu.memref_squeeze %dma_start3A_511 : memref<1x96xi32, #tpu.memory_space<vmem>> -> memref<96xi32, #tpu.memory_space<vmem>>
      %dma_start3A_513 = arith.constant 0 : i32
      %dma_start3A_514 = arith.constant 0 : i32
      %dma_start3A_515 = tpu.memref_slice %arg2[%dma_start3A_513, %dma_start3A_514] : memref<10000x128xf32, #tpu.memory_space<hbm>> -> memref<10000x128xf32, #tpu.memory_space<hbm>>
      tpu.enqueue_indirect_dma source(%dma_start3A_515 : memref<10000x128xf32, #tpu.memory_space<hbm>>) target(%arg12 : memref<96x128xf32, #tpu.memory_space<vmem>>) offsets(%dma_start3A_512 : memref<96xi32, #tpu.memory_space<vmem>>) semaphore(%arg22 : memref<!tpu.dma_semaphore, #tpu.memory_space<semaphore_mem>>)
      %add3A_516 = arith.constant 5 : i32
      %add3A_517 = arith.addi %add3A_478, %add3A_516 : i32
      %dma_start3A_518 = arith.constant 0 : i32
      %dma_start3A_519 = arith.constant 0 : i32
      %dma_start3A_520 = tpu.memref_slice %arg3[%add3A, %add3A_517, %dma_start3A_518, %dma_start3A_519] : memref<32x108x2x96xi32, #tpu.memory_space<hbm>> -> memref<1x1x2x96xi32, #tpu.memory_space<hbm>>
      %dma_start3A_521 = tpu.memref_squeeze %dma_start3A_520 : memref<1x1x2x96xi32, #tpu.memory_space<hbm>> -> memref<2x96xi32, #tpu.memory_space<hbm>>
      %dma_start3A_522 = arith.constant 0 : i32
      %dma_start3A_523 = arith.constant 0 : i32
      %dma_start3A_524 = tpu.memref_slice %arg3[%add3A, %add3A_517, %dma_start3A_522, %dma_start3A_523] : memref<32x108x2x96xi32, #tpu.memory_space<hbm>> -> memref<1x1x2x96xi32, #tpu.memory_space<hbm>>
      %dma_start3A_525 = tpu.memref_squeeze %dma_start3A_524 : memref<1x1x2x96xi32, #tpu.memory_space<hbm>> -> memref<2x96xi32, #tpu.memory_space<hbm>>
      tpu.enqueue_dma source(%dma_start3A_525 : memref<2x96xi32, #tpu.memory_space<hbm>>) target(%arg9 : memref<2x96xi32, #tpu.memory_space<vmem>>) target_semaphore(%arg19 : memref<!tpu.dma_semaphore, #tpu.memory_space<semaphore_mem>>)
      %mul3A_526 = arith.constant 6 : i32
      %mul3A_527 = arith.muli %scan3A_313, %mul3A_526 : i32
      %add3A_528 = arith.constant 4 : i32
      %add3A_529 = arith.addi %mul3A_527, %add3A_528 : i32
      %add3A_530 = arith.constant 1 : i32
      %add3A_531 = arith.addi %add3A_529, %add3A_530 : i32
      %dma_wait3A_532 = arith.constant 0 : i32
      %dma_wait3A_533 = arith.constant 0 : i32
      %dma_wait3A_534 = tpu.memref_slice %arg6[%dma_wait3A_532, %dma_wait3A_533] : memref<2x96xi32, #tpu.memory_space<vmem>> -> memref<1x96xi32, #tpu.memory_space<vmem>>
      %dma_wait3A_535 = tpu.memref_squeeze %dma_wait3A_534 : memref<1x96xi32, #tpu.memory_space<vmem>> -> memref<96xi32, #tpu.memory_space<vmem>>
      %dma_wait3A_536 = arith.constant 0 : i32
      %dma_wait3A_537 = arith.constant 0 : i32
      %dma_wait3A_538 = tpu.memref_slice %arg2[%dma_wait3A_536, %dma_wait3A_537] : memref<10000x128xf32, #tpu.memory_space<hbm>> -> memref<10000x128xf32, #tpu.memory_space<hbm>>
      tpu.wait_indirect_dma semaphore(%arg24 : memref<!tpu.dma_semaphore, #tpu.memory_space<semaphore_mem>>) src(%dma_wait3A_538 : memref<10000x128xf32, #tpu.memory_space<hbm>>) dst(%arg14 : memref<96x128xf32, #tpu.memory_space<vmem>>)
      %dma_start3A_539 = arith.constant 1 : i32
      %dma_start3A_540 = arith.constant 0 : i32
      %dma_start3A_541 = tpu.memref_slice %arg11[%dma_start3A_539, %dma_start3A_540] : memref<2x96xi32, #tpu.memory_space<vmem>> -> memref<1x96xi32, #tpu.memory_space<vmem>>
      %dma_start3A_542 = tpu.memref_squeeze %dma_start3A_541 : memref<1x96xi32, #tpu.memory_space<vmem>> -> memref<96xi32, #tpu.memory_space<vmem>>
      %dma_start3A_543 = arith.constant 0 : i32
      %dma_start3A_544 = arith.constant 0 : i32
      %dma_start3A_545 = tpu.memref_slice %arg15[%dma_start3A_543, %dma_start3A_544] : memref<10016x128xf32, #tpu.memory_space<vmem_shared>> -> memref<10016x128xf32, #tpu.memory_space<vmem_shared>>
      tpu.enqueue_indirect_dma source(%arg14 : memref<96x128xf32, #tpu.memory_space<vmem>>) target(%dma_start3A_545 : memref<10016x128xf32, #tpu.memory_space<vmem_shared>>) offsets(%dma_start3A_542 : memref<96xi32, #tpu.memory_space<vmem>>) semaphore(%arg27 : memref<!tpu.dma_semaphore, #tpu.memory_space<semaphore_mem>>) {add = true}
      %dma_wait3A_546 = arith.constant 1 : i32
      %dma_wait3A_547 = arith.constant 0 : i32
      %dma_wait3A_548 = tpu.memref_slice %arg6[%dma_wait3A_546, %dma_wait3A_547] : memref<2x96xi32, #tpu.memory_space<vmem>> -> memref<1x96xi32, #tpu.memory_space<vmem>>
      %dma_wait3A_549 = tpu.memref_squeeze %dma_wait3A_548 : memref<1x96xi32, #tpu.memory_space<vmem>> -> memref<96xi32, #tpu.memory_space<vmem>>
      %dma_wait3A_550 = arith.constant 0 : i32
      %dma_wait3A_551 = arith.constant 0 : i32
      %dma_wait3A_552 = tpu.memref_slice %arg15[%dma_wait3A_550, %dma_wait3A_551] : memref<10016x128xf32, #tpu.memory_space<vmem_shared>> -> memref<10016x128xf32, #tpu.memory_space<vmem_shared>>
      tpu.wait_indirect_dma semaphore(%arg26 : memref<!tpu.dma_semaphore, #tpu.memory_space<semaphore_mem>>) src(%arg13 : memref<96x128xf32, #tpu.memory_space<vmem>>) dst(%dma_wait3A_552 : memref<10016x128xf32, #tpu.memory_space<vmem_shared>>)
      %dma_wait3A_553 = arith.constant 0 : i32
      %dma_wait3A_554 = arith.constant 0 : i32
      %dma_wait3A_555 = arith.constant 0 : i32
      %dma_wait3A_556 = tpu.memref_slice %arg3[%add3A, %dma_wait3A_553, %dma_wait3A_554, %dma_wait3A_555] : memref<32x108x2x96xi32, #tpu.memory_space<hbm>> -> memref<1x1x2x96xi32, #tpu.memory_space<hbm>>
      %dma_wait3A_557 = tpu.memref_squeeze %dma_wait3A_556 : memref<1x1x2x96xi32, #tpu.memory_space<hbm>> -> memref<2x96xi32, #tpu.memory_space<hbm>>
      %dma_wait3A_558 = arith.constant 0 : i32
      %dma_wait3A_559 = arith.constant 0 : i32
      %dma_wait3A_560 = tpu.memref_slice %arg3[%add3A, %dma_wait3A_553, %dma_wait3A_558, %dma_wait3A_559] : memref<32x108x2x96xi32, #tpu.memory_space<hbm>> -> memref<1x1x2x96xi32, #tpu.memory_space<hbm>>
      %dma_wait3A_561 = tpu.memref_squeeze %dma_wait3A_560 : memref<1x1x2x96xi32, #tpu.memory_space<hbm>> -> memref<2x96xi32, #tpu.memory_space<hbm>>
      tpu.wait_dma2 semaphore(%arg17 : memref<!tpu.dma_semaphore, #tpu.memory_space<semaphore_mem>>) src(%dma_wait3A_561 : memref<2x96xi32, #tpu.memory_space<hbm>>) dst(%arg7 : memref<2x96xi32, #tpu.memory_space<vmem>>)
      %dma_start3A_562 = arith.constant 0 : i32
      %dma_start3A_563 = arith.constant 0 : i32
      %dma_start3A_564 = tpu.memref_slice %arg7[%dma_start3A_562, %dma_start3A_563] : memref<2x96xi32, #tpu.memory_space<vmem>> -> memref<1x96xi32, #tpu.memory_space<vmem>>
      %dma_start3A_565 = tpu.memref_squeeze %dma_start3A_564 : memref<1x96xi32, #tpu.memory_space<vmem>> -> memref<96xi32, #tpu.memory_space<vmem>>
      %dma_start3A_566 = arith.constant 0 : i32
      %dma_start3A_567 = arith.constant 0 : i32
      %dma_start3A_568 = tpu.memref_slice %arg2[%dma_start3A_566, %dma_start3A_567] : memref<10000x128xf32, #tpu.memory_space<hbm>> -> memref<10000x128xf32, #tpu.memory_space<hbm>>
      tpu.enqueue_indirect_dma source(%dma_start3A_568 : memref<10000x128xf32, #tpu.memory_space<hbm>>) target(%arg13 : memref<96x128xf32, #tpu.memory_space<vmem>>) offsets(%dma_start3A_565 : memref<96xi32, #tpu.memory_space<vmem>>) semaphore(%arg23 : memref<!tpu.dma_semaphore, #tpu.memory_space<semaphore_mem>>)
      %add3A_569 = arith.constant 5 : i32
      %add3A_570 = arith.addi %add3A_531, %add3A_569 : i32
      %dma_start3A_571 = arith.constant 0 : i32
      %dma_start3A_572 = arith.constant 0 : i32
      %dma_start3A_573 = tpu.memref_slice %arg3[%add3A, %add3A_570, %dma_start3A_571, %dma_start3A_572] : memref<32x108x2x96xi32, #tpu.memory_space<hbm>> -> memref<1x1x2x96xi32, #tpu.memory_space<hbm>>
      %dma_start3A_574 = tpu.memref_squeeze %dma_start3A_573 : memref<1x1x2x96xi32, #tpu.memory_space<hbm>> -> memref<2x96xi32, #tpu.memory_space<hbm>>
      %dma_start3A_575 = arith.constant 0 : i32
      %dma_start3A_576 = arith.constant 0 : i32
      %dma_start3A_577 = tpu.memref_slice %arg3[%add3A, %add3A_570, %dma_start3A_575, %dma_start3A_576] : memref<32x108x2x96xi32, #tpu.memory_space<hbm>> -> memref<1x1x2x96xi32, #tpu.memory_space<hbm>>
      %dma_start3A_578 = tpu.memref_squeeze %dma_start3A_577 : memref<1x1x2x96xi32, #tpu.memory_space<hbm>> -> memref<2x96xi32, #tpu.memory_space<hbm>>
      tpu.enqueue_dma source(%dma_start3A_578 : memref<2x96xi32, #tpu.memory_space<hbm>>) target(%arg10 : memref<2x96xi32, #tpu.memory_space<vmem>>) target_semaphore(%arg20 : memref<!tpu.dma_semaphore, #tpu.memory_space<semaphore_mem>>)
      %mul3A_579 = arith.constant 6 : i32
      %mul3A_580 = arith.muli %scan3A_313, %mul3A_579 : i32
      %add3A_581 = arith.constant 5 : i32
      %add3A_582 = arith.addi %mul3A_580, %add3A_581 : i32
      %add3A_583 = arith.constant 1 : i32
      %add3A_584 = arith.addi %add3A_582, %add3A_583 : i32
      %dma_wait3A_585 = arith.constant 0 : i32
      %dma_wait3A_586 = arith.constant 0 : i32
      %dma_wait3A_587 = tpu.memref_slice %arg6[%dma_wait3A_585, %dma_wait3A_586] : memref<2x96xi32, #tpu.memory_space<vmem>> -> memref<1x96xi32, #tpu.memory_space<vmem>>
      %dma_wait3A_588 = tpu.memref_squeeze %dma_wait3A_587 : memref<1x96xi32, #tpu.memory_space<vmem>> -> memref<96xi32, #tpu.memory_space<vmem>>
      %dma_wait3A_589 = arith.constant 0 : i32
      %dma_wait3A_590 = arith.constant 0 : i32
      %dma_wait3A_591 = tpu.memref_slice %arg2[%dma_wait3A_589, %dma_wait3A_590] : memref<10000x128xf32, #tpu.memory_space<hbm>> -> memref<10000x128xf32, #tpu.memory_space<hbm>>
      tpu.wait_indirect_dma semaphore(%arg22 : memref<!tpu.dma_semaphore, #tpu.memory_space<semaphore_mem>>) src(%dma_wait3A_591 : memref<10000x128xf32, #tpu.memory_space<hbm>>) dst(%arg12 : memref<96x128xf32, #tpu.memory_space<vmem>>)
      %dma_start3A_592 = arith.constant 1 : i32
      %dma_start3A_593 = arith.constant 0 : i32
      %dma_start3A_594 = tpu.memref_slice %arg6[%dma_start3A_592, %dma_start3A_593] : memref<2x96xi32, #tpu.memory_space<vmem>> -> memref<1x96xi32, #tpu.memory_space<vmem>>
      %dma_start3A_595 = tpu.memref_squeeze %dma_start3A_594 : memref<1x96xi32, #tpu.memory_space<vmem>> -> memref<96xi32, #tpu.memory_space<vmem>>
      %dma_start3A_596 = arith.constant 0 : i32
      %dma_start3A_597 = arith.constant 0 : i32
      %dma_start3A_598 = tpu.memref_slice %arg15[%dma_start3A_596, %dma_start3A_597] : memref<10016x128xf32, #tpu.memory_space<vmem_shared>> -> memref<10016x128xf32, #tpu.memory_space<vmem_shared>>
      tpu.enqueue_indirect_dma source(%arg12 : memref<96x128xf32, #tpu.memory_space<vmem>>) target(%dma_start3A_598 : memref<10016x128xf32, #tpu.memory_space<vmem_shared>>) offsets(%dma_start3A_595 : memref<96xi32, #tpu.memory_space<vmem>>) semaphore(%arg25 : memref<!tpu.dma_semaphore, #tpu.memory_space<semaphore_mem>>) {add = true}
      %dma_wait3A_599 = arith.constant 1 : i32
      %dma_wait3A_600 = arith.constant 0 : i32
      %dma_wait3A_601 = tpu.memref_slice %arg6[%dma_wait3A_599, %dma_wait3A_600] : memref<2x96xi32, #tpu.memory_space<vmem>> -> memref<1x96xi32, #tpu.memory_space<vmem>>
      %dma_wait3A_602 = tpu.memref_squeeze %dma_wait3A_601 : memref<1x96xi32, #tpu.memory_space<vmem>> -> memref<96xi32, #tpu.memory_space<vmem>>
      %dma_wait3A_603 = arith.constant 0 : i32
      %dma_wait3A_604 = arith.constant 0 : i32
      %dma_wait3A_605 = tpu.memref_slice %arg15[%dma_wait3A_603, %dma_wait3A_604] : memref<10016x128xf32, #tpu.memory_space<vmem_shared>> -> memref<10016x128xf32, #tpu.memory_space<vmem_shared>>
      tpu.wait_indirect_dma semaphore(%arg27 : memref<!tpu.dma_semaphore, #tpu.memory_space<semaphore_mem>>) src(%arg14 : memref<96x128xf32, #tpu.memory_space<vmem>>) dst(%dma_wait3A_605 : memref<10016x128xf32, #tpu.memory_space<vmem_shared>>)
      %dma_wait3A_606 = arith.constant 0 : i32
      %dma_wait3A_607 = arith.constant 0 : i32
      %dma_wait3A_608 = arith.constant 0 : i32
      %dma_wait3A_609 = tpu.memref_slice %arg3[%add3A, %dma_wait3A_606, %dma_wait3A_607, %dma_wait3A_608] : memref<32x108x2x96xi32, #tpu.memory_space<hbm>> -> memref<1x1x2x96xi32, #tpu.memory_space<hbm>>
      %dma_wait3A_610 = tpu.memref_squeeze %dma_wait3A_609 : memref<1x1x2x96xi32, #tpu.memory_space<hbm>> -> memref<2x96xi32, #tpu.memory_space<hbm>>
      %dma_wait3A_611 = arith.constant 0 : i32
      %dma_wait3A_612 = arith.constant 0 : i32
      %dma_wait3A_613 = tpu.memref_slice %arg3[%add3A, %dma_wait3A_606, %dma_wait3A_611, %dma_wait3A_612] : memref<32x108x2x96xi32, #tpu.memory_space<hbm>> -> memref<1x1x2x96xi32, #tpu.memory_space<hbm>>
      %dma_wait3A_614 = tpu.memref_squeeze %dma_wait3A_613 : memref<1x1x2x96xi32, #tpu.memory_space<hbm>> -> memref<2x96xi32, #tpu.memory_space<hbm>>
      tpu.wait_dma2 semaphore(%arg18 : memref<!tpu.dma_semaphore, #tpu.memory_space<semaphore_mem>>) src(%dma_wait3A_614 : memref<2x96xi32, #tpu.memory_space<hbm>>) dst(%arg8 : memref<2x96xi32, #tpu.memory_space<vmem>>)
      %dma_start3A_615 = arith.constant 0 : i32
      %dma_start3A_616 = arith.constant 0 : i32
      %dma_start3A_617 = tpu.memref_slice %arg8[%dma_start3A_615, %dma_start3A_616] : memref<2x96xi32, #tpu.memory_space<vmem>> -> memref<1x96xi32, #tpu.memory_space<vmem>>
      %dma_start3A_618 = tpu.memref_squeeze %dma_start3A_617 : memref<1x96xi32, #tpu.memory_space<vmem>> -> memref<96xi32, #tpu.memory_space<vmem>>
      %dma_start3A_619 = arith.constant 0 : i32
      %dma_start3A_620 = arith.constant 0 : i32
      %dma_start3A_621 = tpu.memref_slice %arg2[%dma_start3A_619, %dma_start3A_620] : memref<10000x128xf32, #tpu.memory_space<hbm>> -> memref<10000x128xf32, #tpu.memory_space<hbm>>
      tpu.enqueue_indirect_dma source(%dma_start3A_621 : memref<10000x128xf32, #tpu.memory_space<hbm>>) target(%arg14 : memref<96x128xf32, #tpu.memory_space<vmem>>) offsets(%dma_start3A_618 : memref<96xi32, #tpu.memory_space<vmem>>) semaphore(%arg24 : memref<!tpu.dma_semaphore, #tpu.memory_space<semaphore_mem>>)
      %add3A_622 = arith.constant 5 : i32
      %add3A_623 = arith.addi %add3A_584, %add3A_622 : i32
      %dma_start3A_624 = arith.constant 0 : i32
      %dma_start3A_625 = arith.constant 0 : i32
      %dma_start3A_626 = tpu.memref_slice %arg3[%add3A, %add3A_623, %dma_start3A_624, %dma_start3A_625] : memref<32x108x2x96xi32, #tpu.memory_space<hbm>> -> memref<1x1x2x96xi32, #tpu.memory_space<hbm>>
      %dma_start3A_627 = tpu.memref_squeeze %dma_start3A_626 : memref<1x1x2x96xi32, #tpu.memory_space<hbm>> -> memref<2x96xi32, #tpu.memory_space<hbm>>
      %dma_start3A_628 = arith.constant 0 : i32
      %dma_start3A_629 = arith.constant 0 : i32
      %dma_start3A_630 = tpu.memref_slice %arg3[%add3A, %add3A_623, %dma_start3A_628, %dma_start3A_629] : memref<32x108x2x96xi32, #tpu.memory_space<hbm>> -> memref<1x1x2x96xi32, #tpu.memory_space<hbm>>
      %dma_start3A_631 = tpu.memref_squeeze %dma_start3A_630 : memref<1x1x2x96xi32, #tpu.memory_space<hbm>> -> memref<2x96xi32, #tpu.memory_space<hbm>>
      tpu.enqueue_dma source(%dma_start3A_631 : memref<2x96xi32, #tpu.memory_space<hbm>>) target(%arg11 : memref<2x96xi32, #tpu.memory_space<vmem>>) target_semaphore(%arg21 : memref<!tpu.dma_semaphore, #tpu.memory_space<semaphore_mem>>)
    }
    %scan3A_121 = arith.constant 17 : i32
    %dma_wait3A_122 = arith.constant 0 : i32
    %dma_wait3A_123 = arith.constant 0 : i32
    %dma_wait3A_124 = tpu.memref_slice %arg6[%dma_wait3A_122, %dma_wait3A_123] : memref<2x96xi32, #tpu.memory_space<vmem>> -> memref<1x96xi32, #tpu.memory_space<vmem>>
    %dma_wait3A_125 = tpu.memref_squeeze %dma_wait3A_124 : memref<1x96xi32, #tpu.memory_space<vmem>> -> memref<96xi32, #tpu.memory_space<vmem>>
    %dma_wait3A_126 = arith.constant 0 : i32
    %dma_wait3A_127 = arith.constant 0 : i32
    %dma_wait3A_128 = tpu.memref_slice %arg2[%dma_wait3A_126, %dma_wait3A_127] : memref<10000x128xf32, #tpu.memory_space<hbm>> -> memref<10000x128xf32, #tpu.memory_space<hbm>>
    tpu.wait_indirect_dma semaphore(%arg23 : memref<!tpu.dma_semaphore, #tpu.memory_space<semaphore_mem>>) src(%dma_wait3A_128 : memref<10000x128xf32, #tpu.memory_space<hbm>>) dst(%arg13 : memref<96x128xf32, #tpu.memory_space<vmem>>)
    %dma_start3A_129 = arith.constant 1 : i32
    %dma_start3A_130 = arith.constant 0 : i32
    %dma_start3A_131 = tpu.memref_slice %arg7[%dma_start3A_129, %dma_start3A_130] : memref<2x96xi32, #tpu.memory_space<vmem>> -> memref<1x96xi32, #tpu.memory_space<vmem>>
    %dma_start3A_132 = tpu.memref_squeeze %dma_start3A_131 : memref<1x96xi32, #tpu.memory_space<vmem>> -> memref<96xi32, #tpu.memory_space<vmem>>
    %dma_start3A_133 = arith.constant 0 : i32
    %dma_start3A_134 = arith.constant 0 : i32
    %dma_start3A_135 = tpu.memref_slice %arg15[%dma_start3A_133, %dma_start3A_134] : memref<10016x128xf32, #tpu.memory_space<vmem_shared>> -> memref<10016x128xf32, #tpu.memory_space<vmem_shared>>
    tpu.enqueue_indirect_dma source(%arg13 : memref<96x128xf32, #tpu.memory_space<vmem>>) target(%dma_start3A_135 : memref<10016x128xf32, #tpu.memory_space<vmem_shared>>) offsets(%dma_start3A_132 : memref<96xi32, #tpu.memory_space<vmem>>) semaphore(%arg26 : memref<!tpu.dma_semaphore, #tpu.memory_space<semaphore_mem>>) {add = true}
    %dma_wait3A_136 = arith.constant 1 : i32
    %dma_wait3A_137 = arith.constant 0 : i32
    %dma_wait3A_138 = tpu.memref_slice %arg6[%dma_wait3A_136, %dma_wait3A_137] : memref<2x96xi32, #tpu.memory_space<vmem>> -> memref<1x96xi32, #tpu.memory_space<vmem>>
    %dma_wait3A_139 = tpu.memref_squeeze %dma_wait3A_138 : memref<1x96xi32, #tpu.memory_space<vmem>> -> memref<96xi32, #tpu.memory_space<vmem>>
    %dma_wait3A_140 = arith.constant 0 : i32
    %dma_wait3A_141 = arith.constant 0 : i32
    %dma_wait3A_142 = tpu.memref_slice %arg15[%dma_wait3A_140, %dma_wait3A_141] : memref<10016x128xf32, #tpu.memory_space<vmem_shared>> -> memref<10016x128xf32, #tpu.memory_space<vmem_shared>>
    tpu.wait_indirect_dma semaphore(%arg25 : memref<!tpu.dma_semaphore, #tpu.memory_space<semaphore_mem>>) src(%arg12 : memref<96x128xf32, #tpu.memory_space<vmem>>) dst(%dma_wait3A_142 : memref<10016x128xf32, #tpu.memory_space<vmem_shared>>)
    %dma_wait3A_143 = arith.constant 0 : i32
    %dma_wait3A_144 = arith.constant 0 : i32
    %dma_wait3A_145 = arith.constant 0 : i32
    %dma_wait3A_146 = tpu.memref_slice %arg3[%add3A, %dma_wait3A_143, %dma_wait3A_144, %dma_wait3A_145] : memref<32x108x2x96xi32, #tpu.memory_space<hbm>> -> memref<1x1x2x96xi32, #tpu.memory_space<hbm>>
    %dma_wait3A_147 = tpu.memref_squeeze %dma_wait3A_146 : memref<1x1x2x96xi32, #tpu.memory_space<hbm>> -> memref<2x96xi32, #tpu.memory_space<hbm>>
    %dma_wait3A_148 = arith.constant 0 : i32
    %dma_wait3A_149 = arith.constant 0 : i32
    %dma_wait3A_150 = tpu.memref_slice %arg3[%add3A, %dma_wait3A_143, %dma_wait3A_148, %dma_wait3A_149] : memref<32x108x2x96xi32, #tpu.memory_space<hbm>> -> memref<1x1x2x96xi32, #tpu.memory_space<hbm>>
    %dma_wait3A_151 = tpu.memref_squeeze %dma_wait3A_150 : memref<1x1x2x96xi32, #tpu.memory_space<hbm>> -> memref<2x96xi32, #tpu.memory_space<hbm>>
    tpu.wait_dma2 semaphore(%arg19 : memref<!tpu.dma_semaphore, #tpu.memory_space<semaphore_mem>>) src(%dma_wait3A_151 : memref<2x96xi32, #tpu.memory_space<hbm>>) dst(%arg9 : memref<2x96xi32, #tpu.memory_space<vmem>>)
    %dma_start3A_152 = arith.constant 0 : i32
    %dma_start3A_153 = arith.constant 0 : i32
    %dma_start3A_154 = tpu.memref_slice %arg9[%dma_start3A_152, %dma_start3A_153] : memref<2x96xi32, #tpu.memory_space<vmem>> -> memref<1x96xi32, #tpu.memory_space<vmem>>
    %dma_start3A_155 = tpu.memref_squeeze %dma_start3A_154 : memref<1x96xi32, #tpu.memory_space<vmem>> -> memref<96xi32, #tpu.memory_space<vmem>>
    %dma_start3A_156 = arith.constant 0 : i32
    %dma_start3A_157 = arith.constant 0 : i32
    %dma_start3A_158 = tpu.memref_slice %arg2[%dma_start3A_156, %dma_start3A_157] : memref<10000x128xf32, #tpu.memory_space<hbm>> -> memref<10000x128xf32, #tpu.memory_space<hbm>>
    tpu.enqueue_indirect_dma source(%dma_start3A_158 : memref<10000x128xf32, #tpu.memory_space<hbm>>) target(%arg12 : memref<96x128xf32, #tpu.memory_space<vmem>>) offsets(%dma_start3A_155 : memref<96xi32, #tpu.memory_space<vmem>>) semaphore(%arg22 : memref<!tpu.dma_semaphore, #tpu.memory_space<semaphore_mem>>)
    %dma_wait3A_159 = arith.constant 0 : i32
    %dma_wait3A_160 = arith.constant 0 : i32
    %dma_wait3A_161 = tpu.memref_slice %arg6[%dma_wait3A_159, %dma_wait3A_160] : memref<2x96xi32, #tpu.memory_space<vmem>> -> memref<1x96xi32, #tpu.memory_space<vmem>>
    %dma_wait3A_162 = tpu.memref_squeeze %dma_wait3A_161 : memref<1x96xi32, #tpu.memory_space<vmem>> -> memref<96xi32, #tpu.memory_space<vmem>>
    %dma_wait3A_163 = arith.constant 0 : i32
    %dma_wait3A_164 = arith.constant 0 : i32
    %dma_wait3A_165 = tpu.memref_slice %arg2[%dma_wait3A_163, %dma_wait3A_164] : memref<10000x128xf32, #tpu.memory_space<hbm>> -> memref<10000x128xf32, #tpu.memory_space<hbm>>
    tpu.wait_indirect_dma semaphore(%arg24 : memref<!tpu.dma_semaphore, #tpu.memory_space<semaphore_mem>>) src(%dma_wait3A_165 : memref<10000x128xf32, #tpu.memory_space<hbm>>) dst(%arg14 : memref<96x128xf32, #tpu.memory_space<vmem>>)
    %dma_start3A_166 = arith.constant 1 : i32
    %dma_start3A_167 = arith.constant 0 : i32
    %dma_start3A_168 = tpu.memref_slice %arg8[%dma_start3A_166, %dma_start3A_167] : memref<2x96xi32, #tpu.memory_space<vmem>> -> memref<1x96xi32, #tpu.memory_space<vmem>>
    %dma_start3A_169 = tpu.memref_squeeze %dma_start3A_168 : memref<1x96xi32, #tpu.memory_space<vmem>> -> memref<96xi32, #tpu.memory_space<vmem>>
    %dma_start3A_170 = arith.constant 0 : i32
    %dma_start3A_171 = arith.constant 0 : i32
    %dma_start3A_172 = tpu.memref_slice %arg15[%dma_start3A_170, %dma_start3A_171] : memref<10016x128xf32, #tpu.memory_space<vmem_shared>> -> memref<10016x128xf32, #tpu.memory_space<vmem_shared>>
    tpu.enqueue_indirect_dma source(%arg14 : memref<96x128xf32, #tpu.memory_space<vmem>>) target(%dma_start3A_172 : memref<10016x128xf32, #tpu.memory_space<vmem_shared>>) offsets(%dma_start3A_169 : memref<96xi32, #tpu.memory_space<vmem>>) semaphore(%arg27 : memref<!tpu.dma_semaphore, #tpu.memory_space<semaphore_mem>>) {add = true}
    %dma_wait3A_173 = arith.constant 1 : i32
    %dma_wait3A_174 = arith.constant 0 : i32
    %dma_wait3A_175 = tpu.memref_slice %arg6[%dma_wait3A_173, %dma_wait3A_174] : memref<2x96xi32, #tpu.memory_space<vmem>> -> memref<1x96xi32, #tpu.memory_space<vmem>>
    %dma_wait3A_176 = tpu.memref_squeeze %dma_wait3A_175 : memref<1x96xi32, #tpu.memory_space<vmem>> -> memref<96xi32, #tpu.memory_space<vmem>>
    %dma_wait3A_177 = arith.constant 0 : i32
    %dma_wait3A_178 = arith.constant 0 : i32
    %dma_wait3A_179 = tpu.memref_slice %arg15[%dma_wait3A_177, %dma_wait3A_178] : memref<10016x128xf32, #tpu.memory_space<vmem_shared>> -> memref<10016x128xf32, #tpu.memory_space<vmem_shared>>
    tpu.wait_indirect_dma semaphore(%arg26 : memref<!tpu.dma_semaphore, #tpu.memory_space<semaphore_mem>>) src(%arg13 : memref<96x128xf32, #tpu.memory_space<vmem>>) dst(%dma_wait3A_179 : memref<10016x128xf32, #tpu.memory_space<vmem_shared>>)
    %dma_wait3A_180 = arith.constant 0 : i32
    %dma_wait3A_181 = arith.constant 0 : i32
    %dma_wait3A_182 = arith.constant 0 : i32
    %dma_wait3A_183 = tpu.memref_slice %arg3[%add3A, %dma_wait3A_180, %dma_wait3A_181, %dma_wait3A_182] : memref<32x108x2x96xi32, #tpu.memory_space<hbm>> -> memref<1x1x2x96xi32, #tpu.memory_space<hbm>>
    %dma_wait3A_184 = tpu.memref_squeeze %dma_wait3A_183 : memref<1x1x2x96xi32, #tpu.memory_space<hbm>> -> memref<2x96xi32, #tpu.memory_space<hbm>>
    %dma_wait3A_185 = arith.constant 0 : i32
    %dma_wait3A_186 = arith.constant 0 : i32
    %dma_wait3A_187 = tpu.memref_slice %arg3[%add3A, %dma_wait3A_180, %dma_wait3A_185, %dma_wait3A_186] : memref<32x108x2x96xi32, #tpu.memory_space<hbm>> -> memref<1x1x2x96xi32, #tpu.memory_space<hbm>>
    %dma_wait3A_188 = tpu.memref_squeeze %dma_wait3A_187 : memref<1x1x2x96xi32, #tpu.memory_space<hbm>> -> memref<2x96xi32, #tpu.memory_space<hbm>>
    tpu.wait_dma2 semaphore(%arg20 : memref<!tpu.dma_semaphore, #tpu.memory_space<semaphore_mem>>) src(%dma_wait3A_188 : memref<2x96xi32, #tpu.memory_space<hbm>>) dst(%arg10 : memref<2x96xi32, #tpu.memory_space<vmem>>)
    %dma_start3A_189 = arith.constant 0 : i32
    %dma_start3A_190 = arith.constant 0 : i32
    %dma_start3A_191 = tpu.memref_slice %arg10[%dma_start3A_189, %dma_start3A_190] : memref<2x96xi32, #tpu.memory_space<vmem>> -> memref<1x96xi32, #tpu.memory_space<vmem>>
    %dma_start3A_192 = tpu.memref_squeeze %dma_start3A_191 : memref<1x96xi32, #tpu.memory_space<vmem>> -> memref<96xi32, #tpu.memory_space<vmem>>
    %dma_start3A_193 = arith.constant 0 : i32
    %dma_start3A_194 = arith.constant 0 : i32
    %dma_start3A_195 = tpu.memref_slice %arg2[%dma_start3A_193, %dma_start3A_194] : memref<10000x128xf32, #tpu.memory_space<hbm>> -> memref<10000x128xf32, #tpu.memory_space<hbm>>
    tpu.enqueue_indirect_dma source(%dma_start3A_195 : memref<10000x128xf32, #tpu.memory_space<hbm>>) target(%arg13 : memref<96x128xf32, #tpu.memory_space<vmem>>) offsets(%dma_start3A_192 : memref<96xi32, #tpu.memory_space<vmem>>) semaphore(%arg23 : memref<!tpu.dma_semaphore, #tpu.memory_space<semaphore_mem>>)
    %dma_wait3A_196 = arith.constant 0 : i32
    %dma_wait3A_197 = arith.constant 0 : i32
    %dma_wait3A_198 = tpu.memref_slice %arg6[%dma_wait3A_196, %dma_wait3A_197] : memref<2x96xi32, #tpu.memory_space<vmem>> -> memref<1x96xi32, #tpu.memory_space<vmem>>
    %dma_wait3A_199 = tpu.memref_squeeze %dma_wait3A_198 : memref<1x96xi32, #tpu.memory_space<vmem>> -> memref<96xi32, #tpu.memory_space<vmem>>
    %dma_wait3A_200 = arith.constant 0 : i32
    %dma_wait3A_201 = arith.constant 0 : i32
    %dma_wait3A_202 = tpu.memref_slice %arg2[%dma_wait3A_200, %dma_wait3A_201] : memref<10000x128xf32, #tpu.memory_space<hbm>> -> memref<10000x128xf32, #tpu.memory_space<hbm>>
    tpu.wait_indirect_dma semaphore(%arg22 : memref<!tpu.dma_semaphore, #tpu.memory_space<semaphore_mem>>) src(%dma_wait3A_202 : memref<10000x128xf32, #tpu.memory_space<hbm>>) dst(%arg12 : memref<96x128xf32, #tpu.memory_space<vmem>>)
    %dma_start3A_203 = arith.constant 1 : i32
    %dma_start3A_204 = arith.constant 0 : i32
    %dma_start3A_205 = tpu.memref_slice %arg9[%dma_start3A_203, %dma_start3A_204] : memref<2x96xi32, #tpu.memory_space<vmem>> -> memref<1x96xi32, #tpu.memory_space<vmem>>
    %dma_start3A_206 = tpu.memref_squeeze %dma_start3A_205 : memref<1x96xi32, #tpu.memory_space<vmem>> -> memref<96xi32, #tpu.memory_space<vmem>>
    %dma_start3A_207 = arith.constant 0 : i32
    %dma_start3A_208 = arith.constant 0 : i32
    %dma_start3A_209 = tpu.memref_slice %arg15[%dma_start3A_207, %dma_start3A_208] : memref<10016x128xf32, #tpu.memory_space<vmem_shared>> -> memref<10016x128xf32, #tpu.memory_space<vmem_shared>>
    tpu.enqueue_indirect_dma source(%arg12 : memref<96x128xf32, #tpu.memory_space<vmem>>) target(%dma_start3A_209 : memref<10016x128xf32, #tpu.memory_space<vmem_shared>>) offsets(%dma_start3A_206 : memref<96xi32, #tpu.memory_space<vmem>>) semaphore(%arg25 : memref<!tpu.dma_semaphore, #tpu.memory_space<semaphore_mem>>) {add = true}
    %dma_wait3A_210 = arith.constant 1 : i32
    %dma_wait3A_211 = arith.constant 0 : i32
    %dma_wait3A_212 = tpu.memref_slice %arg6[%dma_wait3A_210, %dma_wait3A_211] : memref<2x96xi32, #tpu.memory_space<vmem>> -> memref<1x96xi32, #tpu.memory_space<vmem>>
    %dma_wait3A_213 = tpu.memref_squeeze %dma_wait3A_212 : memref<1x96xi32, #tpu.memory_space<vmem>> -> memref<96xi32, #tpu.memory_space<vmem>>
    %dma_wait3A_214 = arith.constant 0 : i32
    %dma_wait3A_215 = arith.constant 0 : i32
    %dma_wait3A_216 = tpu.memref_slice %arg15[%dma_wait3A_214, %dma_wait3A_215] : memref<10016x128xf32, #tpu.memory_space<vmem_shared>> -> memref<10016x128xf32, #tpu.memory_space<vmem_shared>>
    tpu.wait_indirect_dma semaphore(%arg27 : memref<!tpu.dma_semaphore, #tpu.memory_space<semaphore_mem>>) src(%arg14 : memref<96x128xf32, #tpu.memory_space<vmem>>) dst(%dma_wait3A_216 : memref<10016x128xf32, #tpu.memory_space<vmem_shared>>)
    %dma_wait3A_217 = arith.constant 0 : i32
    %dma_wait3A_218 = arith.constant 0 : i32
    %dma_wait3A_219 = arith.constant 0 : i32
    %dma_wait3A_220 = tpu.memref_slice %arg3[%add3A, %dma_wait3A_217, %dma_wait3A_218, %dma_wait3A_219] : memref<32x108x2x96xi32, #tpu.memory_space<hbm>> -> memref<1x1x2x96xi32, #tpu.memory_space<hbm>>
    %dma_wait3A_221 = tpu.memref_squeeze %dma_wait3A_220 : memref<1x1x2x96xi32, #tpu.memory_space<hbm>> -> memref<2x96xi32, #tpu.memory_space<hbm>>
    %dma_wait3A_222 = arith.constant 0 : i32
    %dma_wait3A_223 = arith.constant 0 : i32
    %dma_wait3A_224 = tpu.memref_slice %arg3[%add3A, %dma_wait3A_217, %dma_wait3A_222, %dma_wait3A_223] : memref<32x108x2x96xi32, #tpu.memory_space<hbm>> -> memref<1x1x2x96xi32, #tpu.memory_space<hbm>>
    %dma_wait3A_225 = tpu.memref_squeeze %dma_wait3A_224 : memref<1x1x2x96xi32, #tpu.memory_space<hbm>> -> memref<2x96xi32, #tpu.memory_space<hbm>>
    tpu.wait_dma2 semaphore(%arg21 : memref<!tpu.dma_semaphore, #tpu.memory_space<semaphore_mem>>) src(%dma_wait3A_225 : memref<2x96xi32, #tpu.memory_space<hbm>>) dst(%arg11 : memref<2x96xi32, #tpu.memory_space<vmem>>)
    %dma_start3A_226 = arith.constant 0 : i32
    %dma_start3A_227 = arith.constant 0 : i32
    %dma_start3A_228 = tpu.memref_slice %arg11[%dma_start3A_226, %dma_start3A_227] : memref<2x96xi32, #tpu.memory_space<vmem>> -> memref<1x96xi32, #tpu.memory_space<vmem>>
    %dma_start3A_229 = tpu.memref_squeeze %dma_start3A_228 : memref<1x96xi32, #tpu.memory_space<vmem>> -> memref<96xi32, #tpu.memory_space<vmem>>
    %dma_start3A_230 = arith.constant 0 : i32
    %dma_start3A_231 = arith.constant 0 : i32
    %dma_start3A_232 = tpu.memref_slice %arg2[%dma_start3A_230, %dma_start3A_231] : memref<10000x128xf32, #tpu.memory_space<hbm>> -> memref<10000x128xf32, #tpu.memory_space<hbm>>
    tpu.enqueue_indirect_dma source(%dma_start3A_232 : memref<10000x128xf32, #tpu.memory_space<hbm>>) target(%arg14 : memref<96x128xf32, #tpu.memory_space<vmem>>) offsets(%dma_start3A_229 : memref<96xi32, #tpu.memory_space<vmem>>) semaphore(%arg24 : memref<!tpu.dma_semaphore, #tpu.memory_space<semaphore_mem>>)
    %dma_wait3A_233 = arith.constant 0 : i32
    %dma_wait3A_234 = arith.constant 0 : i32
    %dma_wait3A_235 = tpu.memref_slice %arg6[%dma_wait3A_233, %dma_wait3A_234] : memref<2x96xi32, #tpu.memory_space<vmem>> -> memref<1x96xi32, #tpu.memory_space<vmem>>
    %dma_wait3A_236 = tpu.memref_squeeze %dma_wait3A_235 : memref<1x96xi32, #tpu.memory_space<vmem>> -> memref<96xi32, #tpu.memory_space<vmem>>
    %dma_wait3A_237 = arith.constant 0 : i32
    %dma_wait3A_238 = arith.constant 0 : i32
    %dma_wait3A_239 = tpu.memref_slice %arg2[%dma_wait3A_237, %dma_wait3A_238] : memref<10000x128xf32, #tpu.memory_space<hbm>> -> memref<10000x128xf32, #tpu.memory_space<hbm>>
    tpu.wait_indirect_dma semaphore(%arg23 : memref<!tpu.dma_semaphore, #tpu.memory_space<semaphore_mem>>) src(%dma_wait3A_239 : memref<10000x128xf32, #tpu.memory_space<hbm>>) dst(%arg13 : memref<96x128xf32, #tpu.memory_space<vmem>>)
    %dma_start3A_240 = arith.constant 1 : i32
    %dma_start3A_241 = arith.constant 0 : i32
    %dma_start3A_242 = tpu.memref_slice %arg10[%dma_start3A_240, %dma_start3A_241] : memref<2x96xi32, #tpu.memory_space<vmem>> -> memref<1x96xi32, #tpu.memory_space<vmem>>
    %dma_start3A_243 = tpu.memref_squeeze %dma_start3A_242 : memref<1x96xi32, #tpu.memory_space<vmem>> -> memref<96xi32, #tpu.memory_space<vmem>>
    %dma_start3A_244 = arith.constant 0 : i32
    %dma_start3A_245 = arith.constant 0 : i32
    %dma_start3A_246 = tpu.memref_slice %arg15[%dma_start3A_244, %dma_start3A_245] : memref<10016x128xf32, #tpu.memory_space<vmem_shared>> -> memref<10016x128xf32, #tpu.memory_space<vmem_shared>>
    tpu.enqueue_indirect_dma source(%arg13 : memref<96x128xf32, #tpu.memory_space<vmem>>) target(%dma_start3A_246 : memref<10016x128xf32, #tpu.memory_space<vmem_shared>>) offsets(%dma_start3A_243 : memref<96xi32, #tpu.memory_space<vmem>>) semaphore(%arg26 : memref<!tpu.dma_semaphore, #tpu.memory_space<semaphore_mem>>) {add = true}
    %dma_wait3A_247 = arith.constant 1 : i32
    %dma_wait3A_248 = arith.constant 0 : i32
    %dma_wait3A_249 = tpu.memref_slice %arg6[%dma_wait3A_247, %dma_wait3A_248] : memref<2x96xi32, #tpu.memory_space<vmem>> -> memref<1x96xi32, #tpu.memory_space<vmem>>
    %dma_wait3A_250 = tpu.memref_squeeze %dma_wait3A_249 : memref<1x96xi32, #tpu.memory_space<vmem>> -> memref<96xi32, #tpu.memory_space<vmem>>
    %dma_wait3A_251 = arith.constant 0 : i32
    %dma_wait3A_252 = arith.constant 0 : i32
    %dma_wait3A_253 = tpu.memref_slice %arg15[%dma_wait3A_251, %dma_wait3A_252] : memref<10016x128xf32, #tpu.memory_space<vmem_shared>> -> memref<10016x128xf32, #tpu.memory_space<vmem_shared>>
    tpu.wait_indirect_dma semaphore(%arg25 : memref<!tpu.dma_semaphore, #tpu.memory_space<semaphore_mem>>) src(%arg12 : memref<96x128xf32, #tpu.memory_space<vmem>>) dst(%dma_wait3A_253 : memref<10016x128xf32, #tpu.memory_space<vmem_shared>>)
    %dma_start3A_254 = arith.constant 0 : i32
    %dma_start3A_255 = arith.constant 0 : i32
    %dma_start3A_256 = tpu.memref_slice %arg6[%dma_start3A_254, %dma_start3A_255] : memref<2x96xi32, #tpu.memory_space<vmem>> -> memref<1x96xi32, #tpu.memory_space<vmem>>
    %dma_start3A_257 = tpu.memref_squeeze %dma_start3A_256 : memref<1x96xi32, #tpu.memory_space<vmem>> -> memref<96xi32, #tpu.memory_space<vmem>>
    %dma_start3A_258 = arith.constant 0 : i32
    %dma_start3A_259 = arith.constant 0 : i32
    %dma_start3A_260 = tpu.memref_slice %arg2[%dma_start3A_258, %dma_start3A_259] : memref<10000x128xf32, #tpu.memory_space<hbm>> -> memref<10000x128xf32, #tpu.memory_space<hbm>>
    tpu.enqueue_indirect_dma source(%dma_start3A_260 : memref<10000x128xf32, #tpu.memory_space<hbm>>) target(%arg12 : memref<96x128xf32, #tpu.memory_space<vmem>>) offsets(%dma_start3A_257 : memref<96xi32, #tpu.memory_space<vmem>>) semaphore(%arg22 : memref<!tpu.dma_semaphore, #tpu.memory_space<semaphore_mem>>)
    %dma_wait3A_261 = arith.constant 0 : i32
    %dma_wait3A_262 = arith.constant 0 : i32
    %dma_wait3A_263 = tpu.memref_slice %arg6[%dma_wait3A_261, %dma_wait3A_262] : memref<2x96xi32, #tpu.memory_space<vmem>> -> memref<1x96xi32, #tpu.memory_space<vmem>>
    %dma_wait3A_264 = tpu.memref_squeeze %dma_wait3A_263 : memref<1x96xi32, #tpu.memory_space<vmem>> -> memref<96xi32, #tpu.memory_space<vmem>>
    %dma_wait3A_265 = arith.constant 0 : i32
    %dma_wait3A_266 = arith.constant 0 : i32
    %dma_wait3A_267 = tpu.memref_slice %arg2[%dma_wait3A_265, %dma_wait3A_266] : memref<10000x128xf32, #tpu.memory_space<hbm>> -> memref<10000x128xf32, #tpu.memory_space<hbm>>
    tpu.wait_indirect_dma semaphore(%arg24 : memref<!tpu.dma_semaphore, #tpu.memory_space<semaphore_mem>>) src(%dma_wait3A_267 : memref<10000x128xf32, #tpu.memory_space<hbm>>) dst(%arg14 : memref<96x128xf32, #tpu.memory_space<vmem>>)
    %dma_start3A_268 = arith.constant 1 : i32
    %dma_start3A_269 = arith.constant 0 : i32
    %dma_start3A_270 = tpu.memref_slice %arg11[%dma_start3A_268, %dma_start3A_269] : memref<2x96xi32, #tpu.memory_space<vmem>> -> memref<1x96xi32, #tpu.memory_space<vmem>>
    %dma_start3A_271 = tpu.memref_squeeze %dma_start3A_270 : memref<1x96xi32, #tpu.memory_space<vmem>> -> memref<96xi32, #tpu.memory_space<vmem>>
    %dma_start3A_272 = arith.constant 0 : i32
    %dma_start3A_273 = arith.constant 0 : i32
    %dma_start3A_274 = tpu.memref_slice %arg15[%dma_start3A_272, %dma_start3A_273] : memref<10016x128xf32, #tpu.memory_space<vmem_shared>> -> memref<10016x128xf32, #tpu.memory_space<vmem_shared>>
    tpu.enqueue_indirect_dma source(%arg14 : memref<96x128xf32, #tpu.memory_space<vmem>>) target(%dma_start3A_274 : memref<10016x128xf32, #tpu.memory_space<vmem_shared>>) offsets(%dma_start3A_271 : memref<96xi32, #tpu.memory_space<vmem>>) semaphore(%arg27 : memref<!tpu.dma_semaphore, #tpu.memory_space<semaphore_mem>>) {add = true}
    %dma_wait3A_275 = arith.constant 1 : i32
    %dma_wait3A_276 = arith.constant 0 : i32
    %dma_wait3A_277 = tpu.memref_slice %arg6[%dma_wait3A_275, %dma_wait3A_276] : memref<2x96xi32, #tpu.memory_space<vmem>> -> memref<1x96xi32, #tpu.memory_space<vmem>>
    %dma_wait3A_278 = tpu.memref_squeeze %dma_wait3A_277 : memref<1x96xi32, #tpu.memory_space<vmem>> -> memref<96xi32, #tpu.memory_space<vmem>>
    %dma_wait3A_279 = arith.constant 0 : i32
    %dma_wait3A_280 = arith.constant 0 : i32
    %dma_wait3A_281 = tpu.memref_slice %arg15[%dma_wait3A_279, %dma_wait3A_280] : memref<10016x128xf32, #tpu.memory_space<vmem_shared>> -> memref<10016x128xf32, #tpu.memory_space<vmem_shared>>
    tpu.wait_indirect_dma semaphore(%arg26 : memref<!tpu.dma_semaphore, #tpu.memory_space<semaphore_mem>>) src(%arg13 : memref<96x128xf32, #tpu.memory_space<vmem>>) dst(%dma_wait3A_281 : memref<10016x128xf32, #tpu.memory_space<vmem_shared>>)
    %dma_start3A_282 = arith.constant 0 : i32
    %dma_start3A_283 = arith.constant 0 : i32
    %dma_start3A_284 = tpu.memref_slice %arg7[%dma_start3A_282, %dma_start3A_283] : memref<2x96xi32, #tpu.memory_space<vmem>> -> memref<1x96xi32, #tpu.memory_space<vmem>>
    %dma_start3A_285 = tpu.memref_squeeze %dma_start3A_284 : memref<1x96xi32, #tpu.memory_space<vmem>> -> memref<96xi32, #tpu.memory_space<vmem>>
    %dma_start3A_286 = arith.constant 0 : i32
    %dma_start3A_287 = arith.constant 0 : i32
    %dma_start3A_288 = tpu.memref_slice %arg2[%dma_start3A_286, %dma_start3A_287] : memref<10000x128xf32, #tpu.memory_space<hbm>> -> memref<10000x128xf32, #tpu.memory_space<hbm>>
    tpu.enqueue_indirect_dma source(%dma_start3A_288 : memref<10000x128xf32, #tpu.memory_space<hbm>>) target(%arg13 : memref<96x128xf32, #tpu.memory_space<vmem>>) offsets(%dma_start3A_285 : memref<96xi32, #tpu.memory_space<vmem>>) semaphore(%arg23 : memref<!tpu.dma_semaphore, #tpu.memory_space<semaphore_mem>>)
    %dma_wait3A_289 = arith.constant 0 : i32
    %dma_wait3A_290 = arith.constant 0 : i32
    %dma_wait3A_291 = tpu.memref_slice %arg6[%dma_wait3A_289, %dma_wait3A_290] : memref<2x96xi32, #tpu.memory_space<vmem>> -> memref<1x96xi32, #tpu.memory_space<vmem>>
    %dma_wait3A_292 = tpu.memref_squeeze %dma_wait3A_291 : memref<1x96xi32, #tpu.memory_space<vmem>> -> memref<96xi32, #tpu.memory_space<vmem>>
    %dma_wait3A_293 = arith.constant 0 : i32
    %dma_wait3A_294 = arith.constant 0 : i32
    %dma_wait3A_295 = tpu.memref_slice %arg2[%dma_wait3A_293, %dma_wait3A_294] : memref<10000x128xf32, #tpu.memory_space<hbm>> -> memref<10000x128xf32, #tpu.memory_space<hbm>>
    tpu.wait_indirect_dma semaphore(%arg22 : memref<!tpu.dma_semaphore, #tpu.memory_space<semaphore_mem>>) src(%dma_wait3A_295 : memref<10000x128xf32, #tpu.memory_space<hbm>>) dst(%arg12 : memref<96x128xf32, #tpu.memory_space<vmem>>)
    %dma_wait3A_296 = arith.constant 0 : i32
    %dma_wait3A_297 = arith.constant 0 : i32
    %dma_wait3A_298 = tpu.memref_slice %arg6[%dma_wait3A_296, %dma_wait3A_297] : memref<2x96xi32, #tpu.memory_space<vmem>> -> memref<1x96xi32, #tpu.memory_space<vmem>>
    %dma_wait3A_299 = tpu.memref_squeeze %dma_wait3A_298 : memref<1x96xi32, #tpu.memory_space<vmem>> -> memref<96xi32, #tpu.memory_space<vmem>>
    %dma_wait3A_300 = arith.constant 0 : i32
    %dma_wait3A_301 = arith.constant 0 : i32
    %dma_wait3A_302 = tpu.memref_slice %arg2[%dma_wait3A_300, %dma_wait3A_301] : memref<10000x128xf32, #tpu.memory_space<hbm>> -> memref<10000x128xf32, #tpu.memory_space<hbm>>
    tpu.wait_indirect_dma semaphore(%arg23 : memref<!tpu.dma_semaphore, #tpu.memory_space<semaphore_mem>>) src(%dma_wait3A_302 : memref<10000x128xf32, #tpu.memory_space<hbm>>) dst(%arg13 : memref<96x128xf32, #tpu.memory_space<vmem>>)
    %dma_wait3A_303 = arith.constant 1 : i32
    %dma_wait3A_304 = arith.constant 0 : i32
    %dma_wait3A_305 = tpu.memref_slice %arg6[%dma_wait3A_303, %dma_wait3A_304] : memref<2x96xi32, #tpu.memory_space<vmem>> -> memref<1x96xi32, #tpu.memory_space<vmem>>
    %dma_wait3A_306 = tpu.memref_squeeze %dma_wait3A_305 : memref<1x96xi32, #tpu.memory_space<vmem>> -> memref<96xi32, #tpu.memory_space<vmem>>
    %dma_wait3A_307 = arith.constant 0 : i32
    %dma_wait3A_308 = arith.constant 0 : i32
    %dma_wait3A_309 = tpu.memref_slice %arg15[%dma_wait3A_307, %dma_wait3A_308] : memref<10016x128xf32, #tpu.memory_space<vmem_shared>> -> memref<10016x128xf32, #tpu.memory_space<vmem_shared>>
    tpu.wait_indirect_dma semaphore(%arg27 : memref<!tpu.dma_semaphore, #tpu.memory_space<semaphore_mem>>) src(%arg14 : memref<96x128xf32, #tpu.memory_space<vmem>>) dst(%dma_wait3A_309 : memref<10016x128xf32, #tpu.memory_space<vmem_shared>>)
    %barrier3A_310 = arith.constant 0 : index
    tpu.barrier barrier_id(%barrier3A_310)
    %mul3A_311 = arith.constant 626 : i32
    %mul3A_312 = arith.muli %arg1, %mul3A_311 : i32
    "tpu.region"() ({
      %run_scoped3A = tpu.sem_alloc : memref<!tpu.dma_semaphore, #tpu.memory_space<semaphore_mem>>
      %dma_start3A_313 = arith.constant 0 : i32
      %dma_start3A_314 = arith.constant 0 : i32
      %dma_start3A_315 = tpu.memref_slice %arg5[%add3A, %dma_start3A_313, %dma_start3A_314] : memref<32x626x128xf32, #tpu.memory_space<hbm>> -> memref<1x626x128xf32, #tpu.memory_space<hbm>>
      %dma_start3A_316 = tpu.memref_squeeze %dma_start3A_315 : memref<1x626x128xf32, #tpu.memory_space<hbm>> -> memref<626x128xf32, #tpu.memory_space<hbm>>
      %dma_start3A_317 = arith.constant 0 : i32
      %dma_start3A_318 = tpu.memref_slice %arg15[%mul3A_312, %dma_start3A_317] : memref<10016x128xf32, #tpu.memory_space<vmem_shared>> -> memref<626x128xf32, #tpu.memory_space<vmem_shared>>
      tpu.enqueue_dma source(%dma_start3A_318 : memref<626x128xf32, #tpu.memory_space<vmem_shared>>) target(%dma_start3A_316 : memref<626x128xf32, #tpu.memory_space<hbm>>) target_semaphore(%run_scoped3A : memref<!tpu.dma_semaphore, #tpu.memory_space<semaphore_mem>>)
      %dma_wait3A_319 = arith.constant 0 : i32
      %dma_wait3A_320 = arith.constant 0 : i32
      %dma_wait3A_321 = tpu.memref_slice %arg5[%add3A, %dma_wait3A_319, %dma_wait3A_320] : memref<32x626x128xf32, #tpu.memory_space<hbm>> -> memref<1x626x128xf32, #tpu.memory_space<hbm>>
      %dma_wait3A_322 = tpu.memref_squeeze %dma_wait3A_321 : memref<1x626x128xf32, #tpu.memory_space<hbm>> -> memref<626x128xf32, #tpu.memory_space<hbm>>
      %dma_wait3A_323 = arith.constant 0 : i32
      %dma_wait3A_324 = tpu.memref_slice %arg15[%mul3A_312, %dma_wait3A_323] : memref<10016x128xf32, #tpu.memory_space<vmem_shared>> -> memref<626x128xf32, #tpu.memory_space<vmem_shared>>
      tpu.wait_dma2 semaphore(%run_scoped3A : memref<!tpu.dma_semaphore, #tpu.memory_space<semaphore_mem>>) src(%dma_wait3A_324 : memref<626x128xf32, #tpu.memory_space<vmem_shared>>) dst(%dma_wait3A_322 : memref<626x128xf32, #tpu.memory_space<hbm>>)
      tpu.yield
    }) : () -> ()
    return
  }
}

module attributes {stable_mosaic.version = 14 : i64} {
  func.func @body(%arg0: i32, %arg1: memref<2x400x128xf32, #tpu.memory_space<vmem>>, %arg2: memref<400x128xf32, #tpu.memory_space<vmem>>, %arg3: memref<400x128xf32, #tpu.memory_space<vmem>>, %arg4: memref<400x1xf32, #tpu.memory_space<vmem>>) attributes {dimension_semantics = [#tpu.dimension_semantics<arbitrary>], iteration_bounds = array<i64: 25>, scalar_prefetch = 0 : i64, scratch_operands = 0 : i64, tpu.core_type = #tpu.core_type<tc>, window_params = [{transform_indices = @transform_0, window_bounds = array<i64: 2, 400, 128>}, {transform_indices = @transform_1, window_bounds = array<i64: 400, 128>}, {transform_indices = @transform_2, window_bounds = array<i64: 400, 128>}, {transform_indices = @transform_3, window_bounds = array<i64: 400, 1>}]} {
    %get3A = arith.constant 0 : index
    %get3A_0 = arith.constant 0 : index
    %get3A_1 = arith.constant 0 : index
    %get3A_2 = vector.load %arg1[%get3A, %get3A_0, %get3A_1] : memref<2x400x128xf32, #tpu.memory_space<vmem>>, vector<1x400x1xf32>
    %get3A_3 = vector.shape_cast %get3A_2 : vector<1x400x1xf32> to vector<400x1xf32>
    %get3A_4 = arith.constant 1 : index
    %get3A_5 = arith.constant 0 : index
    %get3A_6 = arith.constant 0 : index
    %get3A_7 = vector.load %arg1[%get3A_4, %get3A_5, %get3A_6] : memref<2x400x128xf32, #tpu.memory_space<vmem>>, vector<1x400x1xf32>
    %get3A_8 = vector.shape_cast %get3A_7 : vector<1x400x1xf32> to vector<400x1xf32>
    %add3A = arith.addf %get3A_3, %get3A_8 : vector<400x1xf32>
    %add3A_9 = arith.constant 1.000000e+00 : f32
    %add3A_10 = vector.broadcast %add3A_9 : f32 to vector<400x1xf32>
    %add3A_11 = arith.addf %add3A, %add3A_10 : vector<400x1xf32>
    %rsqrt3A = math.rsqrt %add3A_11 : vector<400x1xf32>
    %swap3A = arith.constant 0 : index
    %swap3A_12 = arith.constant 0 : index
    %swap3A_13 = vector.load %arg4[%swap3A, %swap3A_12] : memref<400x1xf32, #tpu.memory_space<vmem>>, vector<400x1xf32>
    tpu.vector_store %arg4[%swap3A, %swap3A_12], %rsqrt3A {strides = array<i32>} : memref<400x1xf32, #tpu.memory_space<vmem>>, vector<400x1xf32>,
    %get3A_14 = arith.constant 0 : index
    %get3A_15 = arith.constant 0 : index
    %get3A_16 = vector.load %arg2[%get3A_14, %get3A_15] : memref<400x128xf32, #tpu.memory_space<vmem>>, vector<400x128xf32>
    %mul3A = vector.broadcast %rsqrt3A : vector<400x1xf32> to vector<400x128xf32>
    %mul3A_17 = arith.mulf %get3A_16, %mul3A : vector<400x128xf32>
    %swap3A_18 = arith.constant 0 : index
    %swap3A_19 = arith.constant 0 : index
    %swap3A_20 = vector.load %arg3[%swap3A_18, %swap3A_19] : memref<400x128xf32, #tpu.memory_space<vmem>>, vector<400x128xf32>
    tpu.vector_store %arg3[%swap3A_18, %swap3A_19], %mul3A_17 {strides = array<i32>} : memref<400x128xf32, #tpu.memory_space<vmem>>, vector<400x128xf32>,
    return
  }
  func.func @transform_0(%arg0: i32) -> (i32, i32, i32) {
    %c0_i32 = arith.constant 0 : i32
    %c0_i32_0 = arith.constant 0 : i32
    %c0_i32_1 = arith.constant 0 : i32
    return %c0_i32, %arg0, %c0_i32_0 : i32, i32, i32
  }
  func.func @transform_1(%arg0: i32) -> (i32, i32) {
    %c0_i32 = arith.constant 0 : i32
    %c0_i32_0 = arith.constant 0 : i32
    return %arg0, %c0_i32 : i32, i32
  }
  func.func @transform_2(%arg0: i32) -> (i32, i32) {
    %c0_i32 = arith.constant 0 : i32
    %c0_i32_0 = arith.constant 0 : i32
    return %arg0, %c0_i32 : i32, i32
  }
  func.func @transform_3(%arg0: i32) -> (i32, i32) {
    %c0_i32 = arith.constant 0 : i32
    %c0_i32_0 = arith.constant 0 : i32
    return %arg0, %c0_i32 : i32, i32
  }
}

module attributes {stable_mosaic.version = 14 : i64} {
  func.func @body(%arg0: i32, %arg1: memref<2x400x128xf32, #tpu.memory_space<vmem>>, %arg2: memref<400x128xf32, #tpu.memory_space<vmem>>, %arg3: memref<400x1xf32, #tpu.memory_space<vmem>>, %arg4: memref<128x256xf32, #tpu.memory_space<vmem>>, %arg5: memref<1x256xf32, #tpu.memory_space<vmem>>, %arg6: memref<256x128xf32, #tpu.memory_space<vmem>>, %arg7: memref<400x128xf32, #tpu.memory_space<vmem>>) attributes {dimension_semantics = [#tpu.dimension_semantics<arbitrary>], iteration_bounds = array<i64: 25>, scalar_prefetch = 0 : i64, scratch_operands = 0 : i64, tpu.core_type = #tpu.core_type<tc>, window_params = [{transform_indices = @transform_0, window_bounds = array<i64: 2, 400, 128>}, {transform_indices = @transform_1, window_bounds = array<i64: 400, 128>}, {transform_indices = @transform_2, window_bounds = array<i64: 400, 1>}, {pipeline_mode = #tpu.pipeline_mode<synchronous>, transform_indices = @transform_3, window_bounds = array<i64: 128, 256>}, {pipeline_mode = #tpu.pipeline_mode<synchronous>, transform_indices = @transform_4, window_bounds = array<i64: 1, 256>}, {pipeline_mode = #tpu.pipeline_mode<synchronous>, transform_indices = @transform_5, window_bounds = array<i64: 256, 128>}, {transform_indices = @transform_6, window_bounds = array<i64: 400, 128>}]} {
    %get3A = arith.constant 0 : index
    %get3A_0 = arith.constant 0 : index
    %get3A_1 = arith.constant 0 : index
    %get3A_2 = vector.load %arg1[%get3A, %get3A_0, %get3A_1] : memref<2x400x128xf32, #tpu.memory_space<vmem>>, vector<1x400x128xf32>
    %get3A_3 = vector.shape_cast %get3A_2 : vector<1x400x128xf32> to vector<400x128xf32>
    %get3A_4 = arith.constant 1 : index
    %get3A_5 = arith.constant 0 : index
    %get3A_6 = arith.constant 0 : index
    %get3A_7 = vector.load %arg1[%get3A_4, %get3A_5, %get3A_6] : memref<2x400x128xf32, #tpu.memory_space<vmem>>, vector<1x400x128xf32>
    %get3A_8 = vector.shape_cast %get3A_7 : vector<1x400x128xf32> to vector<400x128xf32>
    %add3A = arith.addf %get3A_3, %get3A_8 : vector<400x128xf32>
    %get3A_9 = arith.constant 0 : index
    %get3A_10 = arith.constant 0 : index
    %get3A_11 = vector.load %arg2[%get3A_9, %get3A_10] : memref<400x128xf32, #tpu.memory_space<vmem>>, vector<400x128xf32>
    %add3A_12 = arith.addf %add3A, %get3A_11 : vector<400x128xf32>
    %get3A_13 = arith.constant 0 : index
    %get3A_14 = arith.constant 0 : index
    %get3A_15 = vector.load %arg3[%get3A_13, %get3A_14] : memref<400x1xf32, #tpu.memory_space<vmem>>, vector<400x1xf32>
    %mul3A = vector.broadcast %get3A_15 : vector<400x1xf32> to vector<400x128xf32>
    %mul3A_16 = arith.mulf %add3A_12, %mul3A : vector<400x128xf32>
    %get3A_17 = arith.constant 0 : index
    %get3A_18 = arith.constant 0 : index
    %get3A_19 = vector.load %arg4[%get3A_17, %get3A_18] : memref<128x256xf32, #tpu.memory_space<vmem>>, vector<128x256xf32>
    %dot_general3A = arith.constant dense<0.000000e+00> : vector<400x256xf32>
    %dot_general3A_20 = tpu.matmul %mul3A_16, %get3A_19, %dot_general3A {dimension_numbers = #tpu.dot_dimension_numbers<[1], [0], [0], [1], [0, 0, 1, 1], [], []>, transpose_lhs_hint = false} : vector<400x128xf32>, vector<128x256xf32>, vector<400x256xf32> -> vector<400x256xf32>
    %get3A_21 = arith.constant 0 : index
    %get3A_22 = arith.constant 0 : index
    %get3A_23 = vector.load %arg5[%get3A_21, %get3A_22] : memref<1x256xf32, #tpu.memory_space<vmem>>, vector<1x256xf32>
    %add3A_24 = vector.broadcast %get3A_23 : vector<1x256xf32> to vector<400x256xf32>
    %add3A_25 = arith.addf %dot_general3A_20, %add3A_24 : vector<400x256xf32>
    %mul3A_26 = arith.mulf %add3A_25, %add3A_25 : vector<400x256xf32>
    %reduce_sum3A = arith.constant dense<0.000000e+00> : vector<400xf32>
    %reduce_sum3A_27 = vector.multi_reduction <add>, %mul3A_26, %reduce_sum3A [1] : vector<400x256xf32> to vector<400xf32>
    %broadcast_in_dim3A = vector.shape_cast %reduce_sum3A_27 : vector<400xf32> to vector<400x1xf32>
    %sqrt3A = math.sqrt %broadcast_in_dim3A : vector<400x1xf32>
    %max3A = arith.constant 9.99999996E-13 : f32
    %max3A_28 = vector.broadcast %max3A : f32 to vector<400x1xf32>
    %max3A_29 = arith.maximumf %sqrt3A, %max3A_28 : vector<400x1xf32>
    %div3A = vector.broadcast %max3A_29 : vector<400x1xf32> to vector<400x256xf32>
    %div3A_30 = arith.divf %add3A_25, %div3A : vector<400x256xf32>
    %get3A_31 = arith.constant 0 : index
    %get3A_32 = arith.constant 0 : index
    %get3A_33 = vector.load %arg6[%get3A_31, %get3A_32] : memref<256x128xf32, #tpu.memory_space<vmem>>, vector<256x128xf32>
    %dot_general3A_34 = arith.constant dense<0.000000e+00> : vector<400x128xf32>
    %dot_general3A_35 = tpu.matmul %div3A_30, %get3A_33, %dot_general3A_34 {dimension_numbers = #tpu.dot_dimension_numbers<[1], [0], [0], [1], [0, 0, 1, 1], [], []>, transpose_lhs_hint = false} : vector<400x256xf32>, vector<256x128xf32>, vector<400x128xf32> -> vector<400x128xf32>
    %get3A_36 = arith.constant 0 : index
    %get3A_37 = arith.constant 0 : index
    %get3A_38 = vector.load %arg3[%get3A_36, %get3A_37] : memref<400x1xf32, #tpu.memory_space<vmem>>, vector<400x1xf32>
    %mul3A_39 = vector.broadcast %get3A_38 : vector<400x1xf32> to vector<400x128xf32>
    %mul3A_40 = arith.mulf %dot_general3A_35, %mul3A_39 : vector<400x128xf32>
    %swap3A = arith.constant 0 : index
    %swap3A_41 = arith.constant 0 : index
    %swap3A_42 = vector.load %arg7[%swap3A, %swap3A_41] : memref<400x128xf32, #tpu.memory_space<vmem>>, vector<400x128xf32>
    tpu.vector_store %arg7[%swap3A, %swap3A_41], %mul3A_40 {strides = array<i32>} : memref<400x128xf32, #tpu.memory_space<vmem>>, vector<400x128xf32>,
    return
  }
  func.func @transform_0(%arg0: i32) -> (i32, i32, i32) {
    %c0_i32 = arith.constant 0 : i32
    %c0_i32_0 = arith.constant 0 : i32
    %c0_i32_1 = arith.constant 0 : i32
    return %c0_i32, %arg0, %c0_i32_0 : i32, i32, i32
  }
  func.func @transform_1(%arg0: i32) -> (i32, i32) {
    %c0_i32 = arith.constant 0 : i32
    %c0_i32_0 = arith.constant 0 : i32
    return %arg0, %c0_i32 : i32, i32
  }
  func.func @transform_2(%arg0: i32) -> (i32, i32) {
    %c0_i32 = arith.constant 0 : i32
    %c0_i32_0 = arith.constant 0 : i32
    return %arg0, %c0_i32 : i32, i32
  }
  func.func @transform_3(%arg0: i32) -> (i32, i32) {
    %c0_i32 = arith.constant 0 : i32
    %c0_i32_0 = arith.constant 0 : i32
    %c0_i32_1 = arith.constant 0 : i32
    return %c0_i32, %c0_i32_0 : i32, i32
  }
  func.func @transform_4(%arg0: i32) -> (i32, i32) {
    %c0_i32 = arith.constant 0 : i32
    %c0_i32_0 = arith.constant 0 : i32
    %c0_i32_1 = arith.constant 0 : i32
    return %c0_i32, %c0_i32_0 : i32, i32
  }
  func.func @transform_5(%arg0: i32) -> (i32, i32) {
    %c0_i32 = arith.constant 0 : i32
    %c0_i32_0 = arith.constant 0 : i32
    %c0_i32_1 = arith.constant 0 : i32
    return %c0_i32, %c0_i32_0 : i32, i32
  }
  func.func @transform_6(%arg0: i32) -> (i32, i32) {
    %c0_i32 = arith.constant 0 : i32
    %c0_i32_0 = arith.constant 0 : i32
    return %arg0, %c0_i32 : i32, i32
  }
}

module attributes {stable_mosaic.version = 14 : i64} {
  func.func @body(%arg0: i32, %arg1: memref<2x400x128xf32, #tpu.memory_space<vmem>>, %arg2: memref<400x128xf32, #tpu.memory_space<vmem>>, %arg3: memref<400x1xf32, #tpu.memory_space<vmem>>, %arg4: memref<1x128xf32, #tpu.memory_space<vmem>>, %arg5: memref<400x128xf32, #tpu.memory_space<vmem>>) attributes {dimension_semantics = [#tpu.dimension_semantics<arbitrary>], iteration_bounds = array<i64: 25>, scalar_prefetch = 0 : i64, scratch_operands = 0 : i64, tpu.core_type = #tpu.core_type<tc>, window_params = [{transform_indices = @transform_0, window_bounds = array<i64: 2, 400, 128>}, {transform_indices = @transform_1, window_bounds = array<i64: 400, 128>}, {transform_indices = @transform_2, window_bounds = array<i64: 400, 1>}, {pipeline_mode = #tpu.pipeline_mode<synchronous>, transform_indices = @transform_3, window_bounds = array<i64: 1, 128>}, {transform_indices = @transform_4, window_bounds = array<i64: 400, 128>}]} {
    %get3A = arith.constant 0 : index
    %get3A_0 = arith.constant 0 : index
    %get3A_1 = arith.constant 0 : index
    %get3A_2 = vector.load %arg1[%get3A, %get3A_0, %get3A_1] : memref<2x400x128xf32, #tpu.memory_space<vmem>>, vector<1x400x128xf32>
    %get3A_3 = vector.shape_cast %get3A_2 : vector<1x400x128xf32> to vector<400x128xf32>
    %get3A_4 = arith.constant 1 : index
    %get3A_5 = arith.constant 0 : index
    %get3A_6 = arith.constant 0 : index
    %get3A_7 = vector.load %arg1[%get3A_4, %get3A_5, %get3A_6] : memref<2x400x128xf32, #tpu.memory_space<vmem>>, vector<1x400x128xf32>
    %get3A_8 = vector.shape_cast %get3A_7 : vector<1x400x128xf32> to vector<400x128xf32>
    %add3A = arith.addf %get3A_3, %get3A_8 : vector<400x128xf32>
    %get3A_9 = arith.constant 0 : index
    %get3A_10 = arith.constant 0 : index
    %get3A_11 = vector.load %arg2[%get3A_9, %get3A_10] : memref<400x128xf32, #tpu.memory_space<vmem>>, vector<400x128xf32>
    %add3A_12 = arith.addf %add3A, %get3A_11 : vector<400x128xf32>
    %get3A_13 = arith.constant 0 : index
    %get3A_14 = arith.constant 0 : index
    %get3A_15 = vector.load %arg3[%get3A_13, %get3A_14] : memref<400x1xf32, #tpu.memory_space<vmem>>, vector<400x1xf32>
    %mul3A = vector.broadcast %get3A_15 : vector<400x1xf32> to vector<400x128xf32>
    %mul3A_16 = arith.mulf %add3A_12, %mul3A : vector<400x128xf32>
    %get3A_17 = arith.constant 0 : index
    %get3A_18 = arith.constant 0 : index
    %get3A_19 = vector.load %arg4[%get3A_17, %get3A_18] : memref<1x128xf32, #tpu.memory_space<vmem>>, vector<1x128xf32>
    %add3A_20 = vector.broadcast %get3A_19 : vector<1x128xf32> to vector<400x128xf32>
    %add3A_21 = arith.addf %mul3A_16, %add3A_20 : vector<400x128xf32>
    %swap3A = arith.constant 0 : index
    %swap3A_22 = arith.constant 0 : index
    %swap3A_23 = vector.load %arg5[%swap3A, %swap3A_22] : memref<400x128xf32, #tpu.memory_space<vmem>>, vector<400x128xf32>
    tpu.vector_store %arg5[%swap3A, %swap3A_22], %add3A_21 {strides = array<i32>} : memref<400x128xf32, #tpu.memory_space<vmem>>, vector<400x128xf32>,
    return
  }
  func.func @transform_0(%arg0: i32) -> (i32, i32, i32) {
    %c0_i32 = arith.constant 0 : i32
    %c0_i32_0 = arith.constant 0 : i32
    %c0_i32_1 = arith.constant 0 : i32
    return %c0_i32, %arg0, %c0_i32_0 : i32, i32, i32
  }
  func.func @transform_1(%arg0: i32) -> (i32, i32) {
    %c0_i32 = arith.constant 0 : i32
    %c0_i32_0 = arith.constant 0 : i32
    return %arg0, %c0_i32 : i32, i32
  }
  func.func @transform_2(%arg0: i32) -> (i32, i32) {
    %c0_i32 = arith.constant 0 : i32
    %c0_i32_0 = arith.constant 0 : i32
    return %arg0, %c0_i32 : i32, i32
  }
  func.func @transform_3(%arg0: i32) -> (i32, i32) {
    %c0_i32 = arith.constant 0 : i32
    %c0_i32_0 = arith.constant 0 : i32
    %c0_i32_1 = arith.constant 0 : i32
    return %c0_i32, %c0_i32_0 : i32, i32
  }
  func.func @transform_4(%arg0: i32) -> (i32, i32) {
    %c0_i32 = arith.constant 0 : i32
    %c0_i32_0 = arith.constant 0 : i32
    return %arg0, %c0_i32 : i32, i32
  }
}

</mosaic_0001>

<sc_bundles>
// kernel: kernel.11.cloned.1.call-start
scs
__scs_entry_jumppad:
0x0: {  	(pc) =	sbr.rel $0x88, $3  }
0x1: {  	(tag) =	ssettag $0x0;
	lr =	simm.s32 $0x1  }
0x2: {  	[smem:$0x3F9B] =	sst lr;
	_ =	strace $0xD0000000  }
0x3: {  	_ = 	snop  }
0x4: {  	_ = 	snop  }
0x5: {  	_ = 	snop  }
0x6: {  	_ = 	snop  }
0x7: {  	_ = 	snop  }
__scs_overlays_trampoline_lowered:
0x8: {  	[smem:$0x3FAA] =	sst s0  }
0x9: {  	[smem:$0x3FAB] =	sst s1  }
0xa: {  	[smem:$0x3FAC] =	sst s2  }
0xb: {  	[smem:$0x3FAD] =	sst s3  }
0xc: {  	[smem:$0x3FAE] =	sst s4  }
0xd: {  	[smem:$0x3FAF] =	sst s5  }
0xe: {  	[smem:$0x3FB0] =	sst s6  }
0xf: {  	[smem:$0x3FB1] =	sst s7  }
0x10: {  	[smem:$0x3FB2] =	sst s8  }
0x11: {  	[smem:$0x3FB3] =	sst s9;
	s0 =	simm.s32 @!p0 $0x0  }
0x12: {  	s1 =	sld [smem:$0x3F99];
	s0 =	simm.s32 @p0 $0x1  }
0x13: {  	[smem:$0x3FB4] =	sst s0;
	s0 =	simm.s32 @!p1 $0x0  }
0x14: {  	s2 =	sld [smem:$0x3F98];
	s0 =	simm.s32 @p1 $0x1  }
0x15: {  	[smem:$0x3FB5] =	sst s0;
	s0 =	simm.s32 @!p2 $0x0  }
0x16: {  	s3 =	sld [smem:$0x3FDB];
	s0 =	simm.s32 @p2 $0x1  }
0x17: {  	s4 =	simm.s32 $0x1BF5;
	[smem:$0x3FB7] =	sst s0  }
0x18: {  	s0 =	sld [smem:$0x3F9A];
	_ =	swait.ge [sflag:s4], $0x0  }
0x19: {  	s7 =	sld [smem:$0x3F9B]  }
0x1a: {  	s8 =	sadd.s32 $0xFFFFE003, lr  }
0x1b: {  	s9 =	sadd.s32 $0xFFFFFEF7, lr;
	s5 =	simm.s32 $0xFFFFFFFF;
	p2 =	slt.u32 s8, $0xFFFFF086  }
0x1c: {  	p1 =	slt.u32 s9, $0xF7A;
	s5 =	simm.s32 @!p2 $0x0  }
0x1d: {  	s5 =	simm.s32 @p1 $0x1;
	p0 =	seq.s32 s7, s2  }
0x1e: {  	s7 =	smul.u32 @!p0 $0xF7A, s2;
	p2 =	seq.s32 @!p0 s5, $0x0  }
0x1f: {  	s9 =	smul.u32 $0xF7A, s1;
	s8 =	simm.s32 @!p0 $0x1BF5;
	p2 =	por !p2, p0  }
0x20: {  	[sflag:s8] =	ssyncset.s32 @!p0 $0xFFFFF086;
	s6 =	sadd.s32 @!p0 s3, s7;
	s7 =	simm.s32 @!p0 $0x108  }
0x21: {  	s3 =	sadd.s32 s3, s9;
	s6 =	sadd.s32 @!p0 $0x88, s6;
	s7 =	simm.s32 @p2 $0x1082  }
0x22: {  	[simem:s7], [sflag:s8] =	dma.local @!p0 [hbm:s6], $0xF7A  }
0x23: {  	s9 =	sor.u32 $0xD0000000, s2;
	s6 =	simm.s32 $0x108;
	_ =	swait.ge @!p0 [sflag:s8], $0x0  }
0x24: {  	s3 =	sadd.s32 $0x88, s3;
	s6 =	simm.s32 @!p1 $0x1082;
	[sflag:s4] =	ssyncset.s32 $0xFFFFF086  }
0x25: {  	[simem:s6], [sflag:s4] =	dma.local [hbm:s3], $0xF7A  }
0x26: {  	[smem:$0x3F9B] =	sst s1;
	(tag) =	ssettag s2;
	_ =	strace s9  }
0x27: {  	s1 =	sld [smem:$0x3FAB]  }
0x28: {  	s2 =	sld [smem:$0x3FAC]  }
0x29: {  	s4 =	sld [smem:$0x3FAE]  }
0x2a: {  	p0 =	seq.s32 s5, $0x0;
	s5 =	sld [smem:$0x3FAF]  }
0x2b: {  	s6 =	sld [smem:$0x3FB0]  }
0x2c: {  	s7 =	sld [smem:$0x3FB1]  }
0x2d: {  	s3 =	simm.s32 $0x108;
	s8 =	sld [smem:$0x3FB2]  }
0x2e: {  	s3 =	simm.s32 @!p0 $0x1082;
	s9 =	sld [smem:$0x3FB3]  }
0x2f: {  	lr =	sadd.s32 s0, s3;
	s0 =	sld [smem:$0x3FAA]  }
0x30: {  	s3 =	sld [smem:$0x3FAD]  }
0x31: {  	[smem:$0x3FB6] =	sst s10  }
0x32: {  	s10 =	sld [smem:$0x3FB4];
	_ =	sdelay $0x3  }
0x33: {  	p0 =	seq.s32 s10, $0x1;
	s10 =	sld [smem:$0x3FB6];
	_ =	sdelay $0x3  }
0x34: {  	[smem:$0x3FB6] =	sst s10  }
0x35: {  	s10 =	sld [smem:$0x3FB5];
	_ =	sdelay $0x3  }
0x36: {  	p1 =	seq.s32 s10, $0x1;
	s10 =	sld [smem:$0x3FB6];
	_ =	sdelay $0x3  }
0x37: {  	[smem:$0x3FB6] =	sst s10  }
0x38: {  	s10 =	sld [smem:$0x3FB7]  }
0x39: {  	_ = 	snop;
	(pc) =	sbr.ind lr, $3  }
0x3a: {  	_ = 	snop  }
0x3b: {  	_ = 	snop  }
0x3c: {  	p2 =	seq.s32 s10, $0x1;
	s10 =	sld [smem:$0x3FB6]  }
0x3d: {  	_ =	shalt  }
0x3e: {  	_ =	shalt  }
0x3f: {  	_ =	shalt  }
0x40: {  	_ =	shalt  }
0x41: {  	_ =	shalt  }
0x42: {  	_ =	shalt  }
0x43: {  	_ =	shalt  }
0x44: {  	_ =	shalt  }
0x45: {  	_ =	shalt  }
0x46: {  	_ =	shalt  }
0x47: {  	_ =	shalt  }
0x48: {  	_ =	shalt  }
0x49: {  	_ =	shalt  }
0x4a: {  	_ =	shalt  }
0x4b: {  	_ =	shalt  }
0x4c: {  	_ =	shalt  }
0x4d: {  	_ =	shalt  }
0x4e: {  	_ =	shalt  }
0x4f: {  	_ =	shalt  }
0x50: {  	_ =	shalt  }
0x51: {  	_ =	shalt  }
0x52: {  	_ =	shalt  }
0x53: {  	_ =	shalt  }
0x54: {  	_ =	shalt  }
0x55: {  	_ =	shalt  }
0x56: {  	_ =	shalt  }
0x57: {  	_ =	shalt  }
0x58: {  	_ =	shalt  }
0x59: {  	_ =	shalt  }
0x5a: {  	_ =	shalt  }
0x5b: {  	_ =	shalt  }
0x5c: {  	_ =	shalt  }
0x5d: {  	_ =	shalt  }
0x5e: {  	_ =	shalt  }
0x5f: {  	_ =	shalt  }
0x60: {  	_ =	shalt  }
0x61: {  	_ =	shalt  }
0x62: {  	_ =	shalt  }
0x63: {  	_ =	shalt  }
0x64: {  	_ =	shalt  }
0x65: {  	_ =	shalt  }
0x66: {  	_ =	shalt  }
0x67: {  	_ =	shalt  }
0x68: {  	_ =	shalt  }
0x69: {  	_ =	shalt  }
0x6a: {  	_ =	shalt  }
0x6b: {  	_ =	shalt  }
0x6c: {  	_ =	shalt  }
0x6d: {  	_ =	shalt  }
0x6e: {  	_ =	shalt  }
0x6f: {  	_ =	shalt  }
0x70: {  	_ =	shalt  }
0x71: {  	_ =	shalt  }
0x72: {  	_ =	shalt  }
0x73: {  	_ =	shalt  }
0x74: {  	_ =	shalt  }
0x75: {  	_ =	shalt  }
0x76: {  	_ =	shalt  }
0x77: {  	_ =	shalt  }
0x78: {  	_ =	shalt  }
0x79: {  	_ =	shalt  }
0x7a: {  	_ =	shalt  }
0x7b: {  	_ =	shalt  }
0x7c: {  	_ =	shalt  }
0x7d: {  	_ =	shalt  }
0x7e: {  	_ =	shalt  }
0x7f: {  	_ =	shalt  }
0x80: {  	_ =	shalt  }
0x81: {  	_ =	shalt  }
0x82: {  	_ =	shalt  }
0x83: {  	_ =	shalt  }
0x84: {  	_ =	shalt  }
0x85: {  	_ =	shalt  }
0x86: {  	_ =	shalt  }
0x87: {  	_ =	shalt  }
.Lfunc_end0:
.L_simem_size_0:
called_computation.1_lowered:
.L_overlay_start_0:
0x88: {  	s2 =	sld [smem:$0x3FD9]  }
0x89: {  	s3 =	sld [smem:$0x3FFE];
	_ =	sdelay $0x1  }
0x8a: {  	s1 =	srdreg.scid  }
0x8b: {  	s0 =	sand.u32 $0x1, s1  }
0x8c: {  	s17 =	sshll.u32 s0, $0xA;
	s2 =	sadd.s32 s3, s2  }
0x8d: {  	s2 =	sadd.s32 s2, s17  }
0x8e: {  	[smem:$0x3FC2] =	sst s2  }
0x8f: {  	_ = 	snop  }
0x90: {  	s2 =	sld [smem:$0x3FD0];
	(tm) =	ssettm $0x1  }
0x91: {  	s18 =	sld [smem:$0x3FFB];
	_ =	sdelay $0x3  }
0x92: {  	_ =	strace s18  }
0x93: {  	s3 =	sld [smem:$0x3FFC];
	_ =	sdelay $0x3  }
0x94: {  	_ =	strace s3  }
0x95: {  	s3 =	sld [smem:$0x3FFD];
	_ =	sdelay $0x3  }
0x96: {  	_ =	strace s3  }
0x97: {  	_ =	strace $0x8FFFFFFF  }
0x98: {  	s19 =	sld [smem:$0x3FDB];
	_ =	sdelay $0x1  }
0x99: {  	s4 =	simm.s32 $_scs_section_size  }
0x9a: {  	s5 =	simm.s32 $_size__tile_overlayer_lowered;
	s6 =	simm.s32 $_tile_overlayer_lowered  }
0x9b: {  	s22 =	simm.s32 $0x1BFF;
	s21 =	sshll.u32 s6, $0x1;
	s3 =	sadd.s32 s4, s19  }
0x9c: {  	s7 =	simm.s32 $0x0;
	s20 =	sshll.u32 s5, $0x1;
	s5 =	sadd.s32 s21, s3  }
0x9d: {  	[timem:s7], [sflag:s22] =	dma.local [hbm:s5], s20  }
0x9e: {  	_ =	swait.ge [sflag:s22], s20  }
0x9f: {  	s4 =	ssub.s32 $0x0, s20;
	[sflag:s22] =	ssyncset.done $0x0  }
0xa0: {  	[sflag:s22] =	ssyncadd.s32 s4;
	_ =	sdelay $0x1  }
0xa1: {  	s23 =	simm.s32 $0x1B8B  }
0xa2: {  	_ =	swait.ge [sflag:s23], $0x1  }
0xa3: {  	[sflag:s23] =	ssyncset.done $0x0  }
0xa4: {  	s25 =	simm.s32 $0x1B8E;
	s24 =	sld [smem:$0x3FFE];
	[sflag:s23] =	ssyncadd.s32 $0xFFFFFFFF  }
0xa5: {  	s26 =	simm.s32 $execute0_lowered;
	[smem:$0x3FD2] =	sst s25  }
0xa6: {  	s5 =	sshll.u32 s26, $0x1;
	_ =	strace $0x80000049;
	[dreg:$0x1] =	wrdreg $0xFFFFFFFF  }
0xa7: {  	s28 =	simm.s32 $_size_execute0_lowered;
	s3 =	sadd.s32 s3, s5;
	[dreg:$0x0] =	wrdreg $0x0  }
0xa8: {  	s5 =	sshll.u32 s28, $0x1;
	[dreg:$0x2] =	wrdreg s3  }
0xa9: {  	[dreg:$0x3] =	wrdreg s5  }
0xaa: {  	[dreg:$0x4] =	wrdreg $0xC0  }
0xab: {  	_ =	task [dreg:s7], $0x5FFFF  }
0xac: {  	[dreg:$0x1] =	wrdreg $0xFFFFFFFF  }
0xad: {  	[dreg:$0x0] =	wrdreg $0x60  }
0xae: {  	[dreg:$0x2] =	wrdreg s2  }
0xaf: {  	[dreg:$0x3] =	wrdreg s24  }
0xb0: {  	[dreg:$0x4] =	wrdreg $0x96000  }
0xb1: {  	[dreg:$0x5] =	wrdreg $0x9  }
0xb2: {  	_ =	task.clear_ibuf [dreg:s7], $0x6FFFF;
	_ =	strace $0x90000049  }
0xb3: {  	s29 =	simm.s32 $0x9;
	_ =	strace $0x8000004B  }
0xb4: {  	_ =	swait.ge [sflag:s29], $0x1  }
0xb5: {  	[sflag:s29] =	ssyncadd.s32 $0xFFFFFFFF  }
0xb6: {  	_ =	strace $0x9000004B  }
0xb7: {  	_ =	sfence  }
0xb8: {  	s30 =	sld [smem:$0x0];
	_ =	sdelay $0x2  }
0xb9: {  	s31 =	sshll.u32 s1, $0xD;
	s1 =	sshrl.u32 s1, $0x2  }
0xba: {  	s3 =	sand.u32 $0x4000, s31;
	s1 =	sadd.s32 s1, s30  }
0xbb: {  	s0 =	sor.u32 s3, s0;
	s1 =	sshll.u32 s1, $0x11  }
0xbc: {  	s0 =	sor.u32 s1, s0  }
0xbd: {  	s0 =	sadd.s32 $0x8F2B, s0  }
0xbe: {  	[sflag:s0] =	ssyncadd.remote.s32 $0x1  }
0xbf: {  	_ =	sfence.sel $0xFFFF  }
0xc0: {  	[dreg:$0x0] =	wrdreg $0xFFFFFFFF;
	(pc) =	sbr.abs _section_cstart, $3  }
0xc1: {  	[dreg:$0x1] =	wrdreg $0xFFFFFFFF  }
0xc2: {  	_ =	task.clear_ibuf [dreg:s7], $0x2FFFF;
	_ =	strace $0x9FFFFFFF  }
0xc3: {  	(tm) =	ssettm $0x7FFFFFFF  }
tec
execute0_lowered:
.L_overlay_start_1:
0x0: {  	(tag) =	ssettag $0x1  }
0x1: {  	s0 =	rddreg [dreg:$0x0]  }
0x2: {  	s2 =	rddreg [dreg:$0x1]  }
0x3: {  	s1 =	srdreg.scid;
	s3 =	rddreg [dreg:$0x2]  }
0x4: {  	s9 =	stileid.u32;
	s4 =	simm.s32 $0x0;
	s28 =	simm.s32 $0x2  }
0x5: {  	s29 =	simm.s32 $0x3600;
	s30 =	simm.s32 $0x7;
	s31 =	simm.s32 $0x0  }
0x6: {  	s1 =	sand.u32 $0x1, s1;
	[smem:$0x7FF] =	sst s4;
	s23 =	smul.u32 $0x6C00, s9  }
0x7: {  	s8 =	sadd.s32 $0x2400, s2;
	s26 =	smul.u32 $0x4E400, s9;
	s5 =	sshll.u32 s1, $0x4  }
0x8: {  	_ =	strace $0x8000004A;
	[dreg:$0x9] =	wrdreg s8;
	s21 =	ssub.s32 $0x2, s1  }
0x9: {  	s1 =	smul.u32 $0x6C000, s1;
	s6 =	sor.u32 s9, s5;
	s5 =	sadd.s32 $0x53C00, s2  }
0xa: {  	s22 =	sshrl.u32 s21, $0x1;
	s14 =	sshrl.u32 s26, $0x2;
	s7 =	smul.u32 $0x2780, s6  }
0xb: {  	s9 =	sshll.u32 s9, $0x6;
	s6 =	smul.u32 $0x6C00, s6;
	s1 =	sadd.s32 s23, s1  }
0xc: {  	s15 =	sadd.s32 $0xB00, s1;
	s17 =	sadd.s32 $0xA00, s1;
	s19 =	sadd.s32 $0x900, s1  }
0xd: {  	s2 =	sadd.s32 s7, s2;
	s6 =	sshrl.u32 s6, $0x3;
	s7 =	ssub.s32 s21, s22  }
0xe: {  	s16 =	sshrl.u32 s15, $0x3;
	s8 =	sshrl.u32 s17, $0x3;
	s20 =	sshrl.u32 s19, $0x3  }
0xf: {  	s21 =	sadd.s32 $0x800, s1;
	s22 =	sadd.s32 $0x700, s1;
	s1 =	sadd.s32 $0x600, s1  }
0x10: {  	s19 =	simm.s32 $0x200;
	s17 =	simm.s32 $0x80;
	s15 =	simm.s32 $0x5  }
0x11: {  	s10 =	sadd.s32 s5, s6;
	s6 =	sadd.s32 s14, s3;
	[dreg:$0x14] =	wrdreg s1  }
0x12: {  	s18 =	sadd.s32 s8, s5;
	s8 =	sshrl.u32 s21, $0x3;
	[dreg:$0xa] =	wrdreg s10  }
0x13: {  	s2 =	sadd.s32 $0x4C00, s2;
	s26 =	smax.u32 s7, $0x1;
	[dreg:$0x10] =	wrdreg s6  }
0x14: {  	s21 =	simm.s32 $0x400;
	s1 =	simm.s32 $0x3;
	[dreg:$0x5] =	wrdreg s18  }
0x15: {  	s7 =	simm.s32 $0xC;
	s14 =	simm.s32 $0x6;
	[dreg:$0x12] =	wrdreg s2  }
0x16: {  	s24 =	sadd.s32 $0x20, s10;
	s25 =	sadd.s32 $0x40, s10;
	[dreg:$0x13] =	wrdreg s26  }
0x17: {  	s11 =	sadd.s32 $0x60, s10;
	s12 =	sadd.s32 $0x80, s10;
	[dreg:$0xb] =	wrdreg s24  }
0x18: {  	s13 =	sadd.s32 $0xA0, s10;
	s6 =	sadd.s32 s16, s5;
	[dreg:$0xc] =	wrdreg s25  }
0x19: {  	s23 =	sadd.s32 s8, s5;
	s18 =	simm.s32 $0x100;
	[dreg:$0xd] =	wrdreg s11  }
0x1a: {  	s16 =	simm.s32 $0xD;
	s26 =	simm.s32 $0x600;
	[dreg:$0xe] =	wrdreg s12  }
0x1b: {  	s2 =	simm.s32 $0x6600;
	s10 =	simm.s32 $0x4;
	[dreg:$0xf] =	wrdreg s13  }
0x1c: {  	[dreg:$0x4] =	wrdreg s6;
	s6 =	sadd.s32 s20, s5;
	s24 =	sshrl.u32 s22, $0x3  }
0x1d: {  	s12 =	sor.u32 $0x1C0D, s9;
	[dreg:$0x7] =	wrdreg s23;
	s20 =	simm.s32 $0x300  }
0x1e: {  	s22 =	simm.s32 $0x500;
	s9 =	simm.s32 $0xA;
	s11 =	simm.s32 $0x9  }
0x1f: {  	s13 =	simm.s32 $0xB;
	s23 =	simm.s32 $0x580;
	[dreg:$0x6] =	wrdreg s6  }
0x20: {  	s25 =	sadd.s32 s24, s5;
	s24 =	simm.s32 $0x1;
	[dreg:$0x11] =	wrdreg s12  }
0x21: {  	s6 =	simm.s32 $0x8;
	[dreg:$0x8] =	wrdreg s25;
	s25 =	simm.s32 $0x60  }
.LBB2_1:
0x22: {  	[dreg:$0x15] =	wrdreg s31  }
0x23: {  	s8 =	rddreg [dreg:$0xa]  }
0x24: {  	[tilespmem:s4], [sflag:$0x1] =	stream.linear.gather [hbm4b:s8+s4], $0x100, $0x38;
	[tilespmem:$0x1CF00] =	vst v63  }
0x25: {  	s8 =	rddreg [dreg:$0xb]  }
0x26: {  	[tilespmem:s18], [sflag:$0x2] =	stream.linear.gather [hbm4b:s8+s4], $0x100, $0x38;
	[tilespmem:$0x1CF00] =	vst v63  }
0x27: {  	s8 =	rddreg [dreg:$0xc]  }
0x28: {  	[tilespmem:s19], [sflag:$0x3] =	stream.linear.gather [hbm4b:s8+s4], $0x100, $0x38;
	[tilespmem:$0x1CF00] =	vst v63  }
0x29: {  	s8 =	rddreg [dreg:$0xd]  }
0x2a: {  	[tilespmem:s20], [sflag:$0x4] =	stream.linear.gather [hbm4b:s8+s4], $0x100, $0x38;
	[tilespmem:$0x1CF00] =	vst v63  }
0x2b: {  	s8 =	rddreg [dreg:$0xe]  }
0x2c: {  	[tilespmem:s21], [sflag:$0x5] =	stream.linear.gather [hbm4b:s8+s4], $0x100, $0x38;
	[tilespmem:$0x1CF00] =	vst v63  }
0x2d: {  	s8 =	rddreg [dreg:$0xf]  }
0x2e: {  	[tilespmem:s22], [sflag:$0x6] =	stream.linear.gather [hbm4b:s8+s4], $0x100, $0x38;
	[tilespmem:$0x1CF00] =	vst v63  }
0x2f: {  	s8 =	rddreg [dreg:$0x10]  }
0x30: {  	s31 =	sshrl.u32 s8, $0x3;
	s8 =	rddreg [dreg:$0x9]  }
0x31: {  	[dreg:$0x16] =	wrdreg s31  }
0x32: {  	[spmem:s31], [sflag:s12] =	dma.local [hbm:s8], $0x2720  }
0x33: {  	_ =	swait.ge [sflag:s16], $0x2720  }
0x34: {  	[sflag:s16] =	ssyncset.done $0x0  }
0x35: {  	[sflag:s16] =	ssyncadd.s32 $0xFFFFD8E0  }
0x36: {  	[bflag:$0x0] =	sbarrier.arrive $0xFFFF  }
0x37: {  	_ =	swait.ge [sflag:s24], $0x100  }
0x38: {  	[sflag:s24] =	ssyncset.done $0x0  }
0x39: {  	[sflag:s24] =	ssyncadd.s32 $0xFFFFFF00  }
0x3a: {  	[tilespmem:s26], [sflag:$0x7] =	stream.indirect.gather [hbm4b:s0+s25], $0x80, s4, s25, $0xb8;
	[tilespmem:$0x1CF00] =	vst v63  }
0x3b: {  	_ =	swait.ge [sflag:s28], $0x100  }
0x3c: {  	[sflag:s28] =	ssyncset.done $0x0  }
0x3d: {  	[sflag:s28] =	ssyncadd.s32 $0xFFFFFF00  }
0x3e: {  	[tilespmem:s29], [sflag:$0x8] =	stream.indirect.gather [hbm4b:s0+s25], $0x80, s18, s25, $0xb8;
	[tilespmem:$0x1CF00] =	vst v63  }
0x3f: {  	_ =	swait.ge [sflag:s30], $0x3000  }
0x40: {  	[sflag:s30] =	ssyncset.done $0x0  }
0x41: {  	[sflag:s30] =	ssyncadd.s32 $0xFFFFD000  }
0x42: {  	[spmem:s3] =	stream.indirect.scatter.add.f32 [tilespmem:s26], [sflag:$0xA], $0x80, s17, s25, $0xb8;
	[tilespmem:$0x1CF00] =	vst v63  }
0x43: {  	_ =	swait.ge [sflag:s1], $0x100  }
0x44: {  	[sflag:s1] =	ssyncset.done $0x0  }
0x45: {  	[sflag:s1] =	ssyncadd.s32 $0xFFFFFF00  }
0x46: {  	[tilespmem:s2], [sflag:$0x9] =	stream.indirect.gather [hbm4b:s0+s25], $0x80, s19, s25, $0xb8;
	[tilespmem:$0x1CF00] =	vst v63  }
0x47: {  	_ =	swait.ge [sflag:s6], $0x3000  }
0x48: {  	[sflag:s6] =	ssyncset.done $0x0  }
0x49: {  	s16 =	simm.s32 $0x180;
	[sflag:s6] =	ssyncadd.s32 $0xFFFFD000  }
0x4a: {  	[spmem:s3] =	stream.indirect.scatter.add.f32 [tilespmem:s29], [sflag:$0xB], $0x80, s16, s25, $0xb8;
	[tilespmem:$0x1CF00] =	vst v63  }
0x4b: {  	_ =	swait.ge [sflag:s9], $0x3000  }
0x4c: {  	[sflag:s9] =	ssyncset.done $0x0  }
0x4d: {  	[sflag:s9] =	ssyncadd.s32 $0xFFFFD000  }
0x4e: {  	_ =	swait.ge [sflag:s10], $0x100  }
0x4f: {  	[sflag:s10] =	ssyncset.done $0x0;
	s16 =	rddreg [dreg:$0x14]  }
0x50: {  	[sflag:s10] =	ssyncadd.s32 $0xFFFFFF00;
	s12 =	sshrl.u32 s16, $0x3  }
0x51: {  	[tilespmem:s26], [sflag:$0x7] =	stream.indirect.gather [hbm4b:s0+s25], $0x80, s20, s25, $0xb8;
	[tilespmem:$0x1CF00] =	vst v63  }
0x52: {  	s8 =	sadd.s32 s5, s12  }
0x53: {  	[tilespmem:s4], [sflag:$0x1] =	stream.linear.gather [hbm4b:s8+s4], $0x100, $0x38;
	[tilespmem:$0x1CF00] =	vst v63  }
0x54: {  	_ =	swait.ge [sflag:s11], $0x3000  }
0x55: {  	[sflag:s11] =	ssyncset.done $0x0  }
0x56: {  	s12 =	simm.s32 $0x280;
	[sflag:s11] =	ssyncadd.s32 $0xFFFFD000  }
0x57: {  	[spmem:s3] =	stream.indirect.scatter.add.f32 [tilespmem:s2], [sflag:$0xC], $0x80, s12, s25, $0xb8;
	[tilespmem:$0x1CF00] =	vst v63  }
0x58: {  	_ =	swait.ge [sflag:s13], $0x3000  }
0x59: {  	[sflag:s13] =	ssyncset.done $0x0  }
0x5a: {  	[sflag:s13] =	ssyncadd.s32 $0xFFFFD000  }
0x5b: {  	_ =	swait.ge [sflag:s15], $0x100  }
0x5c: {  	[sflag:s15] =	ssyncset.done $0x0  }
0x5d: {  	s12 =	rddreg [dreg:$0x8];
	[sflag:s15] =	ssyncadd.s32 $0xFFFFFF00  }
0x5e: {  	[tilespmem:s29], [sflag:$0x8] =	stream.indirect.gather [hbm4b:s0+s25], $0x80, s21, s25, $0xb8;
	[tilespmem:$0x1CF00] =	vst v63  }
0x5f: {  	s8 =	sadd.s32 $0x0, s12  }
0x60: {  	[tilespmem:s18], [sflag:$0x2] =	stream.linear.gather [hbm4b:s8+s4], $0x100, $0x38;
	[tilespmem:$0x1CF00] =	vst v63  }
0x61: {  	_ =	swait.ge [sflag:s30], $0x3000  }
0x62: {  	[sflag:s30] =	ssyncset.done $0x0  }
0x63: {  	s12 =	simm.s32 $0x380;
	[sflag:s30] =	ssyncadd.s32 $0xFFFFD000  }
0x64: {  	[spmem:s3] =	stream.indirect.scatter.add.f32 [tilespmem:s26], [sflag:$0xA], $0x80, s12, s25, $0xb8;
	[tilespmem:$0x1CF00] =	vst v63  }
0x65: {  	_ =	swait.ge [sflag:s7], $0x3000  }
0x66: {  	[sflag:s7] =	ssyncset.done $0x0  }
0x67: {  	[sflag:s7] =	ssyncadd.s32 $0xFFFFD000  }
0x68: {  	_ =	swait.ge [sflag:s14], $0x100  }
0x69: {  	[sflag:s14] =	ssyncset.done $0x0  }
0x6a: {  	s12 =	rddreg [dreg:$0x7];
	[sflag:s14] =	ssyncadd.s32 $0xFFFFFF00  }
0x6b: {  	[tilespmem:s2], [sflag:$0x9] =	stream.indirect.gather [hbm4b:s0+s25], $0x80, s22, s25, $0xb8;
	[tilespmem:$0x1CF00] =	vst v63  }
0x6c: {  	s8 =	sadd.s32 $0x0, s12  }
0x6d: {  	[tilespmem:s19], [sflag:$0x3] =	stream.linear.gather [hbm4b:s8+s4], $0x100, $0x38;
	[tilespmem:$0x1CF00] =	vst v63  }
0x6e: {  	_ =	swait.ge [sflag:s6], $0x3000  }
0x6f: {  	[sflag:s6] =	ssyncset.done $0x0  }
0x70: {  	s12 =	simm.s32 $0x480;
	[sflag:s6] =	ssyncadd.s32 $0xFFFFD000  }
0x71: {  	[spmem:s3] =	stream.indirect.scatter.add.f32 [tilespmem:s29], [sflag:$0xB], $0x80, s12, s25, $0xb8;
	[tilespmem:$0x1CF00] =	vst v63  }
0x72: {  	_ =	swait.ge [sflag:s9], $0x3000  }
0x73: {  	[sflag:s9] =	ssyncset.done $0x0  }
0x74: {  	[sflag:s9] =	ssyncadd.s32 $0xFFFFD000  }
0x75: {  	_ =	swait.ge [sflag:s24], $0x100  }
0x76: {  	[sflag:s24] =	ssyncset.done $0x0  }
0x77: {  	s12 =	rddreg [dreg:$0x6];
	[sflag:s24] =	ssyncadd.s32 $0xFFFFFF00  }
0x78: {  	[tilespmem:s26], [sflag:$0x7] =	stream.indirect.gather [hbm4b:s0+s25], $0x80, s4, s25, $0xb8;
	[tilespmem:$0x1CF00] =	vst v63  }
0x79: {  	s8 =	sadd.s32 $0x0, s12  }
0x7a: {  	[tilespmem:s20], [sflag:$0x4] =	stream.linear.gather [hbm4b:s8+s4], $0x100, $0x38;
	[tilespmem:$0x1CF00] =	vst v63  }
0x7b: {  	_ =	swait.ge [sflag:s11], $0x3000  }
0x7c: {  	[sflag:s11] =	ssyncset.done $0x0  }
0x7d: {  	[sflag:s11] =	ssyncadd.s32 $0xFFFFD000  }
0x7e: {  	[spmem:s3] =	stream.indirect.scatter.add.f32 [tilespmem:s2], [sflag:$0xC], $0x80, s23, s25, $0xb8;
	[tilespmem:$0x1CF00] =	vst v63  }
0x7f: {  	_ =	swait.ge [sflag:s13], $0x3000  }
0x80: {  	[sflag:s13] =	ssyncset.done $0x0  }
0x81: {  	[sflag:s13] =	ssyncadd.s32 $0xFFFFD000  }
0x82: {  	_ =	swait.ge [sflag:s28], $0x100  }
0x83: {  	[sflag:s28] =	ssyncset.done $0x0  }
0x84: {  	s12 =	rddreg [dreg:$0x5];
	[sflag:s28] =	ssyncadd.s32 $0xFFFFFF00  }
0x85: {  	[tilespmem:s29], [sflag:$0x8] =	stream.indirect.gather [hbm4b:s0+s25], $0x80, s18, s25, $0xb8;
	[tilespmem:$0x1CF00] =	vst v63  }
0x86: {  	s8 =	sadd.s32 $0x0, s12  }
0x87: {  	[tilespmem:s21], [sflag:$0x5] =	stream.linear.gather [hbm4b:s8+s4], $0x100, $0x38;
	[tilespmem:$0x1CF00] =	vst v63  }
0x88: {  	_ =	swait.ge [sflag:s30], $0x3000  }
0x89: {  	[sflag:s30] =	ssyncset.done $0x0  }
0x8a: {  	[sflag:s30] =	ssyncadd.s32 $0xFFFFD000  }
0x8b: {  	[spmem:s3] =	stream.indirect.scatter.add.f32 [tilespmem:s26], [sflag:$0xA], $0x80, s17, s25, $0xb8;
	[tilespmem:$0x1CF00] =	vst v63  }
0x8c: {  	_ =	swait.ge [sflag:s7], $0x3000  }
0x8d: {  	[sflag:s7] =	ssyncset.done $0x0  }
0x8e: {  	[sflag:s7] =	ssyncadd.s32 $0xFFFFD000  }
0x8f: {  	s31 =	simm.s32 $0xC0;
	_ =	swait.ge [sflag:s1], $0x100  }
0x90: {  	s8 =	sadd.s32 $0x600, s16;
	[sflag:s1] =	ssyncset.done $0x0;
	s12 =	rddreg [dreg:$0x4]  }
0x91: {  	s17 =	simm.s32 $0x80;
	[sflag:s1] =	ssyncadd.s32 $0xFFFFFF00;
	s12 =	sadd.s32 $0x0, s12  }
0x92: {  	[tilespmem:s2], [sflag:$0x9] =	stream.indirect.gather [hbm4b:s0+s25], $0x80, s19, s25, $0xb8;
	[tilespmem:$0x1CF00] =	vst v63  }
.LBB2_2:
0x93: {  	[tilespmem:s22], [sflag:$0x6] =	stream.linear.gather [hbm4b:s12+s4], $0x100, $0x38;
	[tilespmem:$0x1CF00] =	vst v63  }
0x94: {  	_ =	swait.ge [sflag:s6], $0x3000  }
0x95: {  	[sflag:s6] =	ssyncset.done $0x0  }
0x96: {  	s16 =	simm.s32 $0x180;
	[sflag:s6] =	ssyncadd.s32 $0xFFFFD000  }
0x97: {  	[spmem:s3] =	stream.indirect.scatter.add.f32 [tilespmem:s29], [sflag:$0xB], $0x80, s16, s25, $0xb8;
	[tilespmem:$0x1CF00] =	vst v63  }
0x98: {  	_ =	swait.ge [sflag:s9], $0x3000  }
0x99: {  	[sflag:s9] =	ssyncset.done $0x0  }
0x9a: {  	[sflag:s9] =	ssyncadd.s32 $0xFFFFD000  }
0x9b: {  	_ =	swait.ge [sflag:s10], $0x100  }
0x9c: {  	[sflag:s10] =	ssyncset.done $0x0  }
0x9d: {  	s16 =	sshrl.u32 s8, $0x3;
	[sflag:s10] =	ssyncadd.s32 $0xFFFFFF00  }
0x9e: {  	[tilespmem:s26], [sflag:$0x7] =	stream.indirect.gather [hbm4b:s0+s25], $0x80, s20, s25, $0xb8;
	[tilespmem:$0x1CF00] =	vst v63  }
0x9f: {  	s16 =	sadd.s32 s5, s16  }
0xa0: {  	[tilespmem:s4], [sflag:$0x1] =	stream.linear.gather [hbm4b:s16+s4], $0x100, $0x38;
	[tilespmem:$0x1CF00] =	vst v63  }
0xa1: {  	_ =	swait.ge [sflag:s11], $0x3000  }
0xa2: {  	[sflag:s11] =	ssyncset.done $0x0  }
0xa3: {  	s16 =	simm.s32 $0x280;
	[sflag:s11] =	ssyncadd.s32 $0xFFFFD000  }
0xa4: {  	[spmem:s3] =	stream.indirect.scatter.add.f32 [tilespmem:s2], [sflag:$0xC], $0x80, s16, s25, $0xb8;
	[tilespmem:$0x1CF00] =	vst v63  }
0xa5: {  	_ =	swait.ge [sflag:s13], $0x3000  }
0xa6: {  	[sflag:s13] =	ssyncset.done $0x0  }
0xa7: {  	[sflag:s13] =	ssyncadd.s32 $0xFFFFD000  }
0xa8: {  	_ =	swait.ge [sflag:s15], $0x100  }
0xa9: {  	[sflag:s15] =	ssyncset.done $0x0  }
0xaa: {  	s12 =	smov.u32 s31;
	s16 =	rddreg [dreg:$0x8];
	[sflag:s15] =	ssyncadd.s32 $0xFFFFFF00  }
0xab: {  	[tilespmem:s29], [sflag:$0x8] =	stream.indirect.gather [hbm4b:s0+s25], $0x80, s21, s25, $0xb8;
	[tilespmem:$0x1CF00] =	vst v63  }
0xac: {  	s16 =	sadd.s32 s12, s16  }
0xad: {  	[tilespmem:s18], [sflag:$0x2] =	stream.linear.gather [hbm4b:s16+s4], $0x100, $0x38;
	[tilespmem:$0x1CF00] =	vst v63  }
0xae: {  	_ =	swait.ge [sflag:s30], $0x3000  }
0xaf: {  	[sflag:s30] =	ssyncset.done $0x0  }
0xb0: {  	s16 =	simm.s32 $0x380;
	[sflag:s30] =	ssyncadd.s32 $0xFFFFD000  }
0xb1: {  	[spmem:s3] =	stream.indirect.scatter.add.f32 [tilespmem:s26], [sflag:$0xA], $0x80, s16, s25, $0xb8;
	[tilespmem:$0x1CF00] =	vst v63  }
0xb2: {  	_ =	swait.ge [sflag:s7], $0x3000  }
0xb3: {  	[sflag:s7] =	ssyncset.done $0x0  }
0xb4: {  	[sflag:s7] =	ssyncadd.s32 $0xFFFFD000  }
0xb5: {  	_ =	swait.ge [sflag:s14], $0x100  }
0xb6: {  	[sflag:s14] =	ssyncset.done $0x0  }
0xb7: {  	s16 =	rddreg [dreg:$0x7];
	[sflag:s14] =	ssyncadd.s32 $0xFFFFFF00  }
0xb8: {  	[tilespmem:s2], [sflag:$0x9] =	stream.indirect.gather [hbm4b:s0+s25], $0x80, s22, s25, $0xb8;
	[tilespmem:$0x1CF00] =	vst v63  }
0xb9: {  	s16 =	sadd.s32 s12, s16  }
0xba: {  	[tilespmem:s19], [sflag:$0x3] =	stream.linear.gather [hbm4b:s16+s4], $0x100, $0x38;
	[tilespmem:$0x1CF00] =	vst v63  }
0xbb: {  	_ =	swait.ge [sflag:s6], $0x3000  }
0xbc: {  	[sflag:s6] =	ssyncset.done $0x0  }
0xbd: {  	s16 =	simm.s32 $0x480;
	[sflag:s6] =	ssyncadd.s32 $0xFFFFD000  }
0xbe: {  	[spmem:s3] =	stream.indirect.scatter.add.f32 [tilespmem:s29], [sflag:$0xB], $0x80, s16, s25, $0xb8;
	[tilespmem:$0x1CF00] =	vst v63  }
0xbf: {  	_ =	swait.ge [sflag:s9], $0x3000  }
0xc0: {  	[sflag:s9] =	ssyncset.done $0x0  }
0xc1: {  	[sflag:s9] =	ssyncadd.s32 $0xFFFFD000  }
0xc2: {  	_ =	swait.ge [sflag:s24], $0x100  }
0xc3: {  	[sflag:s24] =	ssyncset.done $0x0  }
0xc4: {  	s16 =	rddreg [dreg:$0x6];
	[sflag:s24] =	ssyncadd.s32 $0xFFFFFF00  }
0xc5: {  	[tilespmem:s26], [sflag:$0x7] =	stream.indirect.gather [hbm4b:s0+s25], $0x80, s4, s25, $0xb8;
	[tilespmem:$0x1CF00] =	vst v63  }
0xc6: {  	s16 =	sadd.s32 s12, s16  }
0xc7: {  	[tilespmem:s20], [sflag:$0x4] =	stream.linear.gather [hbm4b:s16+s4], $0x100, $0x38;
	[tilespmem:$0x1CF00] =	vst v63  }
0xc8: {  	_ =	swait.ge [sflag:s11], $0x3000  }
0xc9: {  	[sflag:s11] =	ssyncset.done $0x0  }
0xca: {  	[sflag:s11] =	ssyncadd.s32 $0xFFFFD000  }
0xcb: {  	[spmem:s3] =	stream.indirect.scatter.add.f32 [tilespmem:s2], [sflag:$0xC], $0x80, s23, s25, $0xb8;
	[tilespmem:$0x1CF00] =	vst v63  }
0xcc: {  	_ =	swait.ge [sflag:s13], $0x3000  }
0xcd: {  	[sflag:s13] =	ssyncset.done $0x0  }
0xce: {  	[sflag:s13] =	ssyncadd.s32 $0xFFFFD000  }
0xcf: {  	_ =	swait.ge [sflag:s28], $0x100  }
0xd0: {  	[sflag:s28] =	ssyncset.done $0x0  }
0xd1: {  	s16 =	rddreg [dreg:$0x5];
	[sflag:s28] =	ssyncadd.s32 $0xFFFFFF00  }
0xd2: {  	[tilespmem:s29], [sflag:$0x8] =	stream.indirect.gather [hbm4b:s0+s25], $0x80, s18, s25, $0xb8;
	[tilespmem:$0x1CF00] =	vst v63  }
0xd3: {  	s16 =	sadd.s32 s12, s16  }
0xd4: {  	[tilespmem:s21], [sflag:$0x5] =	stream.linear.gather [hbm4b:s16+s4], $0x100, $0x38;
	[tilespmem:$0x1CF00] =	vst v63  }
0xd5: {  	_ =	swait.ge [sflag:s30], $0x3000  }
0xd6: {  	[sflag:s30] =	ssyncset.done $0x0  }
0xd7: {  	[sflag:s30] =	ssyncadd.s32 $0xFFFFD000  }
0xd8: {  	[spmem:s3] =	stream.indirect.scatter.add.f32 [tilespmem:s26], [sflag:$0xA], $0x80, s17, s25, $0xb8;
	[tilespmem:$0x1CF00] =	vst v63  }
0xd9: {  	_ =	swait.ge [sflag:s7], $0x3000  }
0xda: {  	p0 =	sne.s32 s31, $0xC00;
	[sflag:s7] =	ssyncset.done $0x0  }
.Ltmp0:
0xdb: {  	[sflag:s7] =	ssyncadd.s32 $0xFFFFD000;
	(pc) =	sbr.rel @p0 .LBB2_2-.Ltmp0, $4  }
0xdc: {  	_ =	swait.ge [sflag:s1], $0x100  }
0xdd: {  	s31 =	sadd.s32 $0xC0, s31;
	[sflag:s1] =	ssyncset.done $0x0;
	s16 =	rddreg [dreg:$0x4]  }
0xde: {  	s8 =	sadd.s32 $0x600, s8;
	[sflag:s1] =	ssyncadd.s32 $0xFFFFFF00;
	s12 =	sadd.s32 s12, s16  }
0xdf: {  	[tilespmem:s2], [sflag:$0x9] =	stream.indirect.gather [hbm4b:s0+s25], $0x80, s19, s25, $0xb8;
	[tilespmem:$0x1CF00] =	vst v63  }
0xe0: {  	[tilespmem:s22], [sflag:$0x6] =	stream.linear.gather [hbm4b:s12+s4], $0x100, $0x38;
	[tilespmem:$0x1CF00] =	vst v63  }
0xe1: {  	_ =	swait.ge [sflag:s6], $0x3000  }
0xe2: {  	[sflag:s6] =	ssyncset.done $0x0  }
0xe3: {  	s8 =	simm.s32 $0x180;
	[sflag:s6] =	ssyncadd.s32 $0xFFFFD000  }
0xe4: {  	[spmem:s3] =	stream.indirect.scatter.add.f32 [tilespmem:s29], [sflag:$0xB], $0x80, s8, s25, $0xb8;
	[tilespmem:$0x1CF00] =	vst v63  }
0xe5: {  	_ =	swait.ge [sflag:s9], $0x3000  }
0xe6: {  	[sflag:s9] =	ssyncset.done $0x0  }
0xe7: {  	[sflag:s9] =	ssyncadd.s32 $0xFFFFD000  }
0xe8: {  	_ =	swait.ge [sflag:s10], $0x100  }
0xe9: {  	[sflag:s10] =	ssyncset.done $0x0  }
0xea: {  	[sflag:s10] =	ssyncadd.s32 $0xFFFFFF00  }
0xeb: {  	[tilespmem:s26], [sflag:$0x7] =	stream.indirect.gather [hbm4b:s0+s25], $0x80, s20, s25, $0xb8;
	[tilespmem:$0x1CF00] =	vst v63  }
0xec: {  	_ =	swait.ge [sflag:s11], $0x3000  }
0xed: {  	[sflag:s11] =	ssyncset.done $0x0  }
0xee: {  	s17 =	simm.s32 $0x280;
	[sflag:s11] =	ssyncadd.s32 $0xFFFFD000  }
0xef: {  	[spmem:s3] =	stream.indirect.scatter.add.f32 [tilespmem:s2], [sflag:$0xC], $0x80, s17, s25, $0xb8;
	[tilespmem:$0x1CF00] =	vst v63  }
0xf0: {  	_ =	swait.ge [sflag:s13], $0x3000  }
0xf1: {  	[sflag:s13] =	ssyncset.done $0x0  }
0xf2: {  	[sflag:s13] =	ssyncadd.s32 $0xFFFFD000  }
0xf3: {  	_ =	swait.ge [sflag:s15], $0x100  }
0xf4: {  	[sflag:s15] =	ssyncset.done $0x0  }
0xf5: {  	[sflag:s15] =	ssyncadd.s32 $0xFFFFFF00  }
0xf6: {  	[tilespmem:s29], [sflag:$0x8] =	stream.indirect.gather [hbm4b:s0+s25], $0x80, s21, s25, $0xb8;
	[tilespmem:$0x1CF00] =	vst v63  }
0xf7: {  	_ =	swait.ge [sflag:s30], $0x3000  }
0xf8: {  	[sflag:s30] =	ssyncset.done $0x0  }
0xf9: {  	s12 =	simm.s32 $0x380;
	[sflag:s30] =	ssyncadd.s32 $0xFFFFD000  }
0xfa: {  	[spmem:s3] =	stream.indirect.scatter.add.f32 [tilespmem:s26], [sflag:$0xA], $0x80, s12, s25, $0xb8;
	[tilespmem:$0x1CF00] =	vst v63  }
0xfb: {  	_ =	swait.ge [sflag:s7], $0x3000  }
0xfc: {  	[sflag:s7] =	ssyncset.done $0x0  }
0xfd: {  	[sflag:s7] =	ssyncadd.s32 $0xFFFFD000  }
0xfe: {  	_ =	swait.ge [sflag:s14], $0x100  }
0xff: {  	[sflag:s14] =	ssyncset.done $0x0  }
0x100: {  	[sflag:s14] =	ssyncadd.s32 $0xFFFFFF00  }
0x101: {  	[tilespmem:s2], [sflag:$0x9] =	stream.indirect.gather [hbm4b:s0+s25], $0x80, s22, s25, $0xb8;
	[tilespmem:$0x1CF00] =	vst v63  }
0x102: {  	_ =	swait.ge [sflag:s6], $0x3000  }
0x103: {  	[sflag:s6] =	ssyncset.done $0x0  }
0x104: {  	s16 =	simm.s32 $0x480;
	[sflag:s6] =	ssyncadd.s32 $0xFFFFD000  }
0x105: {  	[spmem:s3] =	stream.indirect.scatter.add.f32 [tilespmem:s29], [sflag:$0xB], $0x80, s16, s25, $0xb8;
	[tilespmem:$0x1CF00] =	vst v63  }
0x106: {  	_ =	swait.ge [sflag:s9], $0x3000  }
0x107: {  	[sflag:s9] =	ssyncset.done $0x0  }
0x108: {  	[sflag:s9] =	ssyncadd.s32 $0xFFFFD000  }
0x109: {  	[tilespmem:s26], [sflag:$0x7] =	stream.indirect.gather [hbm4b:s0+s25], $0x80, s4, s25, $0xb8;
	[tilespmem:$0x1CF00] =	vst v63  }
0x10a: {  	_ =	swait.ge [sflag:s11], $0x3000  }
0x10b: {  	[sflag:s11] =	ssyncset.done $0x0  }
0x10c: {  	[sflag:s11] =	ssyncadd.s32 $0xFFFFD000  }
0x10d: {  	[spmem:s3] =	stream.indirect.scatter.add.f32 [tilespmem:s2], [sflag:$0xC], $0x80, s23, s25, $0xb8;
	[tilespmem:$0x1CF00] =	vst v63  }
0x10e: {  	_ =	swait.ge [sflag:s13], $0x3000  }
0x10f: {  	[sflag:s13] =	ssyncset.done $0x0  }
0x110: {  	[sflag:s13] =	ssyncadd.s32 $0xFFFFD000  }
0x111: {  	[tilespmem:s29], [sflag:$0x8] =	stream.indirect.gather [hbm4b:s0+s25], $0x80, s18, s25, $0xb8;
	[tilespmem:$0x1CF00] =	vst v63  }
0x112: {  	_ =	swait.ge [sflag:s30], $0x3000  }
0x113: {  	[sflag:s30] =	ssyncset.done $0x0  }
0x114: {  	[sflag:s30] =	ssyncadd.s32 $0xFFFFD000  }
0x115: {  	_ =	swait.ge [sflag:s6], $0x3000  }
0x116: {  	[sflag:s6] =	ssyncset.done $0x0  }
0x117: {  	[sflag:s6] =	ssyncadd.s32 $0xFFFFD000  }
0x118: {  	_ =	swait.ge [sflag:s7], $0x3000  }
0x119: {  	[sflag:s7] =	ssyncset.done $0x0  }
0x11a: {  	[sflag:s7] =	ssyncadd.s32 $0xFFFFD000  }
0x11b: {  	[bflag:$0x0] =	sbarrier.arrive $0xFFFF  }
0x11c: {  	s12 =	rddreg [dreg:$0x11]  }
0x11d: {  	s17 =	rddreg [dreg:$0x12]  }
0x11e: {  	s16 =	rddreg [dreg:$0x16]  }
0x11f: {  	[hbm:s17], [sflag:s12] =	dma.local [spmem:s16], $0x2720  }
0x120: {  	s16 =	simm.s32 $0xD  }
0x121: {  	_ =	swait.ge [sflag:s16], $0x2720  }
0x122: {  	s31 =	rddreg [dreg:$0x15]  }
0x123: {  	s17 =	rddreg [dreg:$0x13];
	s31 =	sadd.s32 $0x1, s31  }
0x124: {  	p0 =	sne.s32 s31, s17  }
.Ltmp1:
0x125: {  	_ = 	snop;
	(pc) =	sbr.rel @p0 .LBB2_1-.Ltmp1, $3  }
0x126: {  	_ =	sdelay $0x1  }
0x127: {  	[sflag:s16] =	ssyncset.done $0x0  }
0x128: {  	[sflag:s16] =	ssyncadd.s32 $0xFFFFD8E0;
	s17 =	simm.s32 $0x80  }
0x129: {  	_ =	sfence.sel $0x180000  }
0x12a: {  	[bflag:$0x0] =	sbarrier.arrive $0xFFFF  }
0x12b: {  	_ =	strace $0x9000004A  }
0x12c: {  	s0 =	stileid.u32;
	[bflag:$0x2] =	sbarrier.arrive $0xFFFF  }
0x12d: {  	p0 =	sne.s32 s0, $0x0;
	s0 =	rddreg [dreg:$0x3]  }
0x12e: {  	s0 =	sadd.s32 @!p0 $0x100000, s0  }
0x12f: {  	[sflag:s0] =	ssyncadd.tile.s32 @!p0 $0x1;
	_ =	shalt  }
.Lfunc_end2:
_tile_overlayer_lowered:
.L_overlay_start_2:
0x130: {  	(tag) =	ssettag $0x2  }
0x131: {  	s0 =	rddreg [dreg:$0x0];
	s2 =	stileid.u32  }
0x132: {  	s1 =	rddreg [dreg:$0x1];
	p0 =	sne.s32 s2, $0x0  }
0x133: {  	s3 =	rddreg [dreg:$0x2];
	[bflag:$0x3] =	sbarrier.arrive $0xFFFF;
	s2 =	simm.s32 @!p0 $0x1C0D  }
0x134: {  	[timem:s3], [sflag:s2] =	dma.local @!p0 [hbm:s0], s1  }
0x135: {  	s0 =	simm.s32 @!p0 $0xD  }
0x136: {  	_ =	swait.ge @!p0 [sflag:s0], s1  }
0x137: {  	s1 =	ssub.s32 @!p0 $0x0, s1;
	[sflag:s0] =	ssyncset.done @!p0 $0x0  }
0x138: {  	[sflag:s0] =	ssyncadd.s32 @!p0 s1  }
0x139: {  	[bflag:$0x3] =	sbarrier.arrive $0xFFFF  }
0x13a: {  	_ =	shalt  }

// kernel: kernel.14.cloned.1.call-start
scs
__scs_entry_jumppad:
0x0: {  	(pc) =	sbr.rel $0x88, $3  }
0x1: {  	(tag) =	ssettag $0x0;
	lr =	simm.s32 $0x1  }
0x2: {  	[smem:$0x3F9B] =	sst lr;
	_ =	strace $0xD0000000  }
0x3: {  	_ = 	snop  }
0x4: {  	_ = 	snop  }
0x5: {  	_ = 	snop  }
0x6: {  	_ = 	snop  }
0x7: {  	_ = 	snop  }
__scs_overlays_trampoline_lowered:
0x8: {  	[smem:$0x3FAA] =	sst s0  }
0x9: {  	[smem:$0x3FAB] =	sst s1  }
0xa: {  	[smem:$0x3FAC] =	sst s2  }
0xb: {  	[smem:$0x3FAD] =	sst s3  }
0xc: {  	[smem:$0x3FAE] =	sst s4  }
0xd: {  	[smem:$0x3FAF] =	sst s5  }
0xe: {  	[smem:$0x3FB0] =	sst s6  }
0xf: {  	[smem:$0x3FB1] =	sst s7  }
0x10: {  	[smem:$0x3FB2] =	sst s8  }
0x11: {  	[smem:$0x3FB3] =	sst s9;
	s0 =	simm.s32 @!p0 $0x0  }
0x12: {  	s1 =	sld [smem:$0x3F99];
	s0 =	simm.s32 @p0 $0x1  }
0x13: {  	[smem:$0x3FB4] =	sst s0;
	s0 =	simm.s32 @!p1 $0x0  }
0x14: {  	s2 =	sld [smem:$0x3F98];
	s0 =	simm.s32 @p1 $0x1  }
0x15: {  	[smem:$0x3FB5] =	sst s0;
	s0 =	simm.s32 @!p2 $0x0  }
0x16: {  	s3 =	sld [smem:$0x3FDB];
	s0 =	simm.s32 @p2 $0x1  }
0x17: {  	s4 =	simm.s32 $0x1BF5;
	[smem:$0x3FB7] =	sst s0  }
0x18: {  	s0 =	sld [smem:$0x3F9A];
	_ =	swait.ge [sflag:s4], $0x0  }
0x19: {  	s7 =	sld [smem:$0x3F9B]  }
0x1a: {  	s8 =	sadd.s32 $0xFFFFE003, lr  }
0x1b: {  	s9 =	sadd.s32 $0xFFFFFEF7, lr;
	s5 =	simm.s32 $0xFFFFFFFF;
	p2 =	slt.u32 s8, $0xFFFFF086  }
0x1c: {  	p1 =	slt.u32 s9, $0xF7A;
	s5 =	simm.s32 @!p2 $0x0  }
0x1d: {  	s5 =	simm.s32 @p1 $0x1;
	p0 =	seq.s32 s7, s2  }
0x1e: {  	s7 =	smul.u32 @!p0 $0xF7A, s2;
	p2 =	seq.s32 @!p0 s5, $0x0  }
0x1f: {  	s9 =	smul.u32 $0xF7A, s1;
	s8 =	simm.s32 @!p0 $0x1BF5;
	p2 =	por !p2, p0  }
0x20: {  	[sflag:s8] =	ssyncset.s32 @!p0 $0xFFFFF086;
	s6 =	sadd.s32 @!p0 s3, s7;
	s7 =	simm.s32 @!p0 $0x108  }
0x21: {  	s3 =	sadd.s32 s3, s9;
	s6 =	sadd.s32 @!p0 $0x88, s6;
	s7 =	simm.s32 @p2 $0x1082  }
0x22: {  	[simem:s7], [sflag:s8] =	dma.local @!p0 [hbm:s6], $0xF7A  }
0x23: {  	s9 =	sor.u32 $0xD0000000, s2;
	s6 =	simm.s32 $0x108;
	_ =	swait.ge @!p0 [sflag:s8], $0x0  }
0x24: {  	s3 =	sadd.s32 $0x88, s3;
	s6 =	simm.s32 @!p1 $0x1082;
	[sflag:s4] =	ssyncset.s32 $0xFFFFF086  }
0x25: {  	[simem:s6], [sflag:s4] =	dma.local [hbm:s3], $0xF7A  }
0x26: {  	[smem:$0x3F9B] =	sst s1;
	(tag) =	ssettag s2;
	_ =	strace s9  }
0x27: {  	s1 =	sld [smem:$0x3FAB]  }
0x28: {  	s2 =	sld [smem:$0x3FAC]  }
0x29: {  	s4 =	sld [smem:$0x3FAE]  }
0x2a: {  	p0 =	seq.s32 s5, $0x0;
	s5 =	sld [smem:$0x3FAF]  }
0x2b: {  	s6 =	sld [smem:$0x3FB0]  }
0x2c: {  	s7 =	sld [smem:$0x3FB1]  }
0x2d: {  	s3 =	simm.s32 $0x108;
	s8 =	sld [smem:$0x3FB2]  }
0x2e: {  	s3 =	simm.s32 @!p0 $0x1082;
	s9 =	sld [smem:$0x3FB3]  }
0x2f: {  	lr =	sadd.s32 s0, s3;
	s0 =	sld [smem:$0x3FAA]  }
0x30: {  	s3 =	sld [smem:$0x3FAD]  }
0x31: {  	[smem:$0x3FB6] =	sst s10  }
0x32: {  	s10 =	sld [smem:$0x3FB4];
	_ =	sdelay $0x3  }
0x33: {  	p0 =	seq.s32 s10, $0x1;
	s10 =	sld [smem:$0x3FB6];
	_ =	sdelay $0x3  }
0x34: {  	[smem:$0x3FB6] =	sst s10  }
0x35: {  	s10 =	sld [smem:$0x3FB5];
	_ =	sdelay $0x3  }
0x36: {  	p1 =	seq.s32 s10, $0x1;
	s10 =	sld [smem:$0x3FB6];
	_ =	sdelay $0x3  }
0x37: {  	[smem:$0x3FB6] =	sst s10  }
0x38: {  	s10 =	sld [smem:$0x3FB7]  }
0x39: {  	_ = 	snop;
	(pc) =	sbr.ind lr, $3  }
0x3a: {  	_ = 	snop  }
0x3b: {  	_ = 	snop  }
0x3c: {  	p2 =	seq.s32 s10, $0x1;
	s10 =	sld [smem:$0x3FB6]  }
0x3d: {  	_ =	shalt  }
0x3e: {  	_ =	shalt  }
0x3f: {  	_ =	shalt  }
0x40: {  	_ =	shalt  }
0x41: {  	_ =	shalt  }
0x42: {  	_ =	shalt  }
0x43: {  	_ =	shalt  }
0x44: {  	_ =	shalt  }
0x45: {  	_ =	shalt  }
0x46: {  	_ =	shalt  }
0x47: {  	_ =	shalt  }
0x48: {  	_ =	shalt  }
0x49: {  	_ =	shalt  }
0x4a: {  	_ =	shalt  }
0x4b: {  	_ =	shalt  }
0x4c: {  	_ =	shalt  }
0x4d: {  	_ =	shalt  }
0x4e: {  	_ =	shalt  }
0x4f: {  	_ =	shalt  }
0x50: {  	_ =	shalt  }
0x51: {  	_ =	shalt  }
0x52: {  	_ =	shalt  }
0x53: {  	_ =	shalt  }
0x54: {  	_ =	shalt  }
0x55: {  	_ =	shalt  }
0x56: {  	_ =	shalt  }
0x57: {  	_ =	shalt  }
0x58: {  	_ =	shalt  }
0x59: {  	_ =	shalt  }
0x5a: {  	_ =	shalt  }
0x5b: {  	_ =	shalt  }
0x5c: {  	_ =	shalt  }
0x5d: {  	_ =	shalt  }
0x5e: {  	_ =	shalt  }
0x5f: {  	_ =	shalt  }
0x60: {  	_ =	shalt  }
0x61: {  	_ =	shalt  }
0x62: {  	_ =	shalt  }
0x63: {  	_ =	shalt  }
0x64: {  	_ =	shalt  }
0x65: {  	_ =	shalt  }
0x66: {  	_ =	shalt  }
0x67: {  	_ =	shalt  }
0x68: {  	_ =	shalt  }
0x69: {  	_ =	shalt  }
0x6a: {  	_ =	shalt  }
0x6b: {  	_ =	shalt  }
0x6c: {  	_ =	shalt  }
0x6d: {  	_ =	shalt  }
0x6e: {  	_ =	shalt  }
0x6f: {  	_ =	shalt  }
0x70: {  	_ =	shalt  }
0x71: {  	_ =	shalt  }
0x72: {  	_ =	shalt  }
0x73: {  	_ =	shalt  }
0x74: {  	_ =	shalt  }
0x75: {  	_ =	shalt  }
0x76: {  	_ =	shalt  }
0x77: {  	_ =	shalt  }
0x78: {  	_ =	shalt  }
0x79: {  	_ =	shalt  }
0x7a: {  	_ =	shalt  }
0x7b: {  	_ =	shalt  }
0x7c: {  	_ =	shalt  }
0x7d: {  	_ =	shalt  }
0x7e: {  	_ =	shalt  }
0x7f: {  	_ =	shalt  }
0x80: {  	_ =	shalt  }
0x81: {  	_ =	shalt  }
0x82: {  	_ =	shalt  }
0x83: {  	_ =	shalt  }
0x84: {  	_ =	shalt  }
0x85: {  	_ =	shalt  }
0x86: {  	_ =	shalt  }
0x87: {  	_ =	shalt  }
.Lfunc_end0:
.L_simem_size_0:
called_computation.2_lowered:
.L_overlay_start_0:
0x88: {  	s2 =	sld [smem:$0x3FD9]  }
0x89: {  	s3 =	sld [smem:$0x3FFE];
	_ =	sdelay $0x1  }
0x8a: {  	s1 =	srdreg.scid  }
0x8b: {  	s0 =	sand.u32 $0x1, s1  }
0x8c: {  	s17 =	sshll.u32 s0, $0xA;
	s2 =	sadd.s32 s3, s2  }
0x8d: {  	s2 =	sadd.s32 s2, s17  }
0x8e: {  	[smem:$0x3FC2] =	sst s2  }
0x8f: {  	_ = 	snop  }
0x90: {  	s2 =	sld [smem:$0x3FD0];
	(tm) =	ssettm $0x1  }
0x91: {  	s18 =	sld [smem:$0x3FFB];
	_ =	sdelay $0x3  }
0x92: {  	_ =	strace s18  }
0x93: {  	s3 =	sld [smem:$0x3FFC];
	_ =	sdelay $0x3  }
0x94: {  	_ =	strace s3  }
0x95: {  	s3 =	sld [smem:$0x3FFD];
	_ =	sdelay $0x3  }
0x96: {  	_ =	strace s3  }
0x97: {  	_ =	strace $0x8FFFFFFF  }
0x98: {  	s19 =	sld [smem:$0x3FDB];
	_ =	sdelay $0x1  }
0x99: {  	s4 =	simm.s32 $_scs_section_size  }
0x9a: {  	s5 =	simm.s32 $_size__tile_overlayer_lowered;
	s6 =	simm.s32 $_tile_overlayer_lowered  }
0x9b: {  	s22 =	simm.s32 $0x1BFF;
	s21 =	sshll.u32 s6, $0x1;
	s3 =	sadd.s32 s4, s19  }
0x9c: {  	s7 =	simm.s32 $0x0;
	s20 =	sshll.u32 s5, $0x1;
	s5 =	sadd.s32 s21, s3  }
0x9d: {  	[timem:s7], [sflag:s22] =	dma.local [hbm:s5], s20  }
0x9e: {  	_ =	swait.ge [sflag:s22], s20  }
0x9f: {  	s4 =	ssub.s32 $0x0, s20;
	[sflag:s22] =	ssyncset.done $0x0  }
0xa0: {  	[sflag:s22] =	ssyncadd.s32 s4;
	_ =	sdelay $0x1  }
0xa1: {  	s23 =	simm.s32 $0x1B8B  }
0xa2: {  	_ =	swait.ge [sflag:s23], $0x1  }
0xa3: {  	[sflag:s23] =	ssyncset.done $0x0  }
0xa4: {  	s25 =	simm.s32 $0x1B8E;
	s24 =	sld [smem:$0x3FFE];
	[sflag:s23] =	ssyncadd.s32 $0xFFFFFFFF  }
0xa5: {  	s26 =	simm.s32 $execute0_lowered;
	[smem:$0x3FD2] =	sst s25  }
0xa6: {  	s5 =	sshll.u32 s26, $0x1;
	_ =	strace $0x8000004C;
	[dreg:$0x1] =	wrdreg $0xFFFFFFFF  }
0xa7: {  	s28 =	simm.s32 $_size_execute0_lowered;
	s3 =	sadd.s32 s3, s5;
	[dreg:$0x0] =	wrdreg $0x0  }
0xa8: {  	s5 =	sshll.u32 s28, $0x1;
	[dreg:$0x2] =	wrdreg s3  }
0xa9: {  	[dreg:$0x3] =	wrdreg s5  }
0xaa: {  	[dreg:$0x4] =	wrdreg $0xC0  }
0xab: {  	_ =	task [dreg:s7], $0x5FFFF  }
0xac: {  	[dreg:$0x1] =	wrdreg $0xFFFFFFFF  }
0xad: {  	[dreg:$0x0] =	wrdreg $0x60  }
0xae: {  	[dreg:$0x2] =	wrdreg s2  }
0xaf: {  	[dreg:$0x3] =	wrdreg s24  }
0xb0: {  	[dreg:$0x4] =	wrdreg $0x96000  }
0xb1: {  	[dreg:$0x5] =	wrdreg $0x9  }
0xb2: {  	_ =	task.clear_ibuf [dreg:s7], $0x6FFFF;
	_ =	strace $0x9000004C  }
0xb3: {  	s29 =	simm.s32 $0x9;
	_ =	strace $0x8000004E  }
0xb4: {  	_ =	swait.ge [sflag:s29], $0x1  }
0xb5: {  	[sflag:s29] =	ssyncadd.s32 $0xFFFFFFFF  }
0xb6: {  	_ =	strace $0x9000004E  }
0xb7: {  	_ =	sfence  }
0xb8: {  	s30 =	sld [smem:$0x0];
	_ =	sdelay $0x2  }
0xb9: {  	s31 =	sshll.u32 s1, $0xD;
	s1 =	sshrl.u32 s1, $0x2  }
0xba: {  	s3 =	sand.u32 $0x4000, s31;
	s1 =	sadd.s32 s1, s30  }
0xbb: {  	s0 =	sor.u32 s3, s0;
	s1 =	sshll.u32 s1, $0x11  }
0xbc: {  	s0 =	sor.u32 s1, s0  }
0xbd: {  	s0 =	sadd.s32 $0x8F2B, s0  }
0xbe: {  	[sflag:s0] =	ssyncadd.remote.s32 $0x1  }
0xbf: {  	_ =	sfence.sel $0xFFFF  }
0xc0: {  	[dreg:$0x0] =	wrdreg $0xFFFFFFFF;
	(pc) =	sbr.abs _section_cstart, $3  }
0xc1: {  	[dreg:$0x1] =	wrdreg $0xFFFFFFFF  }
0xc2: {  	_ =	task.clear_ibuf [dreg:s7], $0x2FFFF;
	_ =	strace $0x9FFFFFFF  }
0xc3: {  	(tm) =	ssettm $0x7FFFFFFF  }
tec
execute0_lowered:
.L_overlay_start_1:
0x0: {  	(tag) =	ssettag $0x1  }
0x1: {  	s0 =	rddreg [dreg:$0x0]  }
0x2: {  	s2 =	rddreg [dreg:$0x1]  }
0x3: {  	s1 =	srdreg.scid;
	s3 =	rddreg [dreg:$0x2]  }
0x4: {  	s9 =	stileid.u32;
	s4 =	simm.s32 $0x0;
	s28 =	simm.s32 $0x2  }
0x5: {  	s29 =	simm.s32 $0x3600;
	s30 =	simm.s32 $0x7;
	s31 =	simm.s32 $0x0  }
0x6: {  	s1 =	sand.u32 $0x1, s1;
	[smem:$0x7FF] =	sst s4;
	s23 =	smul.u32 $0x6C00, s9  }
0x7: {  	s8 =	sadd.s32 $0x2400, s2;
	s26 =	smul.u32 $0x4E400, s9;
	s5 =	sshll.u32 s1, $0x4  }
0x8: {  	_ =	strace $0x8000004D;
	[dreg:$0x9] =	wrdreg s8;
	s21 =	ssub.s32 $0x2, s1  }
0x9: {  	s1 =	smul.u32 $0x6C000, s1;
	s6 =	sor.u32 s9, s5;
	s5 =	sadd.s32 $0x53C00, s2  }
0xa: {  	s22 =	sshrl.u32 s21, $0x1;
	s14 =	sshrl.u32 s26, $0x2;
	s7 =	smul.u32 $0x2780, s6  }
0xb: {  	s9 =	sshll.u32 s9, $0x6;
	s6 =	smul.u32 $0x6C00, s6;
	s1 =	sadd.s32 s23, s1  }
0xc: {  	s15 =	sadd.s32 $0xB00, s1;
	s17 =	sadd.s32 $0xA00, s1;
	s19 =	sadd.s32 $0x900, s1  }
0xd: {  	s2 =	sadd.s32 s7, s2;
	s6 =	sshrl.u32 s6, $0x3;
	s7 =	ssub.s32 s21, s22  }
0xe: {  	s16 =	sshrl.u32 s15, $0x3;
	s8 =	sshrl.u32 s17, $0x3;
	s20 =	sshrl.u32 s19, $0x3  }
0xf: {  	s21 =	sadd.s32 $0x800, s1;
	s22 =	sadd.s32 $0x700, s1;
	s1 =	sadd.s32 $0x600, s1  }
0x10: {  	s19 =	simm.s32 $0x200;
	s17 =	simm.s32 $0x80;
	s15 =	simm.s32 $0x5  }
0x11: {  	s10 =	sadd.s32 s5, s6;
	s6 =	sadd.s32 s14, s3;
	[dreg:$0x14] =	wrdreg s1  }
0x12: {  	s18 =	sadd.s32 s8, s5;
	s8 =	sshrl.u32 s21, $0x3;
	[dreg:$0xa] =	wrdreg s10  }
0x13: {  	s2 =	sadd.s32 $0x4C00, s2;
	s26 =	smax.u32 s7, $0x1;
	[dreg:$0x10] =	wrdreg s6  }
0x14: {  	s21 =	simm.s32 $0x400;
	s1 =	simm.s32 $0x3;
	[dreg:$0x5] =	wrdreg s18  }
0x15: {  	s7 =	simm.s32 $0xC;
	s14 =	simm.s32 $0x6;
	[dreg:$0x12] =	wrdreg s2  }
0x16: {  	s24 =	sadd.s32 $0x20, s10;
	s25 =	sadd.s32 $0x40, s10;
	[dreg:$0x13] =	wrdreg s26  }
0x17: {  	s11 =	sadd.s32 $0x60, s10;
	s12 =	sadd.s32 $0x80, s10;
	[dreg:$0xb] =	wrdreg s24  }
0x18: {  	s13 =	sadd.s32 $0xA0, s10;
	s6 =	sadd.s32 s16, s5;
	[dreg:$0xc] =	wrdreg s25  }
0x19: {  	s23 =	sadd.s32 s8, s5;
	s18 =	simm.s32 $0x100;
	[dreg:$0xd] =	wrdreg s11  }
0x1a: {  	s16 =	simm.s32 $0xD;
	s26 =	simm.s32 $0x600;
	[dreg:$0xe] =	wrdreg s12  }
0x1b: {  	s2 =	simm.s32 $0x6600;
	s10 =	simm.s32 $0x4;
	[dreg:$0xf] =	wrdreg s13  }
0x1c: {  	[dreg:$0x4] =	wrdreg s6;
	s6 =	sadd.s32 s20, s5;
	s24 =	sshrl.u32 s22, $0x3  }
0x1d: {  	s12 =	sor.u32 $0x1C0D, s9;
	[dreg:$0x7] =	wrdreg s23;
	s20 =	simm.s32 $0x300  }
0x1e: {  	s22 =	simm.s32 $0x500;
	s9 =	simm.s32 $0xA;
	s11 =	simm.s32 $0x9  }
0x1f: {  	s13 =	simm.s32 $0xB;
	s23 =	simm.s32 $0x580;
	[dreg:$0x6] =	wrdreg s6  }
0x20: {  	s25 =	sadd.s32 s24, s5;
	s24 =	simm.s32 $0x1;
	[dreg:$0x11] =	wrdreg s12  }
0x21: {  	s6 =	simm.s32 $0x8;
	[dreg:$0x8] =	wrdreg s25;
	s25 =	simm.s32 $0x60  }
.LBB2_1:
0x22: {  	[dreg:$0x15] =	wrdreg s31  }
0x23: {  	s8 =	rddreg [dreg:$0xa]  }
0x24: {  	[tilespmem:s4], [sflag:$0x1] =	stream.linear.gather [hbm4b:s8+s4], $0x100, $0x38;
	[tilespmem:$0x1CF00] =	vst v63  }
0x25: {  	s8 =	rddreg [dreg:$0xb]  }
0x26: {  	[tilespmem:s18], [sflag:$0x2] =	stream.linear.gather [hbm4b:s8+s4], $0x100, $0x38;
	[tilespmem:$0x1CF00] =	vst v63  }
0x27: {  	s8 =	rddreg [dreg:$0xc]  }
0x28: {  	[tilespmem:s19], [sflag:$0x3] =	stream.linear.gather [hbm4b:s8+s4], $0x100, $0x38;
	[tilespmem:$0x1CF00] =	vst v63  }
0x29: {  	s8 =	rddreg [dreg:$0xd]  }
0x2a: {  	[tilespmem:s20], [sflag:$0x4] =	stream.linear.gather [hbm4b:s8+s4], $0x100, $0x38;
	[tilespmem:$0x1CF00] =	vst v63  }
0x2b: {  	s8 =	rddreg [dreg:$0xe]  }
0x2c: {  	[tilespmem:s21], [sflag:$0x5] =	stream.linear.gather [hbm4b:s8+s4], $0x100, $0x38;
	[tilespmem:$0x1CF00] =	vst v63  }
0x2d: {  	s8 =	rddreg [dreg:$0xf]  }
0x2e: {  	[tilespmem:s22], [sflag:$0x6] =	stream.linear.gather [hbm4b:s8+s4], $0x100, $0x38;
	[tilespmem:$0x1CF00] =	vst v63  }
0x2f: {  	s8 =	rddreg [dreg:$0x10]  }
0x30: {  	s31 =	sshrl.u32 s8, $0x3;
	s8 =	rddreg [dreg:$0x9]  }
0x31: {  	[dreg:$0x16] =	wrdreg s31  }
0x32: {  	[spmem:s31], [sflag:s12] =	dma.local [hbm:s8], $0x2720  }
0x33: {  	_ =	swait.ge [sflag:s16], $0x2720  }
0x34: {  	[sflag:s16] =	ssyncset.done $0x0  }
0x35: {  	[sflag:s16] =	ssyncadd.s32 $0xFFFFD8E0  }
0x36: {  	[bflag:$0x0] =	sbarrier.arrive $0xFFFF  }
0x37: {  	_ =	swait.ge [sflag:s24], $0x100  }
0x38: {  	[sflag:s24] =	ssyncset.done $0x0  }
0x39: {  	[sflag:s24] =	ssyncadd.s32 $0xFFFFFF00  }
0x3a: {  	[tilespmem:s26], [sflag:$0x7] =	stream.indirect.gather [hbm4b:s0+s25], $0x80, s4, s25, $0xb8;
	[tilespmem:$0x1CF00] =	vst v63  }
0x3b: {  	_ =	swait.ge [sflag:s28], $0x100  }
0x3c: {  	[sflag:s28] =	ssyncset.done $0x0  }
0x3d: {  	[sflag:s28] =	ssyncadd.s32 $0xFFFFFF00  }
0x3e: {  	[tilespmem:s29], [sflag:$0x8] =	stream.indirect.gather [hbm4b:s0+s25], $0x80, s18, s25, $0xb8;
	[tilespmem:$0x1CF00] =	vst v63  }
0x3f: {  	_ =	swait.ge [sflag:s30], $0x3000  }
0x40: {  	[sflag:s30] =	ssyncset.done $0x0  }
0x41: {  	[sflag:s30] =	ssyncadd.s32 $0xFFFFD000  }
0x42: {  	[spmem:s3] =	stream.indirect.scatter.add.f32 [tilespmem:s26], [sflag:$0xA], $0x80, s17, s25, $0xb8;
	[tilespmem:$0x1CF00] =	vst v63  }
0x43: {  	_ =	swait.ge [sflag:s1], $0x100  }
0x44: {  	[sflag:s1] =	ssyncset.done $0x0  }
0x45: {  	[sflag:s1] =	ssyncadd.s32 $0xFFFFFF00  }
0x46: {  	[tilespmem:s2], [sflag:$0x9] =	stream.indirect.gather [hbm4b:s0+s25], $0x80, s19, s25, $0xb8;
	[tilespmem:$0x1CF00] =	vst v63  }
0x47: {  	_ =	swait.ge [sflag:s6], $0x3000  }
0x48: {  	[sflag:s6] =	ssyncset.done $0x0  }
0x49: {  	s16 =	simm.s32 $0x180;
	[sflag:s6] =	ssyncadd.s32 $0xFFFFD000  }
0x4a: {  	[spmem:s3] =	stream.indirect.scatter.add.f32 [tilespmem:s29], [sflag:$0xB], $0x80, s16, s25, $0xb8;
	[tilespmem:$0x1CF00] =	vst v63  }
0x4b: {  	_ =	swait.ge [sflag:s9], $0x3000  }
0x4c: {  	[sflag:s9] =	ssyncset.done $0x0  }
0x4d: {  	[sflag:s9] =	ssyncadd.s32 $0xFFFFD000  }
0x4e: {  	_ =	swait.ge [sflag:s10], $0x100  }
0x4f: {  	[sflag:s10] =	ssyncset.done $0x0;
	s16 =	rddreg [dreg:$0x14]  }
0x50: {  	[sflag:s10] =	ssyncadd.s32 $0xFFFFFF00;
	s12 =	sshrl.u32 s16, $0x3  }
0x51: {  	[tilespmem:s26], [sflag:$0x7] =	stream.indirect.gather [hbm4b:s0+s25], $0x80, s20, s25, $0xb8;
	[tilespmem:$0x1CF00] =	vst v63  }
0x52: {  	s8 =	sadd.s32 s5, s12  }
0x53: {  	[tilespmem:s4], [sflag:$0x1] =	stream.linear.gather [hbm4b:s8+s4], $0x100, $0x38;
	[tilespmem:$0x1CF00] =	vst v63  }
0x54: {  	_ =	swait.ge [sflag:s11], $0x3000  }
0x55: {  	[sflag:s11] =	ssyncset.done $0x0  }
0x56: {  	s12 =	simm.s32 $0x280;
	[sflag:s11] =	ssyncadd.s32 $0xFFFFD000  }
0x57: {  	[spmem:s3] =	stream.indirect.scatter.add.f32 [tilespmem:s2], [sflag:$0xC], $0x80, s12, s25, $0xb8;
	[tilespmem:$0x1CF00] =	vst v63  }
0x58: {  	_ =	swait.ge [sflag:s13], $0x3000  }
0x59: {  	[sflag:s13] =	ssyncset.done $0x0  }
0x5a: {  	[sflag:s13] =	ssyncadd.s32 $0xFFFFD000  }
0x5b: {  	_ =	swait.ge [sflag:s15], $0x100  }
0x5c: {  	[sflag:s15] =	ssyncset.done $0x0  }
0x5d: {  	s12 =	rddreg [dreg:$0x8];
	[sflag:s15] =	ssyncadd.s32 $0xFFFFFF00  }
0x5e: {  	[tilespmem:s29], [sflag:$0x8] =	stream.indirect.gather [hbm4b:s0+s25], $0x80, s21, s25, $0xb8;
	[tilespmem:$0x1CF00] =	vst v63  }
0x5f: {  	s8 =	sadd.s32 $0x0, s12  }
0x60: {  	[tilespmem:s18], [sflag:$0x2] =	stream.linear.gather [hbm4b:s8+s4], $0x100, $0x38;
	[tilespmem:$0x1CF00] =	vst v63  }
0x61: {  	_ =	swait.ge [sflag:s30], $0x3000  }
0x62: {  	[sflag:s30] =	ssyncset.done $0x0  }
0x63: {  	s12 =	simm.s32 $0x380;
	[sflag:s30] =	ssyncadd.s32 $0xFFFFD000  }
0x64: {  	[spmem:s3] =	stream.indirect.scatter.add.f32 [tilespmem:s26], [sflag:$0xA], $0x80, s12, s25, $0xb8;
	[tilespmem:$0x1CF00] =	vst v63  }
0x65: {  	_ =	swait.ge [sflag:s7], $0x3000  }
0x66: {  	[sflag:s7] =	ssyncset.done $0x0  }
0x67: {  	[sflag:s7] =	ssyncadd.s32 $0xFFFFD000  }
0x68: {  	_ =	swait.ge [sflag:s14], $0x100  }
0x69: {  	[sflag:s14] =	ssyncset.done $0x0  }
0x6a: {  	s12 =	rddreg [dreg:$0x7];
	[sflag:s14] =	ssyncadd.s32 $0xFFFFFF00  }
0x6b: {  	[tilespmem:s2], [sflag:$0x9] =	stream.indirect.gather [hbm4b:s0+s25], $0x80, s22, s25, $0xb8;
	[tilespmem:$0x1CF00] =	vst v63  }
0x6c: {  	s8 =	sadd.s32 $0x0, s12  }
0x6d: {  	[tilespmem:s19], [sflag:$0x3] =	stream.linear.gather [hbm4b:s8+s4], $0x100, $0x38;
	[tilespmem:$0x1CF00] =	vst v63  }
0x6e: {  	_ =	swait.ge [sflag:s6], $0x3000  }
0x6f: {  	[sflag:s6] =	ssyncset.done $0x0  }
0x70: {  	s12 =	simm.s32 $0x480;
	[sflag:s6] =	ssyncadd.s32 $0xFFFFD000  }
0x71: {  	[spmem:s3] =	stream.indirect.scatter.add.f32 [tilespmem:s29], [sflag:$0xB], $0x80, s12, s25, $0xb8;
	[tilespmem:$0x1CF00] =	vst v63  }
0x72: {  	_ =	swait.ge [sflag:s9], $0x3000  }
0x73: {  	[sflag:s9] =	ssyncset.done $0x0  }
0x74: {  	[sflag:s9] =	ssyncadd.s32 $0xFFFFD000  }
0x75: {  	_ =	swait.ge [sflag:s24], $0x100  }
0x76: {  	[sflag:s24] =	ssyncset.done $0x0  }
0x77: {  	s12 =	rddreg [dreg:$0x6];
	[sflag:s24] =	ssyncadd.s32 $0xFFFFFF00  }
0x78: {  	[tilespmem:s26], [sflag:$0x7] =	stream.indirect.gather [hbm4b:s0+s25], $0x80, s4, s25, $0xb8;
	[tilespmem:$0x1CF00] =	vst v63  }
0x79: {  	s8 =	sadd.s32 $0x0, s12  }
0x7a: {  	[tilespmem:s20], [sflag:$0x4] =	stream.linear.gather [hbm4b:s8+s4], $0x100, $0x38;
	[tilespmem:$0x1CF00] =	vst v63  }
0x7b: {  	_ =	swait.ge [sflag:s11], $0x3000  }
0x7c: {  	[sflag:s11] =	ssyncset.done $0x0  }
0x7d: {  	[sflag:s11] =	ssyncadd.s32 $0xFFFFD000  }
0x7e: {  	[spmem:s3] =	stream.indirect.scatter.add.f32 [tilespmem:s2], [sflag:$0xC], $0x80, s23, s25, $0xb8;
	[tilespmem:$0x1CF00] =	vst v63  }
0x7f: {  	_ =	swait.ge [sflag:s13], $0x3000  }
0x80: {  	[sflag:s13] =	ssyncset.done $0x0  }
0x81: {  	[sflag:s13] =	ssyncadd.s32 $0xFFFFD000  }
0x82: {  	_ =	swait.ge [sflag:s28], $0x100  }
0x83: {  	[sflag:s28] =	ssyncset.done $0x0  }
0x84: {  	s12 =	rddreg [dreg:$0x5];
	[sflag:s28] =	ssyncadd.s32 $0xFFFFFF00  }
0x85: {  	[tilespmem:s29], [sflag:$0x8] =	stream.indirect.gather [hbm4b:s0+s25], $0x80, s18, s25, $0xb8;
	[tilespmem:$0x1CF00] =	vst v63  }
0x86: {  	s8 =	sadd.s32 $0x0, s12  }
0x87: {  	[tilespmem:s21], [sflag:$0x5] =	stream.linear.gather [hbm4b:s8+s4], $0x100, $0x38;
	[tilespmem:$0x1CF00] =	vst v63  }
0x88: {  	_ =	swait.ge [sflag:s30], $0x3000  }
0x89: {  	[sflag:s30] =	ssyncset.done $0x0  }
0x8a: {  	[sflag:s30] =	ssyncadd.s32 $0xFFFFD000  }
0x8b: {  	[spmem:s3] =	stream.indirect.scatter.add.f32 [tilespmem:s26], [sflag:$0xA], $0x80, s17, s25, $0xb8;
	[tilespmem:$0x1CF00] =	vst v63  }
0x8c: {  	_ =	swait.ge [sflag:s7], $0x3000  }
0x8d: {  	[sflag:s7] =	ssyncset.done $0x0  }
0x8e: {  	[sflag:s7] =	ssyncadd.s32 $0xFFFFD000  }
0x8f: {  	s31 =	simm.s32 $0xC0;
	_ =	swait.ge [sflag:s1], $0x100  }
0x90: {  	s8 =	sadd.s32 $0x600, s16;
	[sflag:s1] =	ssyncset.done $0x0;
	s12 =	rddreg [dreg:$0x4]  }
0x91: {  	s17 =	simm.s32 $0x80;
	[sflag:s1] =	ssyncadd.s32 $0xFFFFFF00;
	s12 =	sadd.s32 $0x0, s12  }
0x92: {  	[tilespmem:s2], [sflag:$0x9] =	stream.indirect.gather [hbm4b:s0+s25], $0x80, s19, s25, $0xb8;
	[tilespmem:$0x1CF00] =	vst v63  }
.LBB2_2:
0x93: {  	[tilespmem:s22], [sflag:$0x6] =	stream.linear.gather [hbm4b:s12+s4], $0x100, $0x38;
	[tilespmem:$0x1CF00] =	vst v63  }
0x94: {  	_ =	swait.ge [sflag:s6], $0x3000  }
0x95: {  	[sflag:s6] =	ssyncset.done $0x0  }
0x96: {  	s16 =	simm.s32 $0x180;
	[sflag:s6] =	ssyncadd.s32 $0xFFFFD000  }
0x97: {  	[spmem:s3] =	stream.indirect.scatter.add.f32 [tilespmem:s29], [sflag:$0xB], $0x80, s16, s25, $0xb8;
	[tilespmem:$0x1CF00] =	vst v63  }
0x98: {  	_ =	swait.ge [sflag:s9], $0x3000  }
0x99: {  	[sflag:s9] =	ssyncset.done $0x0  }
0x9a: {  	[sflag:s9] =	ssyncadd.s32 $0xFFFFD000  }
0x9b: {  	_ =	swait.ge [sflag:s10], $0x100  }
0x9c: {  	[sflag:s10] =	ssyncset.done $0x0  }
0x9d: {  	s16 =	sshrl.u32 s8, $0x3;
	[sflag:s10] =	ssyncadd.s32 $0xFFFFFF00  }
0x9e: {  	[tilespmem:s26], [sflag:$0x7] =	stream.indirect.gather [hbm4b:s0+s25], $0x80, s20, s25, $0xb8;
	[tilespmem:$0x1CF00] =	vst v63  }
0x9f: {  	s16 =	sadd.s32 s5, s16  }
0xa0: {  	[tilespmem:s4], [sflag:$0x1] =	stream.linear.gather [hbm4b:s16+s4], $0x100, $0x38;
	[tilespmem:$0x1CF00] =	vst v63  }
0xa1: {  	_ =	swait.ge [sflag:s11], $0x3000  }
0xa2: {  	[sflag:s11] =	ssyncset.done $0x0  }
0xa3: {  	s16 =	simm.s32 $0x280;
	[sflag:s11] =	ssyncadd.s32 $0xFFFFD000  }
0xa4: {  	[spmem:s3] =	stream.indirect.scatter.add.f32 [tilespmem:s2], [sflag:$0xC], $0x80, s16, s25, $0xb8;
	[tilespmem:$0x1CF00] =	vst v63  }
0xa5: {  	_ =	swait.ge [sflag:s13], $0x3000  }
0xa6: {  	[sflag:s13] =	ssyncset.done $0x0  }
0xa7: {  	[sflag:s13] =	ssyncadd.s32 $0xFFFFD000  }
0xa8: {  	_ =	swait.ge [sflag:s15], $0x100  }
0xa9: {  	[sflag:s15] =	ssyncset.done $0x0  }
0xaa: {  	s12 =	smov.u32 s31;
	s16 =	rddreg [dreg:$0x8];
	[sflag:s15] =	ssyncadd.s32 $0xFFFFFF00  }
0xab: {  	[tilespmem:s29], [sflag:$0x8] =	stream.indirect.gather [hbm4b:s0+s25], $0x80, s21, s25, $0xb8;
	[tilespmem:$0x1CF00] =	vst v63  }
0xac: {  	s16 =	sadd.s32 s12, s16  }
0xad: {  	[tilespmem:s18], [sflag:$0x2] =	stream.linear.gather [hbm4b:s16+s4], $0x100, $0x38;
	[tilespmem:$0x1CF00] =	vst v63  }
0xae: {  	_ =	swait.ge [sflag:s30], $0x3000  }
0xaf: {  	[sflag:s30] =	ssyncset.done $0x0  }
0xb0: {  	s16 =	simm.s32 $0x380;
	[sflag:s30] =	ssyncadd.s32 $0xFFFFD000  }
0xb1: {  	[spmem:s3] =	stream.indirect.scatter.add.f32 [tilespmem:s26], [sflag:$0xA], $0x80, s16, s25, $0xb8;
	[tilespmem:$0x1CF00] =	vst v63  }
0xb2: {  	_ =	swait.ge [sflag:s7], $0x3000  }
0xb3: {  	[sflag:s7] =	ssyncset.done $0x0  }
0xb4: {  	[sflag:s7] =	ssyncadd.s32 $0xFFFFD000  }
0xb5: {  	_ =	swait.ge [sflag:s14], $0x100  }
0xb6: {  	[sflag:s14] =	ssyncset.done $0x0  }
0xb7: {  	s16 =	rddreg [dreg:$0x7];
	[sflag:s14] =	ssyncadd.s32 $0xFFFFFF00  }
0xb8: {  	[tilespmem:s2], [sflag:$0x9] =	stream.indirect.gather [hbm4b:s0+s25], $0x80, s22, s25, $0xb8;
	[tilespmem:$0x1CF00] =	vst v63  }
0xb9: {  	s16 =	sadd.s32 s12, s16  }
0xba: {  	[tilespmem:s19], [sflag:$0x3] =	stream.linear.gather [hbm4b:s16+s4], $0x100, $0x38;
	[tilespmem:$0x1CF00] =	vst v63  }
0xbb: {  	_ =	swait.ge [sflag:s6], $0x3000  }
0xbc: {  	[sflag:s6] =	ssyncset.done $0x0  }
0xbd: {  	s16 =	simm.s32 $0x480;
	[sflag:s6] =	ssyncadd.s32 $0xFFFFD000  }
0xbe: {  	[spmem:s3] =	stream.indirect.scatter.add.f32 [tilespmem:s29], [sflag:$0xB], $0x80, s16, s25, $0xb8;
	[tilespmem:$0x1CF00] =	vst v63  }
0xbf: {  	_ =	swait.ge [sflag:s9], $0x3000  }
0xc0: {  	[sflag:s9] =	ssyncset.done $0x0  }
0xc1: {  	[sflag:s9] =	ssyncadd.s32 $0xFFFFD000  }
0xc2: {  	_ =	swait.ge [sflag:s24], $0x100  }
0xc3: {  	[sflag:s24] =	ssyncset.done $0x0  }
0xc4: {  	s16 =	rddreg [dreg:$0x6];
	[sflag:s24] =	ssyncadd.s32 $0xFFFFFF00  }
0xc5: {  	[tilespmem:s26], [sflag:$0x7] =	stream.indirect.gather [hbm4b:s0+s25], $0x80, s4, s25, $0xb8;
	[tilespmem:$0x1CF00] =	vst v63  }
0xc6: {  	s16 =	sadd.s32 s12, s16  }
0xc7: {  	[tilespmem:s20], [sflag:$0x4] =	stream.linear.gather [hbm4b:s16+s4], $0x100, $0x38;
	[tilespmem:$0x1CF00] =	vst v63  }
0xc8: {  	_ =	swait.ge [sflag:s11], $0x3000  }
0xc9: {  	[sflag:s11] =	ssyncset.done $0x0  }
0xca: {  	[sflag:s11] =	ssyncadd.s32 $0xFFFFD000  }
0xcb: {  	[spmem:s3] =	stream.indirect.scatter.add.f32 [tilespmem:s2], [sflag:$0xC], $0x80, s23, s25, $0xb8;
	[tilespmem:$0x1CF00] =	vst v63  }
0xcc: {  	_ =	swait.ge [sflag:s13], $0x3000  }
0xcd: {  	[sflag:s13] =	ssyncset.done $0x0  }
0xce: {  	[sflag:s13] =	ssyncadd.s32 $0xFFFFD000  }
0xcf: {  	_ =	swait.ge [sflag:s28], $0x100  }
0xd0: {  	[sflag:s28] =	ssyncset.done $0x0  }
0xd1: {  	s16 =	rddreg [dreg:$0x5];
	[sflag:s28] =	ssyncadd.s32 $0xFFFFFF00  }
0xd2: {  	[tilespmem:s29], [sflag:$0x8] =	stream.indirect.gather [hbm4b:s0+s25], $0x80, s18, s25, $0xb8;
	[tilespmem:$0x1CF00] =	vst v63  }
0xd3: {  	s16 =	sadd.s32 s12, s16  }
0xd4: {  	[tilespmem:s21], [sflag:$0x5] =	stream.linear.gather [hbm4b:s16+s4], $0x100, $0x38;
	[tilespmem:$0x1CF00] =	vst v63  }
0xd5: {  	_ =	swait.ge [sflag:s30], $0x3000  }
0xd6: {  	[sflag:s30] =	ssyncset.done $0x0  }
0xd7: {  	[sflag:s30] =	ssyncadd.s32 $0xFFFFD000  }
0xd8: {  	[spmem:s3] =	stream.indirect.scatter.add.f32 [tilespmem:s26], [sflag:$0xA], $0x80, s17, s25, $0xb8;
	[tilespmem:$0x1CF00] =	vst v63  }
0xd9: {  	_ =	swait.ge [sflag:s7], $0x3000  }
0xda: {  	p0 =	sne.s32 s31, $0xC00;
	[sflag:s7] =	ssyncset.done $0x0  }
.Ltmp0:
0xdb: {  	[sflag:s7] =	ssyncadd.s32 $0xFFFFD000;
	(pc) =	sbr.rel @p0 .LBB2_2-.Ltmp0, $4  }
0xdc: {  	_ =	swait.ge [sflag:s1], $0x100  }
0xdd: {  	s31 =	sadd.s32 $0xC0, s31;
	[sflag:s1] =	ssyncset.done $0x0;
	s16 =	rddreg [dreg:$0x4]  }
0xde: {  	s8 =	sadd.s32 $0x600, s8;
	[sflag:s1] =	ssyncadd.s32 $0xFFFFFF00;
	s12 =	sadd.s32 s12, s16  }
0xdf: {  	[tilespmem:s2], [sflag:$0x9] =	stream.indirect.gather [hbm4b:s0+s25], $0x80, s19, s25, $0xb8;
	[tilespmem:$0x1CF00] =	vst v63  }
0xe0: {  	[tilespmem:s22], [sflag:$0x6] =	stream.linear.gather [hbm4b:s12+s4], $0x100, $0x38;
	[tilespmem:$0x1CF00] =	vst v63  }
0xe1: {  	_ =	swait.ge [sflag:s6], $0x3000  }
0xe2: {  	[sflag:s6] =	ssyncset.done $0x0  }
0xe3: {  	s8 =	simm.s32 $0x180;
	[sflag:s6] =	ssyncadd.s32 $0xFFFFD000  }
0xe4: {  	[spmem:s3] =	stream.indirect.scatter.add.f32 [tilespmem:s29], [sflag:$0xB], $0x80, s8, s25, $0xb8;
	[tilespmem:$0x1CF00] =	vst v63  }
0xe5: {  	_ =	swait.ge [sflag:s9], $0x3000  }
0xe6: {  	[sflag:s9] =	ssyncset.done $0x0  }
0xe7: {  	[sflag:s9] =	ssyncadd.s32 $0xFFFFD000  }
0xe8: {  	_ =	swait.ge [sflag:s10], $0x100  }
0xe9: {  	[sflag:s10] =	ssyncset.done $0x0  }
0xea: {  	[sflag:s10] =	ssyncadd.s32 $0xFFFFFF00  }
0xeb: {  	[tilespmem:s26], [sflag:$0x7] =	stream.indirect.gather [hbm4b:s0+s25], $0x80, s20, s25, $0xb8;
	[tilespmem:$0x1CF00] =	vst v63  }
0xec: {  	_ =	swait.ge [sflag:s11], $0x3000  }
0xed: {  	[sflag:s11] =	ssyncset.done $0x0  }
0xee: {  	s17 =	simm.s32 $0x280;
	[sflag:s11] =	ssyncadd.s32 $0xFFFFD000  }
0xef: {  	[spmem:s3] =	stream.indirect.scatter.add.f32 [tilespmem:s2], [sflag:$0xC], $0x80, s17, s25, $0xb8;
	[tilespmem:$0x1CF00] =	vst v63  }
0xf0: {  	_ =	swait.ge [sflag:s13], $0x3000  }
0xf1: {  	[sflag:s13] =	ssyncset.done $0x0  }
0xf2: {  	[sflag:s13] =	ssyncadd.s32 $0xFFFFD000  }
0xf3: {  	_ =	swait.ge [sflag:s15], $0x100  }
0xf4: {  	[sflag:s15] =	ssyncset.done $0x0  }
0xf5: {  	[sflag:s15] =	ssyncadd.s32 $0xFFFFFF00  }
0xf6: {  	[tilespmem:s29], [sflag:$0x8] =	stream.indirect.gather [hbm4b:s0+s25], $0x80, s21, s25, $0xb8;
	[tilespmem:$0x1CF00] =	vst v63  }
0xf7: {  	_ =	swait.ge [sflag:s30], $0x3000  }
0xf8: {  	[sflag:s30] =	ssyncset.done $0x0  }
0xf9: {  	s12 =	simm.s32 $0x380;
	[sflag:s30] =	ssyncadd.s32 $0xFFFFD000  }
0xfa: {  	[spmem:s3] =	stream.indirect.scatter.add.f32 [tilespmem:s26], [sflag:$0xA], $0x80, s12, s25, $0xb8;
	[tilespmem:$0x1CF00] =	vst v63  }
0xfb: {  	_ =	swait.ge [sflag:s7], $0x3000  }
0xfc: {  	[sflag:s7] =	ssyncset.done $0x0  }
0xfd: {  	[sflag:s7] =	ssyncadd.s32 $0xFFFFD000  }
0xfe: {  	_ =	swait.ge [sflag:s14], $0x100  }
0xff: {  	[sflag:s14] =	ssyncset.done $0x0  }
0x100: {  	[sflag:s14] =	ssyncadd.s32 $0xFFFFFF00  }
0x101: {  	[tilespmem:s2], [sflag:$0x9] =	stream.indirect.gather [hbm4b:s0+s25], $0x80, s22, s25, $0xb8;
	[tilespmem:$0x1CF00] =	vst v63  }
0x102: {  	_ =	swait.ge [sflag:s6], $0x3000  }
0x103: {  	[sflag:s6] =	ssyncset.done $0x0  }
0x104: {  	s16 =	simm.s32 $0x480;
	[sflag:s6] =	ssyncadd.s32 $0xFFFFD000  }
0x105: {  	[spmem:s3] =	stream.indirect.scatter.add.f32 [tilespmem:s29], [sflag:$0xB], $0x80, s16, s25, $0xb8;
	[tilespmem:$0x1CF00] =	vst v63  }
0x106: {  	_ =	swait.ge [sflag:s9], $0x3000  }
0x107: {  	[sflag:s9] =	ssyncset.done $0x0  }
0x108: {  	[sflag:s9] =	ssyncadd.s32 $0xFFFFD000  }
0x109: {  	[tilespmem:s26], [sflag:$0x7] =	stream.indirect.gather [hbm4b:s0+s25], $0x80, s4, s25, $0xb8;
	[tilespmem:$0x1CF00] =	vst v63  }
0x10a: {  	_ =	swait.ge [sflag:s11], $0x3000  }
0x10b: {  	[sflag:s11] =	ssyncset.done $0x0  }
0x10c: {  	[sflag:s11] =	ssyncadd.s32 $0xFFFFD000  }
0x10d: {  	[spmem:s3] =	stream.indirect.scatter.add.f32 [tilespmem:s2], [sflag:$0xC], $0x80, s23, s25, $0xb8;
	[tilespmem:$0x1CF00] =	vst v63  }
0x10e: {  	_ =	swait.ge [sflag:s13], $0x3000  }
0x10f: {  	[sflag:s13] =	ssyncset.done $0x0  }
0x110: {  	[sflag:s13] =	ssyncadd.s32 $0xFFFFD000  }
0x111: {  	[tilespmem:s29], [sflag:$0x8] =	stream.indirect.gather [hbm4b:s0+s25], $0x80, s18, s25, $0xb8;
	[tilespmem:$0x1CF00] =	vst v63  }
0x112: {  	_ =	swait.ge [sflag:s30], $0x3000  }
0x113: {  	[sflag:s30] =	ssyncset.done $0x0  }
0x114: {  	[sflag:s30] =	ssyncadd.s32 $0xFFFFD000  }
0x115: {  	_ =	swait.ge [sflag:s6], $0x3000  }
0x116: {  	[sflag:s6] =	ssyncset.done $0x0  }
0x117: {  	[sflag:s6] =	ssyncadd.s32 $0xFFFFD000  }
0x118: {  	_ =	swait.ge [sflag:s7], $0x3000  }
0x119: {  	[sflag:s7] =	ssyncset.done $0x0  }
0x11a: {  	[sflag:s7] =	ssyncadd.s32 $0xFFFFD000  }
0x11b: {  	[bflag:$0x0] =	sbarrier.arrive $0xFFFF  }
0x11c: {  	s12 =	rddreg [dreg:$0x11]  }
0x11d: {  	s17 =	rddreg [dreg:$0x12]  }
0x11e: {  	s16 =	rddreg [dreg:$0x16]  }
0x11f: {  	[hbm:s17], [sflag:s12] =	dma.local [spmem:s16], $0x2720  }
0x120: {  	s16 =	simm.s32 $0xD  }
0x121: {  	_ =	swait.ge [sflag:s16], $0x2720  }
0x122: {  	s31 =	rddreg [dreg:$0x15]  }
0x123: {  	s17 =	rddreg [dreg:$0x13];
	s31 =	sadd.s32 $0x1, s31  }
0x124: {  	p0 =	sne.s32 s31, s17  }
.Ltmp1:
0x125: {  	_ = 	snop;
	(pc) =	sbr.rel @p0 .LBB2_1-.Ltmp1, $3  }
0x126: {  	_ =	sdelay $0x1  }
0x127: {  	[sflag:s16] =	ssyncset.done $0x0  }
0x128: {  	[sflag:s16] =	ssyncadd.s32 $0xFFFFD8E0;
	s17 =	simm.s32 $0x80  }
0x129: {  	_ =	sfence.sel $0x180000  }
0x12a: {  	[bflag:$0x0] =	sbarrier.arrive $0xFFFF  }
0x12b: {  	_ =	strace $0x9000004D  }
0x12c: {  	s0 =	stileid.u32;
	[bflag:$0x2] =	sbarrier.arrive $0xFFFF  }
0x12d: {  	p0 =	sne.s32 s0, $0x0;
	s0 =	rddreg [dreg:$0x3]  }
0x12e: {  	s0 =	sadd.s32 @!p0 $0x100000, s0  }
0x12f: {  	[sflag:s0] =	ssyncadd.tile.s32 @!p0 $0x1;
	_ =	shalt  }
.Lfunc_end2:
_tile_overlayer_lowered:
.L_overlay_start_2:
0x130: {  	(tag) =	ssettag $0x2  }
0x131: {  	s0 =	rddreg [dreg:$0x0];
	s2 =	stileid.u32  }
0x132: {  	s1 =	rddreg [dreg:$0x1];
	p0 =	sne.s32 s2, $0x0  }
0x133: {  	s3 =	rddreg [dreg:$0x2];
	[bflag:$0x3] =	sbarrier.arrive $0xFFFF;
	s2 =	simm.s32 @!p0 $0x1C0D  }
0x134: {  	[timem:s3], [sflag:s2] =	dma.local @!p0 [hbm:s0], s1  }
0x135: {  	s0 =	simm.s32 @!p0 $0xD  }
0x136: {  	_ =	swait.ge @!p0 [sflag:s0], s1  }
0x137: {  	s1 =	ssub.s32 @!p0 $0x0, s1;
	[sflag:s0] =	ssyncset.done @!p0 $0x0  }
0x138: {  	[sflag:s0] =	ssyncadd.s32 @!p0 s1  }
0x139: {  	[bflag:$0x3] =	sbarrier.arrive $0xFFFF  }
0x13a: {  	_ =	shalt  }

// kernel: kernel.8.cloned.1.call-start
scs
__scs_entry_jumppad:
0x0: {  	(pc) =	sbr.rel $0x88, $3  }
0x1: {  	(tag) =	ssettag $0x0;
	lr =	simm.s32 $0x1  }
0x2: {  	[smem:$0x3F9B] =	sst lr;
	_ =	strace $0xD0000000  }
0x3: {  	_ = 	snop  }
0x4: {  	_ = 	snop  }
0x5: {  	_ = 	snop  }
0x6: {  	_ = 	snop  }
0x7: {  	_ = 	snop  }
__scs_overlays_trampoline_lowered:
0x8: {  	[smem:$0x3FAA] =	sst s0  }
0x9: {  	[smem:$0x3FAB] =	sst s1  }
0xa: {  	[smem:$0x3FAC] =	sst s2  }
0xb: {  	[smem:$0x3FAD] =	sst s3  }
0xc: {  	[smem:$0x3FAE] =	sst s4  }
0xd: {  	[smem:$0x3FAF] =	sst s5  }
0xe: {  	[smem:$0x3FB0] =	sst s6  }
0xf: {  	[smem:$0x3FB1] =	sst s7  }
0x10: {  	[smem:$0x3FB2] =	sst s8  }
0x11: {  	[smem:$0x3FB3] =	sst s9;
	s0 =	simm.s32 @!p0 $0x0  }
0x12: {  	s1 =	sld [smem:$0x3F99];
	s0 =	simm.s32 @p0 $0x1  }
0x13: {  	[smem:$0x3FB4] =	sst s0;
	s0 =	simm.s32 @!p1 $0x0  }
0x14: {  	s2 =	sld [smem:$0x3F98];
	s0 =	simm.s32 @p1 $0x1  }
0x15: {  	[smem:$0x3FB5] =	sst s0;
	s0 =	simm.s32 @!p2 $0x0  }
0x16: {  	s3 =	sld [smem:$0x3FDB];
	s0 =	simm.s32 @p2 $0x1  }
0x17: {  	s4 =	simm.s32 $0x1BF5;
	[smem:$0x3FB7] =	sst s0  }
0x18: {  	s0 =	sld [smem:$0x3F9A];
	_ =	swait.ge [sflag:s4], $0x0  }
0x19: {  	s7 =	sld [smem:$0x3F9B]  }
0x1a: {  	s8 =	sadd.s32 $0xFFFFE003, lr  }
0x1b: {  	s9 =	sadd.s32 $0xFFFFFEF7, lr;
	s5 =	simm.s32 $0xFFFFFFFF;
	p2 =	slt.u32 s8, $0xFFFFF086  }
0x1c: {  	p1 =	slt.u32 s9, $0xF7A;
	s5 =	simm.s32 @!p2 $0x0  }
0x1d: {  	s5 =	simm.s32 @p1 $0x1;
	p0 =	seq.s32 s7, s2  }
0x1e: {  	s7 =	smul.u32 @!p0 $0xF7A, s2;
	p2 =	seq.s32 @!p0 s5, $0x0  }
0x1f: {  	s9 =	smul.u32 $0xF7A, s1;
	s8 =	simm.s32 @!p0 $0x1BF5;
	p2 =	por !p2, p0  }
0x20: {  	[sflag:s8] =	ssyncset.s32 @!p0 $0xFFFFF086;
	s6 =	sadd.s32 @!p0 s3, s7;
	s7 =	simm.s32 @!p0 $0x108  }
0x21: {  	s3 =	sadd.s32 s3, s9;
	s6 =	sadd.s32 @!p0 $0x88, s6;
	s7 =	simm.s32 @p2 $0x1082  }
0x22: {  	[simem:s7], [sflag:s8] =	dma.local @!p0 [hbm:s6], $0xF7A  }
0x23: {  	s9 =	sor.u32 $0xD0000000, s2;
	s6 =	simm.s32 $0x108;
	_ =	swait.ge @!p0 [sflag:s8], $0x0  }
0x24: {  	s3 =	sadd.s32 $0x88, s3;
	s6 =	simm.s32 @!p1 $0x1082;
	[sflag:s4] =	ssyncset.s32 $0xFFFFF086  }
0x25: {  	[simem:s6], [sflag:s4] =	dma.local [hbm:s3], $0xF7A  }
0x26: {  	[smem:$0x3F9B] =	sst s1;
	(tag) =	ssettag s2;
	_ =	strace s9  }
0x27: {  	s1 =	sld [smem:$0x3FAB]  }
0x28: {  	s2 =	sld [smem:$0x3FAC]  }
0x29: {  	s4 =	sld [smem:$0x3FAE]  }
0x2a: {  	p0 =	seq.s32 s5, $0x0;
	s5 =	sld [smem:$0x3FAF]  }
0x2b: {  	s6 =	sld [smem:$0x3FB0]  }
0x2c: {  	s7 =	sld [smem:$0x3FB1]  }
0x2d: {  	s3 =	simm.s32 $0x108;
	s8 =	sld [smem:$0x3FB2]  }
0x2e: {  	s3 =	simm.s32 @!p0 $0x1082;
	s9 =	sld [smem:$0x3FB3]  }
0x2f: {  	lr =	sadd.s32 s0, s3;
	s0 =	sld [smem:$0x3FAA]  }
0x30: {  	s3 =	sld [smem:$0x3FAD]  }
0x31: {  	[smem:$0x3FB6] =	sst s10  }
0x32: {  	s10 =	sld [smem:$0x3FB4];
	_ =	sdelay $0x3  }
0x33: {  	p0 =	seq.s32 s10, $0x1;
	s10 =	sld [smem:$0x3FB6];
	_ =	sdelay $0x3  }
0x34: {  	[smem:$0x3FB6] =	sst s10  }
0x35: {  	s10 =	sld [smem:$0x3FB5];
	_ =	sdelay $0x3  }
0x36: {  	p1 =	seq.s32 s10, $0x1;
	s10 =	sld [smem:$0x3FB6];
	_ =	sdelay $0x3  }
0x37: {  	[smem:$0x3FB6] =	sst s10  }
0x38: {  	s10 =	sld [smem:$0x3FB7]  }
0x39: {  	_ = 	snop;
	(pc) =	sbr.ind lr, $3  }
0x3a: {  	_ = 	snop  }
0x3b: {  	_ = 	snop  }
0x3c: {  	p2 =	seq.s32 s10, $0x1;
	s10 =	sld [smem:$0x3FB6]  }
0x3d: {  	_ =	shalt  }
0x3e: {  	_ =	shalt  }
0x3f: {  	_ =	shalt  }
0x40: {  	_ =	shalt  }
0x41: {  	_ =	shalt  }
0x42: {  	_ =	shalt  }
0x43: {  	_ =	shalt  }
0x44: {  	_ =	shalt  }
0x45: {  	_ =	shalt  }
0x46: {  	_ =	shalt  }
0x47: {  	_ =	shalt  }
0x48: {  	_ =	shalt  }
0x49: {  	_ =	shalt  }
0x4a: {  	_ =	shalt  }
0x4b: {  	_ =	shalt  }
0x4c: {  	_ =	shalt  }
0x4d: {  	_ =	shalt  }
0x4e: {  	_ =	shalt  }
0x4f: {  	_ =	shalt  }
0x50: {  	_ =	shalt  }
0x51: {  	_ =	shalt  }
0x52: {  	_ =	shalt  }
0x53: {  	_ =	shalt  }
0x54: {  	_ =	shalt  }
0x55: {  	_ =	shalt  }
0x56: {  	_ =	shalt  }
0x57: {  	_ =	shalt  }
0x58: {  	_ =	shalt  }
0x59: {  	_ =	shalt  }
0x5a: {  	_ =	shalt  }
0x5b: {  	_ =	shalt  }
0x5c: {  	_ =	shalt  }
0x5d: {  	_ =	shalt  }
0x5e: {  	_ =	shalt  }
0x5f: {  	_ =	shalt  }
0x60: {  	_ =	shalt  }
0x61: {  	_ =	shalt  }
0x62: {  	_ =	shalt  }
0x63: {  	_ =	shalt  }
0x64: {  	_ =	shalt  }
0x65: {  	_ =	shalt  }
0x66: {  	_ =	shalt  }
0x67: {  	_ =	shalt  }
0x68: {  	_ =	shalt  }
0x69: {  	_ =	shalt  }
0x6a: {  	_ =	shalt  }
0x6b: {  	_ =	shalt  }
0x6c: {  	_ =	shalt  }
0x6d: {  	_ =	shalt  }
0x6e: {  	_ =	shalt  }
0x6f: {  	_ =	shalt  }
0x70: {  	_ =	shalt  }
0x71: {  	_ =	shalt  }
0x72: {  	_ =	shalt  }
0x73: {  	_ =	shalt  }
0x74: {  	_ =	shalt  }
0x75: {  	_ =	shalt  }
0x76: {  	_ =	shalt  }
0x77: {  	_ =	shalt  }
0x78: {  	_ =	shalt  }
0x79: {  	_ =	shalt  }
0x7a: {  	_ =	shalt  }
0x7b: {  	_ =	shalt  }
0x7c: {  	_ =	shalt  }
0x7d: {  	_ =	shalt  }
0x7e: {  	_ =	shalt  }
0x7f: {  	_ =	shalt  }
0x80: {  	_ =	shalt  }
0x81: {  	_ =	shalt  }
0x82: {  	_ =	shalt  }
0x83: {  	_ =	shalt  }
0x84: {  	_ =	shalt  }
0x85: {  	_ =	shalt  }
0x86: {  	_ =	shalt  }
0x87: {  	_ =	shalt  }
.Lfunc_end0:
.L_simem_size_0:
called_computation_lowered:
.L_overlay_start_0:
0x88: {  	s2 =	sld [smem:$0x3FD9]  }
0x89: {  	s3 =	sld [smem:$0x3FFE];
	_ =	sdelay $0x1  }
0x8a: {  	s1 =	srdreg.scid  }
0x8b: {  	s0 =	sand.u32 $0x1, s1  }
0x8c: {  	s17 =	sshll.u32 s0, $0xA;
	s2 =	sadd.s32 s3, s2  }
0x8d: {  	s2 =	sadd.s32 s2, s17  }
0x8e: {  	[smem:$0x3FC2] =	sst s2  }
0x8f: {  	_ = 	snop  }
0x90: {  	s2 =	sld [smem:$0x3FD0];
	(tm) =	ssettm $0x1  }
0x91: {  	s18 =	sld [smem:$0x3FFB];
	_ =	sdelay $0x3  }
0x92: {  	_ =	strace s18  }
0x93: {  	s3 =	sld [smem:$0x3FFC];
	_ =	sdelay $0x3  }
0x94: {  	_ =	strace s3  }
0x95: {  	s3 =	sld [smem:$0x3FFD];
	_ =	sdelay $0x3  }
0x96: {  	_ =	strace s3  }
0x97: {  	_ =	strace $0x8FFFFFFF  }
0x98: {  	s19 =	sld [smem:$0x3FDB];
	_ =	sdelay $0x1  }
0x99: {  	s4 =	simm.s32 $_scs_section_size  }
0x9a: {  	s5 =	simm.s32 $_size__tile_overlayer_lowered;
	s6 =	simm.s32 $_tile_overlayer_lowered  }
0x9b: {  	s22 =	simm.s32 $0x1BFF;
	s21 =	sshll.u32 s6, $0x1;
	s3 =	sadd.s32 s4, s19  }
0x9c: {  	s7 =	simm.s32 $0x0;
	s20 =	sshll.u32 s5, $0x1;
	s5 =	sadd.s32 s21, s3  }
0x9d: {  	[timem:s7], [sflag:s22] =	dma.local [hbm:s5], s20  }
0x9e: {  	_ =	swait.ge [sflag:s22], s20  }
0x9f: {  	s4 =	ssub.s32 $0x0, s20;
	[sflag:s22] =	ssyncset.done $0x0  }
0xa0: {  	[sflag:s22] =	ssyncadd.s32 s4;
	_ =	sdelay $0x1  }
0xa1: {  	s23 =	simm.s32 $0x1B8B  }
0xa2: {  	_ =	swait.ge [sflag:s23], $0x1  }
0xa3: {  	[sflag:s23] =	ssyncset.done $0x0  }
0xa4: {  	s25 =	simm.s32 $0x1B8E;
	s24 =	sld [smem:$0x3FFE];
	[sflag:s23] =	ssyncadd.s32 $0xFFFFFFFF  }
0xa5: {  	s26 =	simm.s32 $execute0_lowered;
	[smem:$0x3FD2] =	sst s25  }
0xa6: {  	s5 =	sshll.u32 s26, $0x1;
	_ =	strace $0x80000046;
	[dreg:$0x1] =	wrdreg $0xFFFFFFFF  }
0xa7: {  	s28 =	simm.s32 $_size_execute0_lowered;
	s3 =	sadd.s32 s3, s5;
	[dreg:$0x0] =	wrdreg $0x0  }
0xa8: {  	s5 =	sshll.u32 s28, $0x1;
	[dreg:$0x2] =	wrdreg s3  }
0xa9: {  	[dreg:$0x3] =	wrdreg s5  }
0xaa: {  	[dreg:$0x4] =	wrdreg $0xC0  }
0xab: {  	_ =	task [dreg:s7], $0x5FFFF  }
0xac: {  	[dreg:$0x1] =	wrdreg $0xFFFFFFFF  }
0xad: {  	[dreg:$0x0] =	wrdreg $0x60  }
0xae: {  	[dreg:$0x2] =	wrdreg s2  }
0xaf: {  	[dreg:$0x3] =	wrdreg s24  }
0xb0: {  	[dreg:$0x4] =	wrdreg $0x68000  }
0xb1: {  	[dreg:$0x5] =	wrdreg $0x9  }
0xb2: {  	_ =	task.clear_ibuf [dreg:s7], $0x6FFFF;
	_ =	strace $0x90000046  }
0xb3: {  	s29 =	simm.s32 $0x9;
	_ =	strace $0x80000048  }
0xb4: {  	_ =	swait.ge [sflag:s29], $0x1  }
0xb5: {  	[sflag:s29] =	ssyncadd.s32 $0xFFFFFFFF  }
0xb6: {  	_ =	strace $0x90000048  }
0xb7: {  	_ =	sfence  }
0xb8: {  	s30 =	sld [smem:$0x0];
	_ =	sdelay $0x2  }
0xb9: {  	s31 =	sshll.u32 s1, $0xD;
	s1 =	sshrl.u32 s1, $0x2  }
0xba: {  	s3 =	sand.u32 $0x4000, s31;
	s1 =	sadd.s32 s1, s30  }
0xbb: {  	s0 =	sor.u32 s3, s0;
	s1 =	sshll.u32 s1, $0x11  }
0xbc: {  	s0 =	sor.u32 s1, s0  }
0xbd: {  	s0 =	sadd.s32 $0x8F2B, s0  }
0xbe: {  	[sflag:s0] =	ssyncadd.remote.s32 $0x1  }
0xbf: {  	_ =	sfence.sel $0xFFFF  }
0xc0: {  	[dreg:$0x0] =	wrdreg $0xFFFFFFFF;
	(pc) =	sbr.abs _section_cstart, $3  }
0xc1: {  	[dreg:$0x1] =	wrdreg $0xFFFFFFFF  }
0xc2: {  	_ =	task.clear_ibuf [dreg:s7], $0x2FFFF;
	_ =	strace $0x9FFFFFFF  }
0xc3: {  	(tm) =	ssettm $0x7FFFFFFF  }
tec
execute0_lowered:
.L_overlay_start_1:
0x0: {  	(tag) =	ssettag $0x1  }
0x1: {  	s6 =	rddreg [dreg:$0x0]  }
0x2: {  	s7 =	rddreg [dreg:$0x1]  }
0x3: {  	s1 =	rddreg [dreg:$0x2];
	s2 =	srdreg.scid  }
0x4: {  	s0 =	rddreg [dreg:$0x3];
	s3 =	simm.s32 $0x0;
	s13 =	simm.s32 $0x60  }
0x5: {  	s14 =	simm.s32 $0x80;
	s15 =	simm.s32 $0x100;
	s16 =	simm.s32 $0x180  }
0x6: {  	s17 =	simm.s32 $0x1;
	s18 =	simm.s32 $0x2;
	s19 =	simm.s32 $0x3  }
0x7: {  	s20 =	simm.s32 $0x4;
	s21 =	simm.s32 $0x0;
	s5 =	sand.u32 $0x1, s2  }
0x8: {  	s2 =	stileid.u32;
	[smem:$0x7FF] =	sst s3;
	s4 =	sshll.u32 s5, $0x4  }
0x9: {  	_ =	strace $0x80000047;
	s10 =	ssub.s32 $0x2, s5;
	s11 =	smul.u32 $0x4E400, s2  }
0xa: {  	s5 =	sadd.s32 $0x2400, s7;
	s31 =	sshll.u32 s2, $0x6;
	s8 =	sor.u32 s2, s4  }
0xb: {  	s4 =	sadd.s32 $0x1E00, s7;
	s12 =	sshrl.u32 s10, $0x1;
	s9 =	smul.u32 $0x2780, s8  }
0xc: {  	s8 =	smul.u32 $0x700, s8;
	s28 =	ssub.s32 s10, s12;
	s29 =	sshrl.u32 s11, $0x2  }
0xd: {  	s10 =	simm.s32 $0x3800;
	s11 =	sor.u32 $0x1C05, s31;
	s30 =	sadd.s32 s29, s1  }
0xe: {  	s7 =	sadd.s32 s9, s7;
	s6 =	sadd.s32 s6, s8;
	s8 =	smax.u32 s28, $0x1  }
0xf: {  	s9 =	simm.s32 $0x5;
	s12 =	sshrl.u32 s30, $0x3;
	s7 =	sadd.s32 $0x4C00, s7  }
.LBB2_1:
0x10: {  	[tilespmem:s3], [sflag:$0x5] =	stream.linear.gather [hbm4b:s6+s3], $0x3600, $0x38;
	[tilespmem:$0x1A100] =	vst v63  }
0x11: {  	_ =	swait.ge [sflag:s9], $0x3600  }
0x12: {  	[sflag:s9] =	ssyncset.done $0x0  }
0x13: {  	[sflag:s9] =	ssyncadd.s32 $0xFFFFCA00  }
0x14: {  	[tilespmem:s10], [sflag:$0x5] =	stream.linear.gather [hbm4b:s4+s3], $0x3000, $0x38;
	[tilespmem:$0x1A100] =	vst v63  }
0x15: {  	_ =	swait.ge [sflag:s9], $0x3000  }
0x16: {  	[sflag:s9] =	ssyncset.done $0x0  }
0x17: {  	[sflag:s9] =	ssyncadd.s32 $0xFFFFD000  }
0x18: {  	[spmem:s12], [sflag:s11] =	dma.local [hbm:s5], $0x2720  }
0x19: {  	_ =	swait.ge [sflag:s9], $0x2720  }
0x1a: {  	[sflag:s9] =	ssyncset.done $0x0  }
0x1b: {  	[sflag:s9] =	ssyncadd.s32 $0xFFFFD8E0  }
0x1c: {  	[bflag:$0x0] =	sbarrier.arrive $0xFFFF  }
0x1d: {  	[spmem:s1] =	stream.indirect.scatter.add.f32 [tilespmem:s10], [sflag:$0x1], $0x80, s3, s13, $0xb8;
	[tilespmem:$0x1A100] =	vst v63  }
0x1e: {  	_ = 	snop  }
0x1f: {  	[spmem:s1] =	stream.indirect.scatter.add.f32 [tilespmem:s10], [sflag:$0x2], $0x80, s14, s13, $0xb8;
	[tilespmem:$0x1A100] =	vst v63  }
0x20: {  	_ = 	snop  }
0x21: {  	[spmem:s1] =	stream.indirect.scatter.add.f32 [tilespmem:s10], [sflag:$0x3], $0x80, s15, s13, $0xb8;
	[tilespmem:$0x1A100] =	vst v63  }
0x22: {  	_ = 	snop  }
0x23: {  	[spmem:s1] =	stream.indirect.scatter.add.f32 [tilespmem:s10], [sflag:$0x4], $0x80, s16, s13, $0xb8;
	[tilespmem:$0x1A100] =	vst v63  }
0x24: {  	_ =	swait.ge [sflag:s17], $0x3000  }
0x25: {  	[sflag:s17] =	ssyncset.done $0x0  }
0x26: {  	s22 =	simm.s32 $0x200;
	[sflag:s17] =	ssyncadd.s32 $0xFFFFD000  }
0x27: {  	[spmem:s1] =	stream.indirect.scatter.add.f32 [tilespmem:s10], [sflag:$0x1], $0x80, s22, s13, $0xb8;
	[tilespmem:$0x1A100] =	vst v63  }
0x28: {  	_ =	swait.ge [sflag:s18], $0x3000  }
0x29: {  	[sflag:s18] =	ssyncset.done $0x0  }
0x2a: {  	s30 =	simm.s32 $0x280;
	[sflag:s18] =	ssyncadd.s32 $0xFFFFD000  }
0x2b: {  	[spmem:s1] =	stream.indirect.scatter.add.f32 [tilespmem:s10], [sflag:$0x2], $0x80, s30, s13, $0xb8;
	[tilespmem:$0x1A100] =	vst v63  }
0x2c: {  	_ =	swait.ge [sflag:s19], $0x3000  }
0x2d: {  	[sflag:s19] =	ssyncset.done $0x0  }
0x2e: {  	s31 =	simm.s32 $0x300;
	[sflag:s19] =	ssyncadd.s32 $0xFFFFD000  }
0x2f: {  	[spmem:s1] =	stream.indirect.scatter.add.f32 [tilespmem:s10], [sflag:$0x3], $0x80, s31, s13, $0xb8;
	[tilespmem:$0x1A100] =	vst v63  }
0x30: {  	_ =	swait.ge [sflag:s20], $0x3000  }
0x31: {  	[sflag:s20] =	ssyncset.done $0x0  }
0x32: {  	s23 =	simm.s32 $0x380;
	s22 =	simm.s32 $0xFFFF3800;
	[sflag:s20] =	ssyncadd.s32 $0xFFFFD000  }
.LBB2_2:
0x33: {  	[spmem:s1] =	stream.indirect.scatter.add.f32 [tilespmem:s10], [sflag:$0x4], $0x80, s23, s13, $0xb8;
	[tilespmem:$0x1A100] =	vst v63  }
0x34: {  	s23 =	smov.u32 s22  }
0x35: {  	p0 =	sne.s32 s22, $0xFFFFF800;
	s22 =	sadd.s32 $0x800, s22;
	_ =	swait.ge [sflag:s17], $0x3000  }
0x36: {  	s23 =	sshra.s32 s23, $0x2;
	[sflag:s17] =	ssyncset.done $0x0  }
0x37: {  	s24 =	sadd.s32 $0x3600, s23;
	[sflag:s17] =	ssyncadd.s32 $0xFFFFD000  }
0x38: {  	[spmem:s1] =	stream.indirect.scatter.add.f32 [tilespmem:s10], [sflag:$0x1], $0x80, s24, s13, $0xb8;
	[tilespmem:$0x1A100] =	vst v63  }
0x39: {  	_ =	swait.ge [sflag:s18], $0x3000  }
0x3a: {  	[sflag:s18] =	ssyncset.done $0x0  }
0x3b: {  	s24 =	sadd.s32 $0x3680, s23;
	[sflag:s18] =	ssyncadd.s32 $0xFFFFD000  }
0x3c: {  	[spmem:s1] =	stream.indirect.scatter.add.f32 [tilespmem:s10], [sflag:$0x2], $0x80, s24, s13, $0xb8;
	[tilespmem:$0x1A100] =	vst v63  }
0x3d: {  	_ =	swait.ge [sflag:s19], $0x3000  }
0x3e: {  	[sflag:s19] =	ssyncset.done $0x0  }
.Ltmp0:
0x3f: {  	s24 =	sadd.s32 $0x3700, s23;
	[sflag:s19] =	ssyncadd.s32 $0xFFFFD000;
	(pc) =	sbr.rel @p0 .LBB2_2-.Ltmp0, $4  }
0x40: {  	[spmem:s1] =	stream.indirect.scatter.add.f32 [tilespmem:s10], [sflag:$0x3], $0x80, s24, s13, $0xb8;
	[tilespmem:$0x1A100] =	vst v63  }
0x41: {  	_ =	swait.ge [sflag:s20], $0x3000  }
0x42: {  	[sflag:s20] =	ssyncset.done $0x0  }
0x43: {  	s23 =	sadd.s32 $0x3780, s23;
	[sflag:s20] =	ssyncadd.s32 $0xFFFFD000  }
0x44: {  	[spmem:s1] =	stream.indirect.scatter.add.f32 [tilespmem:s10], [sflag:$0x4], $0x80, s23, s13, $0xb8;
	[tilespmem:$0x1A100] =	vst v63  }
0x45: {  	_ =	swait.ge [sflag:s17], $0x3000  }
0x46: {  	[sflag:s17] =	ssyncset.done $0x0  }
0x47: {  	[sflag:s17] =	ssyncadd.s32 $0xFFFFD000  }
0x48: {  	_ =	swait.ge [sflag:s18], $0x3000  }
0x49: {  	[sflag:s18] =	ssyncset.done $0x0  }
0x4a: {  	[sflag:s18] =	ssyncadd.s32 $0xFFFFD000  }
0x4b: {  	_ =	swait.ge [sflag:s19], $0x3000  }
0x4c: {  	[sflag:s19] =	ssyncset.done $0x0  }
0x4d: {  	[sflag:s19] =	ssyncadd.s32 $0xFFFFD000  }
0x4e: {  	_ =	swait.ge [sflag:s20], $0x3000  }
0x4f: {  	s21 =	sadd.s32 $0x1, s21;
	[sflag:s20] =	ssyncset.done $0x0  }
0x50: {  	p0 =	sne.s32 s21, s8;
	[sflag:s20] =	ssyncadd.s32 $0xFFFFD000  }
.Ltmp1:
0x51: {  	[bflag:$0x0] =	sbarrier.arrive $0xFFFF;
	(pc) =	sbr.rel @p0 .LBB2_1-.Ltmp1, $4  }
0x52: {  	[hbm:s7], [sflag:s11] =	dma.local [spmem:s12], $0x2720  }
0x53: {  	_ =	swait.ge [sflag:s9], $0x2720  }
0x54: {  	[sflag:s9] =	ssyncset.done $0x0  }
0x55: {  	[sflag:s9] =	ssyncadd.s32 $0xFFFFD8E0  }
0x56: {  	_ =	sfence.sel $0x180000  }
0x57: {  	[bflag:$0x0] =	sbarrier.arrive $0xFFFF  }
0x58: {  	p0 =	sne.s32 s2, $0x0;
	_ =	strace $0x90000047  }
0x59: {  	s0 =	sadd.s32 @!p0 $0x100000, s0;
	[bflag:$0x2] =	sbarrier.arrive $0xFFFF  }
0x5a: {  	[sflag:s0] =	ssyncadd.tile.s32 @!p0 $0x1;
	_ =	shalt  }
.Lfunc_end2:
_tile_overlayer_lowered:
.L_overlay_start_2:
0x5b: {  	(tag) =	ssettag $0x2  }
0x5c: {  	s0 =	rddreg [dreg:$0x0];
	s2 =	stileid.u32  }
0x5d: {  	s1 =	rddreg [dreg:$0x1];
	p0 =	sne.s32 s2, $0x0  }
0x5e: {  	s3 =	rddreg [dreg:$0x2];
	[bflag:$0x3] =	sbarrier.arrive $0xFFFF;
	s2 =	simm.s32 @!p0 $0x1C05  }
0x5f: {  	[timem:s3], [sflag:s2] =	dma.local @!p0 [hbm:s0], s1  }
0x60: {  	s0 =	simm.s32 @!p0 $0x5  }
0x61: {  	_ =	swait.ge @!p0 [sflag:s0], s1  }
0x62: {  	s1 =	ssub.s32 @!p0 $0x0, s1;
	[sflag:s0] =	ssyncset.done @!p0 $0x0  }
0x63: {  	[sflag:s0] =	ssyncadd.s32 @!p0 s1  }
0x64: {  	[bflag:$0x3] =	sbarrier.arrive $0xFFFF  }
0x65: {  	_ =	shalt  }

</sc_bundles>
